<compile_context>
chip_gen: v7x
topology: tpu7x:2x2x1
jax: 0.10.2.dev20260603
libtpu: 0.0.44.dev20260713+nightly
codegen_flags: <defaults>
</compile_context>

<pallas_src>
import jax
import jax.numpy as jnp
from jax import lax
from jax.experimental import pallas as pl
from jax.experimental.pallas import tpu as pltpu
from jax.experimental.pallas import tpu_sc as plsc

N = 10000
E = 320000
D_IN = 128
D_H1 = 256
D_OUT = 128

_LANES = 16
_NTILES = 16
_CH = 128
_CPT = 160
_NCHUNK = _CPT * _NTILES
_EPAD = _NCHUNK * _CH
_NPAD = N + 8
_WB = 632
_WB_LAST = N - 15 * _WB

_mesh = plsc.VectorSubcoreMesh(core_axis_name="c", subcore_axis_name="s")


def _tile_spans(s):
    cbase = pl.multiple_of(_CPT * s, 8)
    rbase = pl.multiple_of(_WB * s, 8)
    return cbase, rbase


def _deg_body(z1d, w2d, row_d2d, col_d2d, dego, degi, acc, wv, iv, zb):
    c = lax.axis_index("c")
    s = lax.axis_index("s")
    cbase, rbase = _tile_spans(s)
    last = s == _NTILES - 1

    @pl.when(~last)
    def _():
        pltpu.sync_copy(z1d.at[pl.ds(rbase, _WB)], zb)
        pltpu.sync_copy(zb, acc.at[pl.ds(rbase, _WB)])

    @pl.when(last)
    def _():
        pltpu.sync_copy(z1d.at[pl.ds(rbase, _WB_LAST)], zb.at[pl.ds(0, _WB_LAST)])
        pltpu.sync_copy(zb.at[pl.ds(0, _WB_LAST)], acc.at[pl.ds(rbase, _WB_LAST)])

    def run(idx2d, out):
        pltpu.sync_copy(w2d.at[pl.ds(cbase, _CPT)], wv)
        pltpu.sync_copy(idx2d.at[pl.ds(cbase, _CPT)], iv)
        plsc.subcore_barrier()

        def body(i, _):
            pltpu.sync_copy(wv.at[i], acc.at[iv.at[i]], add=True)
            return 0

        lax.fori_loop(0, _CPT, body, 0)
        plsc.subcore_barrier()

        @pl.when(~last)
        def _():
            pltpu.sync_copy(acc.at[pl.ds(rbase, _WB)], zb)
            pltpu.sync_copy(zb, out.at[pl.ds(rbase, _WB)])

        @pl.when(last)
        def _():
            pltpu.sync_copy(acc.at[pl.ds(rbase, _WB_LAST)], zb.at[pl.ds(0, _WB_LAST)])
            pltpu.sync_copy(zb.at[pl.ds(0, _WB_LAST)], out.at[pl.ds(rbase, _WB_LAST)])

    @pl.when(c == 0)
    def _():
        run(row_d2d, dego)

    @pl.when(c == 1)
    def _():
        run(col_d2d, degi)


_deg_call = pl.kernel(
    _deg_body,
    out_type=[
        jax.ShapeDtypeStruct((N,), jnp.float32),
        jax.ShapeDtypeStruct((N,), jnp.float32),
    ],
    mesh=_mesh,
    scratch_types=[
        pltpu.VMEM_SHARED((_NPAD,), jnp.float32),
        pltpu.VMEM((_CPT, _CH), jnp.float32),
        pltpu.VMEM((_CPT, _CH), jnp.int32),
        pltpu.VMEM((_WB,), jnp.float32),
    ],
)


_GRP = 32


def _seg_body(z2d, t1, t2, src2d, dst2d, o1, o2, acc, sidx, didx, rows0, rows1,
              gsem0, gsem1):
    c = lax.axis_index("c")
    s = lax.axis_index("s")
    cbase, rbase = _tile_spans(s)
    last = s == _NTILES - 1

    @pl.when(~last)
    def _():
        pltpu.sync_copy(z2d.at[pl.ds(rbase, _WB)], acc.at[pl.ds(rbase, _WB)])

    @pl.when(last)
    def _():
        pltpu.sync_copy(z2d.at[pl.ds(rbase, _WB_LAST)],
                        acc.at[pl.ds(rbase, _WB_LAST)])

    def run(tab, out):
        plsc.subcore_barrier()

        def outer(g, _):
            off = pl.multiple_of(cbase + g * _GRP, 8)
            pltpu.sync_copy(src2d.at[pl.ds(off, _GRP)], sidx)
            pltpu.sync_copy(dst2d.at[pl.ds(off, _GRP)], didx)
            pltpu.async_copy(tab.at[sidx.at[0]], rows0, gsem0)

            def pair(k, _):
                i0 = 2 * k
                pltpu.async_copy(tab.at[sidx.at[i0 + 1]], rows1, gsem1)
                pltpu.make_async_copy(tab.at[sidx.at[i0]], rows0, gsem0).wait()
                pltpu.sync_copy(rows0, acc.at[didx.at[i0]], add=True)

                @pl.when(k < _GRP // 2 - 1)
                def _():
                    pltpu.async_copy(tab.at[sidx.at[i0 + 2]], rows0, gsem0)

                pltpu.make_async_copy(tab.at[sidx.at[i0 + 1]], rows1, gsem1).wait()
                pltpu.sync_copy(rows1, acc.at[didx.at[i0 + 1]], add=True)
                return 0

            lax.fori_loop(0, _GRP // 2, pair, 0)
            return 0

        lax.fori_loop(0, _CPT // _GRP, outer, 0)
        plsc.subcore_barrier()

        @pl.when(~last)
        def _():
            pltpu.sync_copy(acc.at[pl.ds(rbase, _WB)], out.at[pl.ds(rbase, _WB)])

        @pl.when(last)
        def _():
            pltpu.sync_copy(acc.at[pl.ds(rbase, _WB_LAST)],
                            out.at[pl.ds(rbase, _WB_LAST)])

    @pl.when(c == 0)
    def _():
        run(t1, o1)

    @pl.when(c == 1)
    def _():
        run(t2, o2)


_seg_call = pl.kernel(
    _seg_body,
    out_type=[
        jax.ShapeDtypeStruct((N, D_OUT), jnp.float32),
        jax.ShapeDtypeStruct((N, D_OUT), jnp.float32),
    ],
    mesh=_mesh,
    scratch_types=[
        pltpu.VMEM_SHARED((_NPAD, D_OUT), jnp.float32),
        pltpu.VMEM((_GRP, _CH), jnp.int32),
        pltpu.VMEM((_GRP, _CH), jnp.int32),
        pltpu.VMEM((_CH, D_OUT), jnp.float32),
        pltpu.VMEM((_CH, D_OUT), jnp.float32),
        pltpu.SemaphoreType.DMA,
        pltpu.SemaphoreType.DMA,
    ],
)


_RB = 1000


def _pre_body(x, dego, f0w, f0b, wo, wi, bc, p1, p2, q1, q2, base):
    xf = jnp.maximum(
        jnp.dot(x[...], f0w[...], preferred_element_type=jnp.float32, precision=lax.Precision.HIGHEST) + f0b[...], 0.0)
    xs = xf * (1.0 / dego[...])
    p = jnp.dot(xs, wo[...], preferred_element_type=jnp.float32, precision=lax.Precision.HIGHEST)
    q = jnp.dot(xf, wi[...], preferred_element_type=jnp.float32, precision=lax.Precision.HIGHEST)
    p1[...] = p[:, :D_OUT]
    p2[...] = p[:, D_OUT:]
    q1[...] = q[:, :D_OUT]
    q2[...] = q[:, D_OUT:]
    base[...] = jnp.dot(xf, bc[...], preferred_element_type=jnp.float32, precision=lax.Precision.HIGHEST)


_pre_call = pl.pallas_call(
    _pre_body,
    grid=(N // _RB,),
    in_specs=[
        pl.BlockSpec((_RB, D_IN), lambda i: (i, 0)),
        pl.BlockSpec((_RB, 1), lambda i: (i, 0)),
        pl.BlockSpec((D_IN, D_H1), lambda i: (0, 0)),
        pl.BlockSpec((1, D_H1), lambda i: (0, 0)),
        pl.BlockSpec((D_H1, D_H1), lambda i: (0, 0)),
        pl.BlockSpec((D_H1, D_H1), lambda i: (0, 0)),
        pl.BlockSpec((D_H1, D_H1), lambda i: (0, 0)),
    ],
    out_specs=[
        pl.BlockSpec((_RB, D_OUT), lambda i: (i, 0)),
        pl.BlockSpec((_RB, D_OUT), lambda i: (i, 0)),
        pl.BlockSpec((_RB, D_OUT), lambda i: (i, 0)),
        pl.BlockSpec((_RB, D_OUT), lambda i: (i, 0)),
        pl.BlockSpec((_RB, D_H1), lambda i: (i, 0)),
    ],
    out_shape=[
        jax.ShapeDtypeStruct((N, D_OUT), jnp.float32),
        jax.ShapeDtypeStruct((N, D_OUT), jnp.float32),
        jax.ShapeDtypeStruct((N, D_OUT), jnp.float32),
        jax.ShapeDtypeStruct((N, D_OUT), jnp.float32),
        jax.ShapeDtypeStruct((N, D_H1), jnp.float32),
    ],
)


def _post_body(base, ao1, ao2, ai1, ai2, degi, bz, bh, fcw, h_ref, o_ref):
    invdi = 1.0 / degi[...]
    zpre = base[:, :D_OUT] + ao1[...] + invdi * ai1[...] + bz[...]
    hpre = base[:, D_OUT:] + ao2[...] + invdi * ai2[...] + bh[...]
    z = jax.nn.sigmoid(zpre)
    ht = jnp.tanh(hpre)
    h = (1.0 - z) * ht
    h_ref[...] = h
    o_ref[...] = jnp.sum(jnp.maximum(h, 0.0) * fcw[...], axis=1, keepdims=True)


_post_call = pl.pallas_call(
    _post_body,
    grid=(N // _RB,),
    in_specs=[
        pl.BlockSpec((_RB, D_H1), lambda i: (i, 0)),
        pl.BlockSpec((_RB, D_OUT), lambda i: (i, 0)),
        pl.BlockSpec((_RB, D_OUT), lambda i: (i, 0)),
        pl.BlockSpec((_RB, D_OUT), lambda i: (i, 0)),
        pl.BlockSpec((_RB, D_OUT), lambda i: (i, 0)),
        pl.BlockSpec((_RB, 1), lambda i: (i, 0)),
        pl.BlockSpec((1, D_OUT), lambda i: (0, 0)),
        pl.BlockSpec((1, D_OUT), lambda i: (0, 0)),
        pl.BlockSpec((1, D_OUT), lambda i: (0, 0)),
    ],
    out_specs=[
        pl.BlockSpec((_RB, D_OUT), lambda i: (i, 0)),
        pl.BlockSpec((_RB, 1), lambda i: (i, 0)),
    ],
    out_shape=[
        jax.ShapeDtypeStruct((N, D_OUT), jnp.float32),
        jax.ShapeDtypeStruct((N, 1), jnp.float32),
    ],
)


def kernel(x, edge_index, edge_weight, fc0_W, fc0_b, Wz, bz, Wr, br, Wh, bh, fc_W, fc_b):
    pad0 = jnp.zeros((_EPAD - E,), jnp.int32)
    padn = jnp.full((_EPAD - E,), N, jnp.int32)
    row_s = jnp.concatenate([edge_index[0], pad0]).reshape(_NCHUNK, _CH)
    row_d = jnp.concatenate([edge_index[0], padn]).reshape(_NCHUNK, _CH)
    col_s = jnp.concatenate([edge_index[1], pad0]).reshape(_NCHUNK, _CH)
    col_d = jnp.concatenate([edge_index[1], padn]).reshape(_NCHUNK, _CH)
    w2d = jnp.concatenate(
        [edge_weight, jnp.zeros((_EPAD - E,), jnp.float32)]).reshape(_NCHUNK, _CH)

    wo = jnp.concatenate([Wz[0, 1][:D_H1], Wh[0, 1][:D_H1]], axis=1)
    wi = jnp.concatenate([Wz[1, 1][:D_H1], Wh[1, 1][:D_H1]], axis=1)
    bc = jnp.concatenate([Wz[0, 0][:D_H1] + Wz[1, 0][:D_H1],
                          Wh[0, 0][:D_H1] + Wh[1, 0][:D_H1]], axis=1)

    zeros1d = jnp.zeros((N,), jnp.float32)
    zeros2d = jnp.zeros((N, D_OUT), jnp.float32)
    deg_out, deg_in = _deg_call(zeros1d, w2d, row_d, col_d)

    p1, p2, q1, q2, base = _pre_call(
        x, deg_out.reshape(N, 1), fc0_W, fc0_b.reshape(1, D_H1), wo, wi, bc)

    ao1, ao2 = _seg_call(zeros2d, p1, p2, row_s, col_d)
    ai1, ai2 = _seg_call(zeros2d, q1, q2, col_s, row_d)

    h, o = _post_call(base, ao1, ao2, ai1, ai2, deg_in.reshape(N, 1),
                      bz.reshape(1, D_OUT), bh.reshape(1, D_OUT),
                      fc_W.reshape(1, D_OUT))
    out = o[:, 0] + fc_b[0]
    return out, h

# --- scband reference (transcript-rebuilt; emitter-appended) ---
"""Pipeline reference for scband-recurrent-dcrnn-54202487275560 (READ-ONLY COPY).

The authoritative reference and input builder live on the scoring server;
editing this copy changes nothing except your own understanding.
"""

import jax, jax.numpy as jnp
import numpy as np

N = 10000
E = 320000
D_IN = 128
D_H1 = 256
D_OUT = 128
D_CAT = D_H1 + D_OUT


def setup_inputs(seed: int = 0):
    key = jax.random.key(seed)
    ks = jax.random.split(key, 16)
    x = jax.random.normal(ks[0], (N, D_IN), dtype=jnp.float32)
    edge_index = jax.random.randint(ks[1], (2, E), 0, N, dtype=jnp.int32)
    edge_weight = jax.random.uniform(ks[2], (E,), dtype=jnp.float32)
    fc0_W = jax.random.normal(ks[3], (D_IN, D_H1), dtype=jnp.float32) * (1.0 / np.sqrt(D_IN))
    fc0_b = jnp.zeros((D_H1,), dtype=jnp.float32)
    Wz = jax.random.normal(ks[4], (2, 2, D_CAT, D_OUT), dtype=jnp.float32) * (1.0 / np.sqrt(D_CAT))
    bz = jnp.zeros((D_OUT,), dtype=jnp.float32)
    Wr = jax.random.normal(ks[5], (2, 2, D_CAT, D_OUT), dtype=jnp.float32) * (1.0 / np.sqrt(D_CAT))
    br = jnp.zeros((D_OUT,), dtype=jnp.float32)
    Wh = jax.random.normal(ks[6], (2, 2, D_CAT, D_OUT), dtype=jnp.float32) * (1.0 / np.sqrt(D_CAT))
    bh = jnp.zeros((D_OUT,), dtype=jnp.float32)
    fc_W = jax.random.normal(ks[7], (D_OUT, 1), dtype=jnp.float32) * (1.0 / np.sqrt(D_OUT))
    fc_b = jnp.zeros((1,), dtype=jnp.float32)
    return {"x": x, "edge_index": edge_index, "edge_weight": edge_weight,
            "fc0_W": fc0_W, "fc0_b": fc0_b, "Wz": Wz, "bz": bz,
            "Wr": Wr, "br": br, "Wh": Wh, "bh": bh,
            "fc_W": fc_W, "fc_b": fc_b}


def _dconv(X, row, col, norm_out, norm_in, W, b):
    # DConv with K=2: identity term (both directions) + one diffusion step each direction.
    H = X @ W[0, 0] + X @ W[1, 0]
    # out-direction: messages from row -> aggregated at col, scaled by 1/deg_out[row]
    Tx1_o = jax.ops.segment_sum(norm_out[:, None] * X[row], col, num_segments=N)
    # in-direction: flipped edges, messages from col -> aggregated at row, scaled by 1/deg_in[row]
    Tx1_i = jax.ops.segment_sum(norm_in[:, None] * X[col], row, num_segments=N)
    H = H + Tx1_o @ W[0, 1] + Tx1_i @ W[1, 1]
    return H + b


def reference(x, edge_index, edge_weight, fc0_W, fc0_b, Wz, bz, Wr, br, Wh, bh, fc_W, fc_b):
    row = edge_index[0]
    col = edge_index[1]
    deg_out = jax.ops.segment_sum(edge_weight, row, num_segments=N)
    deg_in = jax.ops.segment_sum(edge_weight, col, num_segments=N)
    norm_out = (1.0 / deg_out)[row]
    norm_in = (1.0 / deg_in)[row]
    Xf = jax.nn.relu(x @ fc0_W + fc0_b)
    H0 = jnp.zeros((Xf.shape[0], D_OUT), dtype=Xf.dtype)
    XH = jnp.concatenate([Xf, H0], axis=1)
    Z = jax.nn.sigmoid(_dconv(XH, row, col, norm_out, norm_in, Wz, bz))
    R = jax.nn.sigmoid(_dconv(XH, row, col, norm_out, norm_in, Wr, br))
    XRH = jnp.concatenate([Xf, R * H0], axis=1)
    H_tilde = jnp.tanh(_dconv(XRH, row, col, norm_out, norm_in, Wh, bh))
    H = Z * H0 + (1.0 - Z) * H_tilde
    out = (jax.nn.relu(H) @ fc_W + fc_b).squeeze()
    return (out, H)

if __name__ == "__main__":
    import jax
    _d = setup_inputs()
    print(jax.jit(kernel)(*tuple(_d.values())))

</pallas_src>

<mosaic_0001>
#map = affine_map<(d0, d1) -> (0, 0)>
module attributes {stable_mosaic.version = 14 : i64} {
  func.func @_seg_body(%arg0: i32, %arg1: i32, %arg2: memref<10000x128xf32, #tpu.memory_space<hbm>>, %arg3: memref<10000x128xf32, #tpu.memory_space<hbm>>, %arg4: memref<10000x128xf32, #tpu.memory_space<hbm>>, %arg5: memref<2560x128xi32, #tpu.memory_space<hbm>>, %arg6: memref<2560x128xi32, #tpu.memory_space<hbm>>, %arg7: memref<10000x128xf32, #tpu.memory_space<hbm>>, %arg8: memref<10000x128xf32, #tpu.memory_space<hbm>>, %arg9: memref<10008x128xf32, #tpu.memory_space<vmem_shared>>, %arg10: memref<32x128xi32, #tpu.memory_space<vmem>>, %arg11: memref<32x128xi32, #tpu.memory_space<vmem>>, %arg12: memref<128x128xf32, #tpu.memory_space<vmem>>, %arg13: memref<128x128xf32, #tpu.memory_space<vmem>>, %arg14: memref<!tpu.dma_semaphore, #tpu.memory_space<semaphore_mem>>, %arg15: memref<!tpu.dma_semaphore, #tpu.memory_space<semaphore_mem>>) attributes {dimension_semantics = [#tpu.dimension_semantics<core_parallel>, #tpu.dimension_semantics<subcore_parallel>], iteration_bounds = array<i64: 2, 16>, scalar_prefetch = 0 : i64, scratch_operands = 7 : i64, tpu.core_type = #tpu.core_type<sc_vector_subcore>, window_params = [{transform_indices = #map}, {transform_indices = #map}, {transform_indices = #map}, {transform_indices = #map}, {transform_indices = #map}, {transform_indices = #map}, {transform_indices = #map}]} {
    %mul3A = arith.constant 160 : i32
    %mul3A_0 = arith.muli %mul3A, %arg1 : i32
    %multiple_of3A = tpu.assume_multiple %mul3A_0, 8 : i32
    %mul3A_1 = arith.constant 632 : i32
    %mul3A_2 = arith.muli %mul3A_1, %arg1 : i32
    %multiple_of3A_3 = tpu.assume_multiple %mul3A_2, 8 : i32
    %eq3A = arith.constant 15 : i32
    %eq3A_4 = arith.cmpi eq, %arg1, %eq3A : i32
    %not3A = arith.constant true
    %not3A_5 = arith.xori %eq3A_4, %not3A : i1
    %convert_element_type3A = arith.extui %not3A_5 : i1 to i32
    %cond3A = arith.constant 0 : i32
    %cond3A_6 = arith.cmpi ne, %convert_element_type3A, %cond3A : i32
    scf.if %cond3A_6 {
      "tpu.region"() ({
        %run_scoped3A = tpu.sem_alloc : memref<!tpu.dma_semaphore, #tpu.memory_space<semaphore_mem>>
        %dma_start3A = arith.constant 0 : i32
        %dma_start3A_20 = tpu.memref_slice %arg9[%multiple_of3A_3, %dma_start3A] : memref<10008x128xf32, #tpu.memory_space<vmem_shared>> -> memref<632x128xf32, #tpu.memory_space<vmem_shared>>
        %dma_start3A_21 = arith.constant 0 : i32
        %dma_start3A_22 = tpu.memref_slice %arg2[%multiple_of3A_3, %dma_start3A_21] : memref<10000x128xf32, #tpu.memory_space<hbm>> -> memref<632x128xf32, #tpu.memory_space<hbm>>
        tpu.enqueue_dma source(%dma_start3A_22 : memref<632x128xf32, #tpu.memory_space<hbm>>) target(%dma_start3A_20 : memref<632x128xf32, #tpu.memory_space<vmem_shared>>) target_semaphore(%run_scoped3A : memref<!tpu.dma_semaphore, #tpu.memory_space<semaphore_mem>>)
        %dma_wait3A = arith.constant 0 : i32
        %dma_wait3A_23 = tpu.memref_slice %arg9[%multiple_of3A_3, %dma_wait3A] : memref<10008x128xf32, #tpu.memory_space<vmem_shared>> -> memref<632x128xf32, #tpu.memory_space<vmem_shared>>
        %dma_wait3A_24 = arith.constant 0 : i32
        %dma_wait3A_25 = tpu.memref_slice %arg2[%multiple_of3A_3, %dma_wait3A_24] : memref<10000x128xf32, #tpu.memory_space<hbm>> -> memref<632x128xf32, #tpu.memory_space<hbm>>
        tpu.wait_dma2 semaphore(%run_scoped3A : memref<!tpu.dma_semaphore, #tpu.memory_space<semaphore_mem>>) src(%dma_wait3A_25 : memref<632x128xf32, #tpu.memory_space<hbm>>) dst(%dma_wait3A_23 : memref<632x128xf32, #tpu.memory_space<vmem_shared>>)
        tpu.yield
      }) : () -> ()
    } else {
    }
    %convert_element_type3A_7 = arith.extui %eq3A_4 : i1 to i32
    %cond3A_8 = arith.constant 0 : i32
    %cond3A_9 = arith.cmpi ne, %convert_element_type3A_7, %cond3A_8 : i32
    scf.if %cond3A_9 {
      "tpu.region"() ({
        %run_scoped3A = tpu.sem_alloc : memref<!tpu.dma_semaphore, #tpu.memory_space<semaphore_mem>>
        %dma_start3A = arith.constant 0 : i32
        %dma_start3A_20 = tpu.memref_slice %arg9[%multiple_of3A_3, %dma_start3A] : memref<10008x128xf32, #tpu.memory_space<vmem_shared>> -> memref<520x128xf32, #tpu.memory_space<vmem_shared>>
        %dma_start3A_21 = arith.constant 0 : i32
        %dma_start3A_22 = tpu.memref_slice %arg2[%multiple_of3A_3, %dma_start3A_21] : memref<10000x128xf32, #tpu.memory_space<hbm>> -> memref<520x128xf32, #tpu.memory_space<hbm>>
        tpu.enqueue_dma source(%dma_start3A_22 : memref<520x128xf32, #tpu.memory_space<hbm>>) target(%dma_start3A_20 : memref<520x128xf32, #tpu.memory_space<vmem_shared>>) target_semaphore(%run_scoped3A : memref<!tpu.dma_semaphore, #tpu.memory_space<semaphore_mem>>)
        %dma_wait3A = arith.constant 0 : i32
        %dma_wait3A_23 = tpu.memref_slice %arg9[%multiple_of3A_3, %dma_wait3A] : memref<10008x128xf32, #tpu.memory_space<vmem_shared>> -> memref<520x128xf32, #tpu.memory_space<vmem_shared>>
        %dma_wait3A_24 = arith.constant 0 : i32
        %dma_wait3A_25 = tpu.memref_slice %arg2[%multiple_of3A_3, %dma_wait3A_24] : memref<10000x128xf32, #tpu.memory_space<hbm>> -> memref<520x128xf32, #tpu.memory_space<hbm>>
        tpu.wait_dma2 semaphore(%run_scoped3A : memref<!tpu.dma_semaphore, #tpu.memory_space<semaphore_mem>>) src(%dma_wait3A_25 : memref<520x128xf32, #tpu.memory_space<hbm>>) dst(%dma_wait3A_23 : memref<520x128xf32, #tpu.memory_space<vmem_shared>>)
        tpu.yield
      }) : () -> ()
    } else {
    }
    %eq3A_10 = arith.constant 0 : i32
    %eq3A_11 = arith.cmpi eq, %arg0, %eq3A_10 : i32
    %convert_element_type3A_12 = arith.extui %eq3A_11 : i1 to i32
    %cond3A_13 = arith.constant 0 : i32
    %cond3A_14 = arith.cmpi ne, %convert_element_type3A_12, %cond3A_13 : i32
    scf.if %cond3A_14 {
      %barrier3A = arith.constant 0 : index
      tpu.barrier barrier_id(%barrier3A)
      %scan3A = arith.constant 0 : i32
      %scan3A_20 = arith.constant 0 : i32
      %scan3A_21 = arith.constant 5 : i32
      %scan3A_22 = arith.addi %scan3A_20, %scan3A_21 : i32
      %scan3A_23 = arith.constant 1 : i32
      %scan3A_24 = scf.for %scan3A_35 = %scan3A_20 to %scan3A_22 step %scan3A_23 iter_args(%scan3A_36 = %scan3A) -> (i32)  : i32 {
        %mul3A_37 = arith.constant 32 : i32
        %mul3A_38 = arith.muli %scan3A_35, %mul3A_37 : i32
        %add3A = arith.addi %multiple_of3A, %mul3A_38 : i32
        %multiple_of3A_39 = tpu.assume_multiple %add3A, 8 : i32
        "tpu.region"() ({
          %run_scoped3A = tpu.sem_alloc : memref<!tpu.dma_semaphore, #tpu.memory_space<semaphore_mem>>
          %dma_start3A_54 = arith.constant 0 : i32
          %dma_start3A_55 = tpu.memref_slice %arg5[%multiple_of3A_39, %dma_start3A_54] : memref<2560x128xi32, #tpu.memory_space<hbm>> -> memref<32x128xi32, #tpu.memory_space<hbm>>
          %dma_start3A_56 = arith.constant 0 : i32
          %dma_start3A_57 = tpu.memref_slice %arg5[%multiple_of3A_39, %dma_start3A_56] : memref<2560x128xi32, #tpu.memory_space<hbm>> -> memref<32x128xi32, #tpu.memory_space<hbm>>
          tpu.enqueue_dma source(%dma_start3A_57 : memref<32x128xi32, #tpu.memory_space<hbm>>) target(%arg10 : memref<32x128xi32, #tpu.memory_space<vmem>>) target_semaphore(%run_scoped3A : memref<!tpu.dma_semaphore, #tpu.memory_space<semaphore_mem>>)
          %dma_wait3A = arith.constant 0 : i32
          %dma_wait3A_58 = tpu.memref_slice %arg5[%multiple_of3A_39, %dma_wait3A] : memref<2560x128xi32, #tpu.memory_space<hbm>> -> memref<32x128xi32, #tpu.memory_space<hbm>>
          %dma_wait3A_59 = arith.constant 0 : i32
          %dma_wait3A_60 = tpu.memref_slice %arg5[%multiple_of3A_39, %dma_wait3A_59] : memref<2560x128xi32, #tpu.memory_space<hbm>> -> memref<32x128xi32, #tpu.memory_space<hbm>>
          tpu.wait_dma2 semaphore(%run_scoped3A : memref<!tpu.dma_semaphore, #tpu.memory_space<semaphore_mem>>) src(%dma_wait3A_60 : memref<32x128xi32, #tpu.memory_space<hbm>>) dst(%arg10 : memref<32x128xi32, #tpu.memory_space<vmem>>)
          tpu.yield
        }) : () -> ()
        "tpu.region"() ({
          %run_scoped3A = tpu.sem_alloc : memref<!tpu.dma_semaphore, #tpu.memory_space<semaphore_mem>>
          %dma_start3A_54 = arith.constant 0 : i32
          %dma_start3A_55 = tpu.memref_slice %arg6[%multiple_of3A_39, %dma_start3A_54] : memref<2560x128xi32, #tpu.memory_space<hbm>> -> memref<32x128xi32, #tpu.memory_space<hbm>>
          %dma_start3A_56 = arith.constant 0 : i32
          %dma_start3A_57 = tpu.memref_slice %arg6[%multiple_of3A_39, %dma_start3A_56] : memref<2560x128xi32, #tpu.memory_space<hbm>> -> memref<32x128xi32, #tpu.memory_space<hbm>>
          tpu.enqueue_dma source(%dma_start3A_57 : memref<32x128xi32, #tpu.memory_space<hbm>>) target(%arg11 : memref<32x128xi32, #tpu.memory_space<vmem>>) target_semaphore(%run_scoped3A : memref<!tpu.dma_semaphore, #tpu.memory_space<semaphore_mem>>)
          %dma_wait3A = arith.constant 0 : i32
          %dma_wait3A_58 = tpu.memref_slice %arg6[%multiple_of3A_39, %dma_wait3A] : memref<2560x128xi32, #tpu.memory_space<hbm>> -> memref<32x128xi32, #tpu.memory_space<hbm>>
          %dma_wait3A_59 = arith.constant 0 : i32
          %dma_wait3A_60 = tpu.memref_slice %arg6[%multiple_of3A_39, %dma_wait3A_59] : memref<2560x128xi32, #tpu.memory_space<hbm>> -> memref<32x128xi32, #tpu.memory_space<hbm>>
          tpu.wait_dma2 semaphore(%run_scoped3A : memref<!tpu.dma_semaphore, #tpu.memory_space<semaphore_mem>>) src(%dma_wait3A_60 : memref<32x128xi32, #tpu.memory_space<hbm>>) dst(%arg11 : memref<32x128xi32, #tpu.memory_space<vmem>>)
          tpu.yield
        }) : () -> ()
        %dma_start3A = arith.constant 0 : i32
        %dma_start3A_40 = arith.constant 0 : i32
        %dma_start3A_41 = tpu.memref_slice %arg10[%dma_start3A, %dma_start3A_40] : memref<32x128xi32, #tpu.memory_space<vmem>> -> memref<1x128xi32, #tpu.memory_space<vmem>>
        %dma_start3A_42 = tpu.memref_squeeze %dma_start3A_41 : memref<1x128xi32, #tpu.memory_space<vmem>> -> memref<128xi32, #tpu.memory_space<vmem>>
        %dma_start3A_43 = arith.constant 0 : i32
        %dma_start3A_44 = arith.constant 0 : i32
        %dma_start3A_45 = tpu.memref_slice %arg3[%dma_start3A_43, %dma_start3A_44] : memref<10000x128xf32, #tpu.memory_space<hbm>> -> memref<10000x128xf32, #tpu.memory_space<hbm>>
        tpu.enqueue_indirect_dma source(%dma_start3A_45 : memref<10000x128xf32, #tpu.memory_space<hbm>>) target(%arg12 : memref<128x128xf32, #tpu.memory_space<vmem>>) offsets(%dma_start3A_42 : memref<128xi32, #tpu.memory_space<vmem>>) semaphore(%arg14 : memref<!tpu.dma_semaphore, #tpu.memory_space<semaphore_mem>>)
        %scan3A_46 = arith.constant 0 : i32
        %scan3A_47 = arith.constant 0 : i32
        %scan3A_48 = arith.constant 16 : i32
        %scan3A_49 = arith.addi %scan3A_47, %scan3A_48 : i32
        %scan3A_50 = arith.constant 1 : i32
        %scan3A_51 = scf.for %scan3A_54 = %scan3A_47 to %scan3A_49 step %scan3A_50 iter_args(%scan3A_55 = %scan3A_46) -> (i32)  : i32 {
          %mul3A_56 = arith.constant 2 : i32
          %mul3A_57 = arith.muli %mul3A_56, %scan3A_54 : i32
          %add3A_58 = arith.constant 1 : i32
          %add3A_59 = arith.addi %mul3A_57, %add3A_58 : i32
          %dma_start3A_60 = arith.constant 0 : i32
          %dma_start3A_61 = tpu.memref_slice %arg10[%add3A_59, %dma_start3A_60] : memref<32x128xi32, #tpu.memory_space<vmem>> -> memref<1x128xi32, #tpu.memory_space<vmem>>
          %dma_start3A_62 = tpu.memref_squeeze %dma_start3A_61 : memref<1x128xi32, #tpu.memory_space<vmem>> -> memref<128xi32, #tpu.memory_space<vmem>>
          %dma_start3A_63 = arith.constant 0 : i32
          %dma_start3A_64 = arith.constant 0 : i32
          %dma_start3A_65 = tpu.memref_slice %arg3[%dma_start3A_63, %dma_start3A_64] : memref<10000x128xf32, #tpu.memory_space<hbm>> -> memref<10000x128xf32, #tpu.memory_space<hbm>>
          tpu.enqueue_indirect_dma source(%dma_start3A_65 : memref<10000x128xf32, #tpu.memory_space<hbm>>) target(%arg13 : memref<128x128xf32, #tpu.memory_space<vmem>>) offsets(%dma_start3A_62 : memref<128xi32, #tpu.memory_space<vmem>>) semaphore(%arg15 : memref<!tpu.dma_semaphore, #tpu.memory_space<semaphore_mem>>)
          %dma_wait3A = arith.constant 0 : i32
          %dma_wait3A_66 = tpu.memref_slice %arg10[%mul3A_57, %dma_wait3A] : memref<32x128xi32, #tpu.memory_space<vmem>> -> memref<1x128xi32, #tpu.memory_space<vmem>>
          %dma_wait3A_67 = tpu.memref_squeeze %dma_wait3A_66 : memref<1x128xi32, #tpu.memory_space<vmem>> -> memref<128xi32, #tpu.memory_space<vmem>>
          %dma_wait3A_68 = arith.constant 0 : i32
          %dma_wait3A_69 = arith.constant 0 : i32
          %dma_wait3A_70 = tpu.memref_slice %arg3[%dma_wait3A_68, %dma_wait3A_69] : memref<10000x128xf32, #tpu.memory_space<hbm>> -> memref<10000x128xf32, #tpu.memory_space<hbm>>
          tpu.wait_indirect_dma semaphore(%arg14 : memref<!tpu.dma_semaphore, #tpu.memory_space<semaphore_mem>>) src(%dma_wait3A_70 : memref<10000x128xf32, #tpu.memory_space<hbm>>) dst(%arg12 : memref<128x128xf32, #tpu.memory_space<vmem>>)
          "tpu.region"() ({
            %run_scoped3A = tpu.sem_alloc : memref<!tpu.dma_semaphore, #tpu.memory_space<semaphore_mem>>
            %dma_start3A_86 = arith.constant 0 : i32
            %dma_start3A_87 = tpu.memref_slice %arg11[%mul3A_57, %dma_start3A_86] : memref<32x128xi32, #tpu.memory_space<vmem>> -> memref<1x128xi32, #tpu.memory_space<vmem>>
            %dma_start3A_88 = tpu.memref_squeeze %dma_start3A_87 : memref<1x128xi32, #tpu.memory_space<vmem>> -> memref<128xi32, #tpu.memory_space<vmem>>
            %dma_start3A_89 = arith.constant 0 : i32
            %dma_start3A_90 = arith.constant 0 : i32
            %dma_start3A_91 = tpu.memref_slice %arg9[%dma_start3A_89, %dma_start3A_90] : memref<10008x128xf32, #tpu.memory_space<vmem_shared>> -> memref<10008x128xf32, #tpu.memory_space<vmem_shared>>
            tpu.enqueue_indirect_dma source(%arg12 : memref<128x128xf32, #tpu.memory_space<vmem>>) target(%dma_start3A_91 : memref<10008x128xf32, #tpu.memory_space<vmem_shared>>) offsets(%dma_start3A_88 : memref<128xi32, #tpu.memory_space<vmem>>) semaphore(%run_scoped3A : memref<!tpu.dma_semaphore, #tpu.memory_space<semaphore_mem>>) {add = true}
            %dma_wait3A_92 = arith.constant 0 : i32
            %dma_wait3A_93 = tpu.memref_slice %arg11[%mul3A_57, %dma_wait3A_92] : memref<32x128xi32, #tpu.memory_space<vmem>> -> memref<1x128xi32, #tpu.memory_space<vmem>>
            %dma_wait3A_94 = tpu.memref_squeeze %dma_wait3A_93 : memref<1x128xi32, #tpu.memory_space<vmem>> -> memref<128xi32, #tpu.memory_space<vmem>>
            %dma_wait3A_95 = arith.constant 0 : i32
            %dma_wait3A_96 = arith.constant 0 : i32
            %dma_wait3A_97 = tpu.memref_slice %arg9[%dma_wait3A_95, %dma_wait3A_96] : memref<10008x128xf32, #tpu.memory_space<vmem_shared>> -> memref<10008x128xf32, #tpu.memory_space<vmem_shared>>
            tpu.wait_indirect_dma semaphore(%run_scoped3A : memref<!tpu.dma_semaphore, #tpu.memory_space<semaphore_mem>>) src(%arg12 : memref<128x128xf32, #tpu.memory_space<vmem>>) dst(%dma_wait3A_97 : memref<10008x128xf32, #tpu.memory_space<vmem_shared>>)
            tpu.yield
          }) : () -> ()
          %lt3A = arith.constant 15 : i32
          %lt3A_71 = arith.cmpi slt, %scan3A_54, %lt3A : i32
          %convert_element_type3A_72 = arith.extui %lt3A_71 : i1 to i32
          %cond3A_73 = arith.constant 0 : i32
          %cond3A_74 = arith.cmpi ne, %convert_element_type3A_72, %cond3A_73 : i32
          scf.if %cond3A_74 {
            %add3A_86 = arith.constant 2 : i32
            %add3A_87 = arith.addi %mul3A_57, %add3A_86 : i32
            %dma_start3A_88 = arith.constant 0 : i32
            %dma_start3A_89 = tpu.memref_slice %arg10[%add3A_87, %dma_start3A_88] : memref<32x128xi32, #tpu.memory_space<vmem>> -> memref<1x128xi32, #tpu.memory_space<vmem>>
            %dma_start3A_90 = tpu.memref_squeeze %dma_start3A_89 : memref<1x128xi32, #tpu.memory_space<vmem>> -> memref<128xi32, #tpu.memory_space<vmem>>
            %dma_start3A_91 = arith.constant 0 : i32
            %dma_start3A_92 = arith.constant 0 : i32
            %dma_start3A_93 = tpu.memref_slice %arg3[%dma_start3A_91, %dma_start3A_92] : memref<10000x128xf32, #tpu.memory_space<hbm>> -> memref<10000x128xf32, #tpu.memory_space<hbm>>
            tpu.enqueue_indirect_dma source(%dma_start3A_93 : memref<10000x128xf32, #tpu.memory_space<hbm>>) target(%arg12 : memref<128x128xf32, #tpu.memory_space<vmem>>) offsets(%dma_start3A_90 : memref<128xi32, #tpu.memory_space<vmem>>) semaphore(%arg14 : memref<!tpu.dma_semaphore, #tpu.memory_space<semaphore_mem>>)
          } else {
          }
          %add3A_75 = arith.constant 1 : i32
          %add3A_76 = arith.addi %mul3A_57, %add3A_75 : i32
          %dma_wait3A_77 = arith.constant 0 : i32
          %dma_wait3A_78 = tpu.memref_slice %arg10[%add3A_76, %dma_wait3A_77] : memref<32x128xi32, #tpu.memory_space<vmem>> -> memref<1x128xi32, #tpu.memory_space<vmem>>
          %dma_wait3A_79 = tpu.memref_squeeze %dma_wait3A_78 : memref<1x128xi32, #tpu.memory_space<vmem>> -> memref<128xi32, #tpu.memory_space<vmem>>
          %dma_wait3A_80 = arith.constant 0 : i32
          %dma_wait3A_81 = arith.constant 0 : i32
          %dma_wait3A_82 = tpu.memref_slice %arg3[%dma_wait3A_80, %dma_wait3A_81] : memref<10000x128xf32, #tpu.memory_space<hbm>> -> memref<10000x128xf32, #tpu.memory_space<hbm>>
          tpu.wait_indirect_dma semaphore(%arg15 : memref<!tpu.dma_semaphore, #tpu.memory_space<semaphore_mem>>) src(%dma_wait3A_82 : memref<10000x128xf32, #tpu.memory_space<hbm>>) dst(%arg13 : memref<128x128xf32, #tpu.memory_space<vmem>>)
          %add3A_83 = arith.constant 1 : i32
          %add3A_84 = arith.addi %mul3A_57, %add3A_83 : i32
          "tpu.region"() ({
            %run_scoped3A = tpu.sem_alloc : memref<!tpu.dma_semaphore, #tpu.memory_space<semaphore_mem>>
            %dma_start3A_86 = arith.constant 0 : i32
            %dma_start3A_87 = tpu.memref_slice %arg11[%add3A_84, %dma_start3A_86] : memref<32x128xi32, #tpu.memory_space<vmem>> -> memref<1x128xi32, #tpu.memory_space<vmem>>
            %dma_start3A_88 = tpu.memref_squeeze %dma_start3A_87 : memref<1x128xi32, #tpu.memory_space<vmem>> -> memref<128xi32, #tpu.memory_space<vmem>>
            %dma_start3A_89 = arith.constant 0 : i32
            %dma_start3A_90 = arith.constant 0 : i32
            %dma_start3A_91 = tpu.memref_slice %arg9[%dma_start3A_89, %dma_start3A_90] : memref<10008x128xf32, #tpu.memory_space<vmem_shared>> -> memref<10008x128xf32, #tpu.memory_space<vmem_shared>>
            tpu.enqueue_indirect_dma source(%arg13 : memref<128x128xf32, #tpu.memory_space<vmem>>) target(%dma_start3A_91 : memref<10008x128xf32, #tpu.memory_space<vmem_shared>>) offsets(%dma_start3A_88 : memref<128xi32, #tpu.memory_space<vmem>>) semaphore(%run_scoped3A : memref<!tpu.dma_semaphore, #tpu.memory_space<semaphore_mem>>) {add = true}
            %dma_wait3A_92 = arith.constant 0 : i32
            %dma_wait3A_93 = tpu.memref_slice %arg11[%add3A_84, %dma_wait3A_92] : memref<32x128xi32, #tpu.memory_space<vmem>> -> memref<1x128xi32, #tpu.memory_space<vmem>>
            %dma_wait3A_94 = tpu.memref_squeeze %dma_wait3A_93 : memref<1x128xi32, #tpu.memory_space<vmem>> -> memref<128xi32, #tpu.memory_space<vmem>>
            %dma_wait3A_95 = arith.constant 0 : i32
            %dma_wait3A_96 = arith.constant 0 : i32
            %dma_wait3A_97 = tpu.memref_slice %arg9[%dma_wait3A_95, %dma_wait3A_96] : memref<10008x128xf32, #tpu.memory_space<vmem_shared>> -> memref<10008x128xf32, #tpu.memory_space<vmem_shared>>
            tpu.wait_indirect_dma semaphore(%run_scoped3A : memref<!tpu.dma_semaphore, #tpu.memory_space<semaphore_mem>>) src(%arg13 : memref<128x128xf32, #tpu.memory_space<vmem>>) dst(%dma_wait3A_97 : memref<10008x128xf32, #tpu.memory_space<vmem_shared>>)
            tpu.yield
          }) : () -> ()
          %scan3A_85 = arith.constant 0 : i32
          scf.yield %scan3A_85 : i32
        }
        %scan3A_52 = arith.constant 16 : i32
        %scan3A_53 = arith.constant 0 : i32
        scf.yield %scan3A_53 : i32
      }
      %scan3A_25 = arith.constant 5 : i32
      %barrier3A_26 = arith.constant 0 : index
      tpu.barrier barrier_id(%barrier3A_26)
      %not3A_27 = arith.constant true
      %not3A_28 = arith.xori %eq3A_4, %not3A_27 : i1
      %convert_element_type3A_29 = arith.extui %not3A_28 : i1 to i32
      %cond3A_30 = arith.constant 0 : i32
      %cond3A_31 = arith.cmpi ne, %convert_element_type3A_29, %cond3A_30 : i32
      scf.if %cond3A_31 {
        "tpu.region"() ({
          %run_scoped3A = tpu.sem_alloc : memref<!tpu.dma_semaphore, #tpu.memory_space<semaphore_mem>>
          %dma_start3A = arith.constant 0 : i32
          %dma_start3A_35 = tpu.memref_slice %arg7[%multiple_of3A_3, %dma_start3A] : memref<10000x128xf32, #tpu.memory_space<hbm>> -> memref<632x128xf32, #tpu.memory_space<hbm>>
          %dma_start3A_36 = arith.constant 0 : i32
          %dma_start3A_37 = tpu.memref_slice %arg9[%multiple_of3A_3, %dma_start3A_36] : memref<10008x128xf32, #tpu.memory_space<vmem_shared>> -> memref<632x128xf32, #tpu.memory_space<vmem_shared>>
          tpu.enqueue_dma source(%dma_start3A_37 : memref<632x128xf32, #tpu.memory_space<vmem_shared>>) target(%dma_start3A_35 : memref<632x128xf32, #tpu.memory_space<hbm>>) target_semaphore(%run_scoped3A : memref<!tpu.dma_semaphore, #tpu.memory_space<semaphore_mem>>)
          %dma_wait3A = arith.constant 0 : i32
          %dma_wait3A_38 = tpu.memref_slice %arg7[%multiple_of3A_3, %dma_wait3A] : memref<10000x128xf32, #tpu.memory_space<hbm>> -> memref<632x128xf32, #tpu.memory_space<hbm>>
          %dma_wait3A_39 = arith.constant 0 : i32
          %dma_wait3A_40 = tpu.memref_slice %arg9[%multiple_of3A_3, %dma_wait3A_39] : memref<10008x128xf32, #tpu.memory_space<vmem_shared>> -> memref<632x128xf32, #tpu.memory_space<vmem_shared>>
          tpu.wait_dma2 semaphore(%run_scoped3A : memref<!tpu.dma_semaphore, #tpu.memory_space<semaphore_mem>>) src(%dma_wait3A_40 : memref<632x128xf32, #tpu.memory_space<vmem_shared>>) dst(%dma_wait3A_38 : memref<632x128xf32, #tpu.memory_space<hbm>>)
          tpu.yield
        }) : () -> ()
      } else {
      }
      %convert_element_type3A_32 = arith.extui %eq3A_4 : i1 to i32
      %cond3A_33 = arith.constant 0 : i32
      %cond3A_34 = arith.cmpi ne, %convert_element_type3A_32, %cond3A_33 : i32
      scf.if %cond3A_34 {
        "tpu.region"() ({
          %run_scoped3A = tpu.sem_alloc : memref<!tpu.dma_semaphore, #tpu.memory_space<semaphore_mem>>
          %dma_start3A = arith.constant 0 : i32
          %dma_start3A_35 = tpu.memref_slice %arg7[%multiple_of3A_3, %dma_start3A] : memref<10000x128xf32, #tpu.memory_space<hbm>> -> memref<520x128xf32, #tpu.memory_space<hbm>>
          %dma_start3A_36 = arith.constant 0 : i32
          %dma_start3A_37 = tpu.memref_slice %arg9[%multiple_of3A_3, %dma_start3A_36] : memref<10008x128xf32, #tpu.memory_space<vmem_shared>> -> memref<520x128xf32, #tpu.memory_space<vmem_shared>>
          tpu.enqueue_dma source(%dma_start3A_37 : memref<520x128xf32, #tpu.memory_space<vmem_shared>>) target(%dma_start3A_35 : memref<520x128xf32, #tpu.memory_space<hbm>>) target_semaphore(%run_scoped3A : memref<!tpu.dma_semaphore, #tpu.memory_space<semaphore_mem>>)
          %dma_wait3A = arith.constant 0 : i32
          %dma_wait3A_38 = tpu.memref_slice %arg7[%multiple_of3A_3, %dma_wait3A] : memref<10000x128xf32, #tpu.memory_space<hbm>> -> memref<520x128xf32, #tpu.memory_space<hbm>>
          %dma_wait3A_39 = arith.constant 0 : i32
          %dma_wait3A_40 = tpu.memref_slice %arg9[%multiple_of3A_3, %dma_wait3A_39] : memref<10008x128xf32, #tpu.memory_space<vmem_shared>> -> memref<520x128xf32, #tpu.memory_space<vmem_shared>>
          tpu.wait_dma2 semaphore(%run_scoped3A : memref<!tpu.dma_semaphore, #tpu.memory_space<semaphore_mem>>) src(%dma_wait3A_40 : memref<520x128xf32, #tpu.memory_space<vmem_shared>>) dst(%dma_wait3A_38 : memref<520x128xf32, #tpu.memory_space<hbm>>)
          tpu.yield
        }) : () -> ()
      } else {
      }
    } else {
    }
    %eq3A_15 = arith.constant 1 : i32
    %eq3A_16 = arith.cmpi eq, %arg0, %eq3A_15 : i32
    %convert_element_type3A_17 = arith.extui %eq3A_16 : i1 to i32
    %cond3A_18 = arith.constant 0 : i32
    %cond3A_19 = arith.cmpi ne, %convert_element_type3A_17, %cond3A_18 : i32
    scf.if %cond3A_19 {
      %barrier3A = arith.constant 0 : index
      tpu.barrier barrier_id(%barrier3A)
      %scan3A = arith.constant 0 : i32
      %scan3A_20 = arith.constant 0 : i32
      %scan3A_21 = arith.constant 5 : i32
      %scan3A_22 = arith.addi %scan3A_20, %scan3A_21 : i32
      %scan3A_23 = arith.constant 1 : i32
      %scan3A_24 = scf.for %scan3A_35 = %scan3A_20 to %scan3A_22 step %scan3A_23 iter_args(%scan3A_36 = %scan3A) -> (i32)  : i32 {
        %mul3A_37 = arith.constant 32 : i32
        %mul3A_38 = arith.muli %scan3A_35, %mul3A_37 : i32
        %add3A = arith.addi %multiple_of3A, %mul3A_38 : i32
        %multiple_of3A_39 = tpu.assume_multiple %add3A, 8 : i32
        "tpu.region"() ({
          %run_scoped3A = tpu.sem_alloc : memref<!tpu.dma_semaphore, #tpu.memory_space<semaphore_mem>>
          %dma_start3A_54 = arith.constant 0 : i32
          %dma_start3A_55 = tpu.memref_slice %arg5[%multiple_of3A_39, %dma_start3A_54] : memref<2560x128xi32, #tpu.memory_space<hbm>> -> memref<32x128xi32, #tpu.memory_space<hbm>>
          %dma_start3A_56 = arith.constant 0 : i32
          %dma_start3A_57 = tpu.memref_slice %arg5[%multiple_of3A_39, %dma_start3A_56] : memref<2560x128xi32, #tpu.memory_space<hbm>> -> memref<32x128xi32, #tpu.memory_space<hbm>>
          tpu.enqueue_dma source(%dma_start3A_57 : memref<32x128xi32, #tpu.memory_space<hbm>>) target(%arg10 : memref<32x128xi32, #tpu.memory_space<vmem>>) target_semaphore(%run_scoped3A : memref<!tpu.dma_semaphore, #tpu.memory_space<semaphore_mem>>)
          %dma_wait3A = arith.constant 0 : i32
          %dma_wait3A_58 = tpu.memref_slice %arg5[%multiple_of3A_39, %dma_wait3A] : memref<2560x128xi32, #tpu.memory_space<hbm>> -> memref<32x128xi32, #tpu.memory_space<hbm>>
          %dma_wait3A_59 = arith.constant 0 : i32
          %dma_wait3A_60 = tpu.memref_slice %arg5[%multiple_of3A_39, %dma_wait3A_59] : memref<2560x128xi32, #tpu.memory_space<hbm>> -> memref<32x128xi32, #tpu.memory_space<hbm>>
          tpu.wait_dma2 semaphore(%run_scoped3A : memref<!tpu.dma_semaphore, #tpu.memory_space<semaphore_mem>>) src(%dma_wait3A_60 : memref<32x128xi32, #tpu.memory_space<hbm>>) dst(%arg10 : memref<32x128xi32, #tpu.memory_space<vmem>>)
          tpu.yield
        }) : () -> ()
        "tpu.region"() ({
          %run_scoped3A = tpu.sem_alloc : memref<!tpu.dma_semaphore, #tpu.memory_space<semaphore_mem>>
          %dma_start3A_54 = arith.constant 0 : i32
          %dma_start3A_55 = tpu.memref_slice %arg6[%multiple_of3A_39, %dma_start3A_54] : memref<2560x128xi32, #tpu.memory_space<hbm>> -> memref<32x128xi32, #tpu.memory_space<hbm>>
          %dma_start3A_56 = arith.constant 0 : i32
          %dma_start3A_57 = tpu.memref_slice %arg6[%multiple_of3A_39, %dma_start3A_56] : memref<2560x128xi32, #tpu.memory_space<hbm>> -> memref<32x128xi32, #tpu.memory_space<hbm>>
          tpu.enqueue_dma source(%dma_start3A_57 : memref<32x128xi32, #tpu.memory_space<hbm>>) target(%arg11 : memref<32x128xi32, #tpu.memory_space<vmem>>) target_semaphore(%run_scoped3A : memref<!tpu.dma_semaphore, #tpu.memory_space<semaphore_mem>>)
          %dma_wait3A = arith.constant 0 : i32
          %dma_wait3A_58 = tpu.memref_slice %arg6[%multiple_of3A_39, %dma_wait3A] : memref<2560x128xi32, #tpu.memory_space<hbm>> -> memref<32x128xi32, #tpu.memory_space<hbm>>
          %dma_wait3A_59 = arith.constant 0 : i32
          %dma_wait3A_60 = tpu.memref_slice %arg6[%multiple_of3A_39, %dma_wait3A_59] : memref<2560x128xi32, #tpu.memory_space<hbm>> -> memref<32x128xi32, #tpu.memory_space<hbm>>
          tpu.wait_dma2 semaphore(%run_scoped3A : memref<!tpu.dma_semaphore, #tpu.memory_space<semaphore_mem>>) src(%dma_wait3A_60 : memref<32x128xi32, #tpu.memory_space<hbm>>) dst(%arg11 : memref<32x128xi32, #tpu.memory_space<vmem>>)
          tpu.yield
        }) : () -> ()
        %dma_start3A = arith.constant 0 : i32
        %dma_start3A_40 = arith.constant 0 : i32
        %dma_start3A_41 = tpu.memref_slice %arg10[%dma_start3A, %dma_start3A_40] : memref<32x128xi32, #tpu.memory_space<vmem>> -> memref<1x128xi32, #tpu.memory_space<vmem>>
        %dma_start3A_42 = tpu.memref_squeeze %dma_start3A_41 : memref<1x128xi32, #tpu.memory_space<vmem>> -> memref<128xi32, #tpu.memory_space<vmem>>
        %dma_start3A_43 = arith.constant 0 : i32
        %dma_start3A_44 = arith.constant 0 : i32
        %dma_start3A_45 = tpu.memref_slice %arg4[%dma_start3A_43, %dma_start3A_44] : memref<10000x128xf32, #tpu.memory_space<hbm>> -> memref<10000x128xf32, #tpu.memory_space<hbm>>
        tpu.enqueue_indirect_dma source(%dma_start3A_45 : memref<10000x128xf32, #tpu.memory_space<hbm>>) target(%arg12 : memref<128x128xf32, #tpu.memory_space<vmem>>) offsets(%dma_start3A_42 : memref<128xi32, #tpu.memory_space<vmem>>) semaphore(%arg14 : memref<!tpu.dma_semaphore, #tpu.memory_space<semaphore_mem>>)
        %scan3A_46 = arith.constant 0 : i32
        %scan3A_47 = arith.constant 0 : i32
        %scan3A_48 = arith.constant 16 : i32
        %scan3A_49 = arith.addi %scan3A_47, %scan3A_48 : i32
        %scan3A_50 = arith.constant 1 : i32
        %scan3A_51 = scf.for %scan3A_54 = %scan3A_47 to %scan3A_49 step %scan3A_50 iter_args(%scan3A_55 = %scan3A_46) -> (i32)  : i32 {
          %mul3A_56 = arith.constant 2 : i32
          %mul3A_57 = arith.muli %mul3A_56, %scan3A_54 : i32
          %add3A_58 = arith.constant 1 : i32
          %add3A_59 = arith.addi %mul3A_57, %add3A_58 : i32
          %dma_start3A_60 = arith.constant 0 : i32
          %dma_start3A_61 = tpu.memref_slice %arg10[%add3A_59, %dma_start3A_60] : memref<32x128xi32, #tpu.memory_space<vmem>> -> memref<1x128xi32, #tpu.memory_space<vmem>>
          %dma_start3A_62 = tpu.memref_squeeze %dma_start3A_61 : memref<1x128xi32, #tpu.memory_space<vmem>> -> memref<128xi32, #tpu.memory_space<vmem>>
          %dma_start3A_63 = arith.constant 0 : i32
          %dma_start3A_64 = arith.constant 0 : i32
          %dma_start3A_65 = tpu.memref_slice %arg4[%dma_start3A_63, %dma_start3A_64] : memref<10000x128xf32, #tpu.memory_space<hbm>> -> memref<10000x128xf32, #tpu.memory_space<hbm>>
          tpu.enqueue_indirect_dma source(%dma_start3A_65 : memref<10000x128xf32, #tpu.memory_space<hbm>>) target(%arg13 : memref<128x128xf32, #tpu.memory_space<vmem>>) offsets(%dma_start3A_62 : memref<128xi32, #tpu.memory_space<vmem>>) semaphore(%arg15 : memref<!tpu.dma_semaphore, #tpu.memory_space<semaphore_mem>>)
          %dma_wait3A = arith.constant 0 : i32
          %dma_wait3A_66 = tpu.memref_slice %arg10[%mul3A_57, %dma_wait3A] : memref<32x128xi32, #tpu.memory_space<vmem>> -> memref<1x128xi32, #tpu.memory_space<vmem>>
          %dma_wait3A_67 = tpu.memref_squeeze %dma_wait3A_66 : memref<1x128xi32, #tpu.memory_space<vmem>> -> memref<128xi32, #tpu.memory_space<vmem>>
          %dma_wait3A_68 = arith.constant 0 : i32
          %dma_wait3A_69 = arith.constant 0 : i32
          %dma_wait3A_70 = tpu.memref_slice %arg4[%dma_wait3A_68, %dma_wait3A_69] : memref<10000x128xf32, #tpu.memory_space<hbm>> -> memref<10000x128xf32, #tpu.memory_space<hbm>>
          tpu.wait_indirect_dma semaphore(%arg14 : memref<!tpu.dma_semaphore, #tpu.memory_space<semaphore_mem>>) src(%dma_wait3A_70 : memref<10000x128xf32, #tpu.memory_space<hbm>>) dst(%arg12 : memref<128x128xf32, #tpu.memory_space<vmem>>)
          "tpu.region"() ({
            %run_scoped3A = tpu.sem_alloc : memref<!tpu.dma_semaphore, #tpu.memory_space<semaphore_mem>>
            %dma_start3A_86 = arith.constant 0 : i32
            %dma_start3A_87 = tpu.memref_slice %arg11[%mul3A_57, %dma_start3A_86] : memref<32x128xi32, #tpu.memory_space<vmem>> -> memref<1x128xi32, #tpu.memory_space<vmem>>
            %dma_start3A_88 = tpu.memref_squeeze %dma_start3A_87 : memref<1x128xi32, #tpu.memory_space<vmem>> -> memref<128xi32, #tpu.memory_space<vmem>>
            %dma_start3A_89 = arith.constant 0 : i32
            %dma_start3A_90 = arith.constant 0 : i32
            %dma_start3A_91 = tpu.memref_slice %arg9[%dma_start3A_89, %dma_start3A_90] : memref<10008x128xf32, #tpu.memory_space<vmem_shared>> -> memref<10008x128xf32, #tpu.memory_space<vmem_shared>>
            tpu.enqueue_indirect_dma source(%arg12 : memref<128x128xf32, #tpu.memory_space<vmem>>) target(%dma_start3A_91 : memref<10008x128xf32, #tpu.memory_space<vmem_shared>>) offsets(%dma_start3A_88 : memref<128xi32, #tpu.memory_space<vmem>>) semaphore(%run_scoped3A : memref<!tpu.dma_semaphore, #tpu.memory_space<semaphore_mem>>) {add = true}
            %dma_wait3A_92 = arith.constant 0 : i32
            %dma_wait3A_93 = tpu.memref_slice %arg11[%mul3A_57, %dma_wait3A_92] : memref<32x128xi32, #tpu.memory_space<vmem>> -> memref<1x128xi32, #tpu.memory_space<vmem>>
            %dma_wait3A_94 = tpu.memref_squeeze %dma_wait3A_93 : memref<1x128xi32, #tpu.memory_space<vmem>> -> memref<128xi32, #tpu.memory_space<vmem>>
            %dma_wait3A_95 = arith.constant 0 : i32
            %dma_wait3A_96 = arith.constant 0 : i32
            %dma_wait3A_97 = tpu.memref_slice %arg9[%dma_wait3A_95, %dma_wait3A_96] : memref<10008x128xf32, #tpu.memory_space<vmem_shared>> -> memref<10008x128xf32, #tpu.memory_space<vmem_shared>>
            tpu.wait_indirect_dma semaphore(%run_scoped3A : memref<!tpu.dma_semaphore, #tpu.memory_space<semaphore_mem>>) src(%arg12 : memref<128x128xf32, #tpu.memory_space<vmem>>) dst(%dma_wait3A_97 : memref<10008x128xf32, #tpu.memory_space<vmem_shared>>)
            tpu.yield
          }) : () -> ()
          %lt3A = arith.constant 15 : i32
          %lt3A_71 = arith.cmpi slt, %scan3A_54, %lt3A : i32
          %convert_element_type3A_72 = arith.extui %lt3A_71 : i1 to i32
          %cond3A_73 = arith.constant 0 : i32
          %cond3A_74 = arith.cmpi ne, %convert_element_type3A_72, %cond3A_73 : i32
          scf.if %cond3A_74 {
            %add3A_86 = arith.constant 2 : i32
            %add3A_87 = arith.addi %mul3A_57, %add3A_86 : i32
            %dma_start3A_88 = arith.constant 0 : i32
            %dma_start3A_89 = tpu.memref_slice %arg10[%add3A_87, %dma_start3A_88] : memref<32x128xi32, #tpu.memory_space<vmem>> -> memref<1x128xi32, #tpu.memory_space<vmem>>
            %dma_start3A_90 = tpu.memref_squeeze %dma_start3A_89 : memref<1x128xi32, #tpu.memory_space<vmem>> -> memref<128xi32, #tpu.memory_space<vmem>>
            %dma_start3A_91 = arith.constant 0 : i32
            %dma_start3A_92 = arith.constant 0 : i32
            %dma_start3A_93 = tpu.memref_slice %arg4[%dma_start3A_91, %dma_start3A_92] : memref<10000x128xf32, #tpu.memory_space<hbm>> -> memref<10000x128xf32, #tpu.memory_space<hbm>>
            tpu.enqueue_indirect_dma source(%dma_start3A_93 : memref<10000x128xf32, #tpu.memory_space<hbm>>) target(%arg12 : memref<128x128xf32, #tpu.memory_space<vmem>>) offsets(%dma_start3A_90 : memref<128xi32, #tpu.memory_space<vmem>>) semaphore(%arg14 : memref<!tpu.dma_semaphore, #tpu.memory_space<semaphore_mem>>)
          } else {
          }
          %add3A_75 = arith.constant 1 : i32
          %add3A_76 = arith.addi %mul3A_57, %add3A_75 : i32
          %dma_wait3A_77 = arith.constant 0 : i32
          %dma_wait3A_78 = tpu.memref_slice %arg10[%add3A_76, %dma_wait3A_77] : memref<32x128xi32, #tpu.memory_space<vmem>> -> memref<1x128xi32, #tpu.memory_space<vmem>>
          %dma_wait3A_79 = tpu.memref_squeeze %dma_wait3A_78 : memref<1x128xi32, #tpu.memory_space<vmem>> -> memref<128xi32, #tpu.memory_space<vmem>>
          %dma_wait3A_80 = arith.constant 0 : i32
          %dma_wait3A_81 = arith.constant 0 : i32
          %dma_wait3A_82 = tpu.memref_slice %arg4[%dma_wait3A_80, %dma_wait3A_81] : memref<10000x128xf32, #tpu.memory_space<hbm>> -> memref<10000x128xf32, #tpu.memory_space<hbm>>
          tpu.wait_indirect_dma semaphore(%arg15 : memref<!tpu.dma_semaphore, #tpu.memory_space<semaphore_mem>>) src(%dma_wait3A_82 : memref<10000x128xf32, #tpu.memory_space<hbm>>) dst(%arg13 : memref<128x128xf32, #tpu.memory_space<vmem>>)
          %add3A_83 = arith.constant 1 : i32
          %add3A_84 = arith.addi %mul3A_57, %add3A_83 : i32
          "tpu.region"() ({
            %run_scoped3A = tpu.sem_alloc : memref<!tpu.dma_semaphore, #tpu.memory_space<semaphore_mem>>
            %dma_start3A_86 = arith.constant 0 : i32
            %dma_start3A_87 = tpu.memref_slice %arg11[%add3A_84, %dma_start3A_86] : memref<32x128xi32, #tpu.memory_space<vmem>> -> memref<1x128xi32, #tpu.memory_space<vmem>>
            %dma_start3A_88 = tpu.memref_squeeze %dma_start3A_87 : memref<1x128xi32, #tpu.memory_space<vmem>> -> memref<128xi32, #tpu.memory_space<vmem>>
            %dma_start3A_89 = arith.constant 0 : i32
            %dma_start3A_90 = arith.constant 0 : i32
            %dma_start3A_91 = tpu.memref_slice %arg9[%dma_start3A_89, %dma_start3A_90] : memref<10008x128xf32, #tpu.memory_space<vmem_shared>> -> memref<10008x128xf32, #tpu.memory_space<vmem_shared>>
            tpu.enqueue_indirect_dma source(%arg13 : memref<128x128xf32, #tpu.memory_space<vmem>>) target(%dma_start3A_91 : memref<10008x128xf32, #tpu.memory_space<vmem_shared>>) offsets(%dma_start3A_88 : memref<128xi32, #tpu.memory_space<vmem>>) semaphore(%run_scoped3A : memref<!tpu.dma_semaphore, #tpu.memory_space<semaphore_mem>>) {add = true}
            %dma_wait3A_92 = arith.constant 0 : i32
            %dma_wait3A_93 = tpu.memref_slice %arg11[%add3A_84, %dma_wait3A_92] : memref<32x128xi32, #tpu.memory_space<vmem>> -> memref<1x128xi32, #tpu.memory_space<vmem>>
            %dma_wait3A_94 = tpu.memref_squeeze %dma_wait3A_93 : memref<1x128xi32, #tpu.memory_space<vmem>> -> memref<128xi32, #tpu.memory_space<vmem>>
            %dma_wait3A_95 = arith.constant 0 : i32
            %dma_wait3A_96 = arith.constant 0 : i32
            %dma_wait3A_97 = tpu.memref_slice %arg9[%dma_wait3A_95, %dma_wait3A_96] : memref<10008x128xf32, #tpu.memory_space<vmem_shared>> -> memref<10008x128xf32, #tpu.memory_space<vmem_shared>>
            tpu.wait_indirect_dma semaphore(%run_scoped3A : memref<!tpu.dma_semaphore, #tpu.memory_space<semaphore_mem>>) src(%arg13 : memref<128x128xf32, #tpu.memory_space<vmem>>) dst(%dma_wait3A_97 : memref<10008x128xf32, #tpu.memory_space<vmem_shared>>)
            tpu.yield
          }) : () -> ()
          %scan3A_85 = arith.constant 0 : i32
          scf.yield %scan3A_85 : i32
        }
        %scan3A_52 = arith.constant 16 : i32
        %scan3A_53 = arith.constant 0 : i32
        scf.yield %scan3A_53 : i32
      }
      %scan3A_25 = arith.constant 5 : i32
      %barrier3A_26 = arith.constant 0 : index
      tpu.barrier barrier_id(%barrier3A_26)
      %not3A_27 = arith.constant true
      %not3A_28 = arith.xori %eq3A_4, %not3A_27 : i1
      %convert_element_type3A_29 = arith.extui %not3A_28 : i1 to i32
      %cond3A_30 = arith.constant 0 : i32
      %cond3A_31 = arith.cmpi ne, %convert_element_type3A_29, %cond3A_30 : i32
      scf.if %cond3A_31 {
        "tpu.region"() ({
          %run_scoped3A = tpu.sem_alloc : memref<!tpu.dma_semaphore, #tpu.memory_space<semaphore_mem>>
          %dma_start3A = arith.constant 0 : i32
          %dma_start3A_35 = tpu.memref_slice %arg8[%multiple_of3A_3, %dma_start3A] : memref<10000x128xf32, #tpu.memory_space<hbm>> -> memref<632x128xf32, #tpu.memory_space<hbm>>
          %dma_start3A_36 = arith.constant 0 : i32
          %dma_start3A_37 = tpu.memref_slice %arg9[%multiple_of3A_3, %dma_start3A_36] : memref<10008x128xf32, #tpu.memory_space<vmem_shared>> -> memref<632x128xf32, #tpu.memory_space<vmem_shared>>
          tpu.enqueue_dma source(%dma_start3A_37 : memref<632x128xf32, #tpu.memory_space<vmem_shared>>) target(%dma_start3A_35 : memref<632x128xf32, #tpu.memory_space<hbm>>) target_semaphore(%run_scoped3A : memref<!tpu.dma_semaphore, #tpu.memory_space<semaphore_mem>>)
          %dma_wait3A = arith.constant 0 : i32
          %dma_wait3A_38 = tpu.memref_slice %arg8[%multiple_of3A_3, %dma_wait3A] : memref<10000x128xf32, #tpu.memory_space<hbm>> -> memref<632x128xf32, #tpu.memory_space<hbm>>
          %dma_wait3A_39 = arith.constant 0 : i32
          %dma_wait3A_40 = tpu.memref_slice %arg9[%multiple_of3A_3, %dma_wait3A_39] : memref<10008x128xf32, #tpu.memory_space<vmem_shared>> -> memref<632x128xf32, #tpu.memory_space<vmem_shared>>
          tpu.wait_dma2 semaphore(%run_scoped3A : memref<!tpu.dma_semaphore, #tpu.memory_space<semaphore_mem>>) src(%dma_wait3A_40 : memref<632x128xf32, #tpu.memory_space<vmem_shared>>) dst(%dma_wait3A_38 : memref<632x128xf32, #tpu.memory_space<hbm>>)
          tpu.yield
        }) : () -> ()
      } else {
      }
      %convert_element_type3A_32 = arith.extui %eq3A_4 : i1 to i32
      %cond3A_33 = arith.constant 0 : i32
      %cond3A_34 = arith.cmpi ne, %convert_element_type3A_32, %cond3A_33 : i32
      scf.if %cond3A_34 {
        "tpu.region"() ({
          %run_scoped3A = tpu.sem_alloc : memref<!tpu.dma_semaphore, #tpu.memory_space<semaphore_mem>>
          %dma_start3A = arith.constant 0 : i32
          %dma_start3A_35 = tpu.memref_slice %arg8[%multiple_of3A_3, %dma_start3A] : memref<10000x128xf32, #tpu.memory_space<hbm>> -> memref<520x128xf32, #tpu.memory_space<hbm>>
          %dma_start3A_36 = arith.constant 0 : i32
          %dma_start3A_37 = tpu.memref_slice %arg9[%multiple_of3A_3, %dma_start3A_36] : memref<10008x128xf32, #tpu.memory_space<vmem_shared>> -> memref<520x128xf32, #tpu.memory_space<vmem_shared>>
          tpu.enqueue_dma source(%dma_start3A_37 : memref<520x128xf32, #tpu.memory_space<vmem_shared>>) target(%dma_start3A_35 : memref<520x128xf32, #tpu.memory_space<hbm>>) target_semaphore(%run_scoped3A : memref<!tpu.dma_semaphore, #tpu.memory_space<semaphore_mem>>)
          %dma_wait3A = arith.constant 0 : i32
          %dma_wait3A_38 = tpu.memref_slice %arg8[%multiple_of3A_3, %dma_wait3A] : memref<10000x128xf32, #tpu.memory_space<hbm>> -> memref<520x128xf32, #tpu.memory_space<hbm>>
          %dma_wait3A_39 = arith.constant 0 : i32
          %dma_wait3A_40 = tpu.memref_slice %arg9[%multiple_of3A_3, %dma_wait3A_39] : memref<10008x128xf32, #tpu.memory_space<vmem_shared>> -> memref<520x128xf32, #tpu.memory_space<vmem_shared>>
          tpu.wait_dma2 semaphore(%run_scoped3A : memref<!tpu.dma_semaphore, #tpu.memory_space<semaphore_mem>>) src(%dma_wait3A_40 : memref<520x128xf32, #tpu.memory_space<vmem_shared>>) dst(%dma_wait3A_38 : memref<520x128xf32, #tpu.memory_space<hbm>>)
          tpu.yield
        }) : () -> ()
      } else {
      }
    } else {
    }
    return
  }
}

#map = affine_map<(d0, d1) -> (0)>
#map1 = affine_map<(d0, d1) -> (0, 0)>
module attributes {stable_mosaic.version = 14 : i64} {
  func.func @_deg_body(%arg0: i32, %arg1: i32, %arg2: memref<10000xf32, #tpu.memory_space<hbm>>, %arg3: memref<2560x128xf32, #tpu.memory_space<hbm>>, %arg4: memref<2560x128xi32, #tpu.memory_space<hbm>>, %arg5: memref<2560x128xi32, #tpu.memory_space<hbm>>, %arg6: memref<10000xf32, #tpu.memory_space<hbm>>, %arg7: memref<10000xf32, #tpu.memory_space<hbm>>, %arg8: memref<10008xf32, #tpu.memory_space<vmem_shared>>, %arg9: memref<160x128xf32, #tpu.memory_space<vmem>>, %arg10: memref<160x128xi32, #tpu.memory_space<vmem>>, %arg11: memref<632xf32, #tpu.memory_space<vmem>>) attributes {dimension_semantics = [#tpu.dimension_semantics<core_parallel>, #tpu.dimension_semantics<subcore_parallel>], iteration_bounds = array<i64: 2, 16>, scalar_prefetch = 0 : i64, scratch_operands = 4 : i64, tpu.core_type = #tpu.core_type<sc_vector_subcore>, window_params = [{transform_indices = #map}, {transform_indices = #map1}, {transform_indices = #map1}, {transform_indices = #map1}, {transform_indices = #map}, {transform_indices = #map}]} {
    %mul3A = arith.constant 160 : i32
    %mul3A_0 = arith.muli %mul3A, %arg1 : i32
    %multiple_of3A = tpu.assume_multiple %mul3A_0, 8 : i32
    %mul3A_1 = arith.constant 632 : i32
    %mul3A_2 = arith.muli %mul3A_1, %arg1 : i32
    %multiple_of3A_3 = tpu.assume_multiple %mul3A_2, 8 : i32
    %eq3A = arith.constant 15 : i32
    %eq3A_4 = arith.cmpi eq, %arg1, %eq3A : i32
    %not3A = arith.constant true
    %not3A_5 = arith.xori %eq3A_4, %not3A : i1
    %convert_element_type3A = arith.extui %not3A_5 : i1 to i32
    %cond3A = arith.constant 0 : i32
    %cond3A_6 = arith.cmpi ne, %convert_element_type3A, %cond3A : i32
    scf.if %cond3A_6 {
      "tpu.region"() ({
        %run_scoped3A = tpu.sem_alloc : memref<!tpu.dma_semaphore, #tpu.memory_space<semaphore_mem>>
        %dma_start3A = tpu.memref_slice %arg2[%multiple_of3A_3] : memref<10000xf32, #tpu.memory_space<hbm>> -> memref<632xf32, #tpu.memory_space<hbm>>
        %dma_start3A_20 = tpu.memref_slice %arg2[%multiple_of3A_3] : memref<10000xf32, #tpu.memory_space<hbm>> -> memref<632xf32, #tpu.memory_space<hbm>>
        tpu.enqueue_dma source(%dma_start3A_20 : memref<632xf32, #tpu.memory_space<hbm>>) target(%arg11 : memref<632xf32, #tpu.memory_space<vmem>>) target_semaphore(%run_scoped3A : memref<!tpu.dma_semaphore, #tpu.memory_space<semaphore_mem>>)
        %dma_wait3A = tpu.memref_slice %arg2[%multiple_of3A_3] : memref<10000xf32, #tpu.memory_space<hbm>> -> memref<632xf32, #tpu.memory_space<hbm>>
        %dma_wait3A_21 = tpu.memref_slice %arg2[%multiple_of3A_3] : memref<10000xf32, #tpu.memory_space<hbm>> -> memref<632xf32, #tpu.memory_space<hbm>>
        tpu.wait_dma2 semaphore(%run_scoped3A : memref<!tpu.dma_semaphore, #tpu.memory_space<semaphore_mem>>) src(%dma_wait3A_21 : memref<632xf32, #tpu.memory_space<hbm>>) dst(%arg11 : memref<632xf32, #tpu.memory_space<vmem>>)
        tpu.yield
      }) : () -> ()
      "tpu.region"() ({
        %run_scoped3A = tpu.sem_alloc : memref<!tpu.dma_semaphore, #tpu.memory_space<semaphore_mem>>
        %dma_start3A = tpu.memref_slice %arg8[%multiple_of3A_3] : memref<10008xf32, #tpu.memory_space<vmem_shared>> -> memref<632xf32, #tpu.memory_space<vmem_shared>>
        %dma_start3A_20 = tpu.memref_slice %arg8[%multiple_of3A_3] : memref<10008xf32, #tpu.memory_space<vmem_shared>> -> memref<632xf32, #tpu.memory_space<vmem_shared>>
        tpu.enqueue_dma source(%arg11 : memref<632xf32, #tpu.memory_space<vmem>>) target(%dma_start3A_20 : memref<632xf32, #tpu.memory_space<vmem_shared>>) target_semaphore(%run_scoped3A : memref<!tpu.dma_semaphore, #tpu.memory_space<semaphore_mem>>)
        %dma_wait3A = tpu.memref_slice %arg8[%multiple_of3A_3] : memref<10008xf32, #tpu.memory_space<vmem_shared>> -> memref<632xf32, #tpu.memory_space<vmem_shared>>
        %dma_wait3A_21 = tpu.memref_slice %arg8[%multiple_of3A_3] : memref<10008xf32, #tpu.memory_space<vmem_shared>> -> memref<632xf32, #tpu.memory_space<vmem_shared>>
        tpu.wait_dma2 semaphore(%run_scoped3A : memref<!tpu.dma_semaphore, #tpu.memory_space<semaphore_mem>>) src(%arg11 : memref<632xf32, #tpu.memory_space<vmem>>) dst(%dma_wait3A_21 : memref<632xf32, #tpu.memory_space<vmem_shared>>)
        tpu.yield
      }) : () -> ()
    } else {
    }
    %convert_element_type3A_7 = arith.extui %eq3A_4 : i1 to i32
    %cond3A_8 = arith.constant 0 : i32
    %cond3A_9 = arith.cmpi ne, %convert_element_type3A_7, %cond3A_8 : i32
    scf.if %cond3A_9 {
      "tpu.region"() ({
        %run_scoped3A = tpu.sem_alloc : memref<!tpu.dma_semaphore, #tpu.memory_space<semaphore_mem>>
        %dma_start3A = arith.constant 0 : i32
        %dma_start3A_20 = tpu.memref_slice %arg11[%dma_start3A] : memref<632xf32, #tpu.memory_space<vmem>> -> memref<520xf32, #tpu.memory_space<vmem>>
        %dma_start3A_21 = tpu.memref_slice %arg2[%multiple_of3A_3] : memref<10000xf32, #tpu.memory_space<hbm>> -> memref<520xf32, #tpu.memory_space<hbm>>
        %dma_start3A_22 = arith.constant 0 : i32
        %dma_start3A_23 = tpu.memref_slice %arg11[%dma_start3A_22] : memref<632xf32, #tpu.memory_space<vmem>> -> memref<520xf32, #tpu.memory_space<vmem>>
        %dma_start3A_24 = tpu.memref_slice %arg2[%multiple_of3A_3] : memref<10000xf32, #tpu.memory_space<hbm>> -> memref<520xf32, #tpu.memory_space<hbm>>
        tpu.enqueue_dma source(%dma_start3A_24 : memref<520xf32, #tpu.memory_space<hbm>>) target(%dma_start3A_23 : memref<520xf32, #tpu.memory_space<vmem>>) target_semaphore(%run_scoped3A : memref<!tpu.dma_semaphore, #tpu.memory_space<semaphore_mem>>)
        %dma_wait3A = arith.constant 0 : i32
        %dma_wait3A_25 = tpu.memref_slice %arg11[%dma_wait3A] : memref<632xf32, #tpu.memory_space<vmem>> -> memref<520xf32, #tpu.memory_space<vmem>>
        %dma_wait3A_26 = tpu.memref_slice %arg2[%multiple_of3A_3] : memref<10000xf32, #tpu.memory_space<hbm>> -> memref<520xf32, #tpu.memory_space<hbm>>
        %dma_wait3A_27 = arith.constant 0 : i32
        %dma_wait3A_28 = tpu.memref_slice %arg11[%dma_wait3A_27] : memref<632xf32, #tpu.memory_space<vmem>> -> memref<520xf32, #tpu.memory_space<vmem>>
        %dma_wait3A_29 = tpu.memref_slice %arg2[%multiple_of3A_3] : memref<10000xf32, #tpu.memory_space<hbm>> -> memref<520xf32, #tpu.memory_space<hbm>>
        tpu.wait_dma2 semaphore(%run_scoped3A : memref<!tpu.dma_semaphore, #tpu.memory_space<semaphore_mem>>) src(%dma_wait3A_29 : memref<520xf32, #tpu.memory_space<hbm>>) dst(%dma_wait3A_28 : memref<520xf32, #tpu.memory_space<vmem>>)
        tpu.yield
      }) : () -> ()
      "tpu.region"() ({
        %run_scoped3A = tpu.sem_alloc : memref<!tpu.dma_semaphore, #tpu.memory_space<semaphore_mem>>
        %dma_start3A = arith.constant 0 : i32
        %dma_start3A_20 = tpu.memref_slice %arg11[%dma_start3A] : memref<632xf32, #tpu.memory_space<vmem>> -> memref<520xf32, #tpu.memory_space<vmem>>
        %dma_start3A_21 = tpu.memref_slice %arg8[%multiple_of3A_3] : memref<10008xf32, #tpu.memory_space<vmem_shared>> -> memref<520xf32, #tpu.memory_space<vmem_shared>>
        %dma_start3A_22 = tpu.memref_slice %arg8[%multiple_of3A_3] : memref<10008xf32, #tpu.memory_space<vmem_shared>> -> memref<520xf32, #tpu.memory_space<vmem_shared>>
        %dma_start3A_23 = arith.constant 0 : i32
        %dma_start3A_24 = tpu.memref_slice %arg11[%dma_start3A_23] : memref<632xf32, #tpu.memory_space<vmem>> -> memref<520xf32, #tpu.memory_space<vmem>>
        tpu.enqueue_dma source(%dma_start3A_24 : memref<520xf32, #tpu.memory_space<vmem>>) target(%dma_start3A_22 : memref<520xf32, #tpu.memory_space<vmem_shared>>) target_semaphore(%run_scoped3A : memref<!tpu.dma_semaphore, #tpu.memory_space<semaphore_mem>>)
        %dma_wait3A = arith.constant 0 : i32
        %dma_wait3A_25 = tpu.memref_slice %arg11[%dma_wait3A] : memref<632xf32, #tpu.memory_space<vmem>> -> memref<520xf32, #tpu.memory_space<vmem>>
        %dma_wait3A_26 = tpu.memref_slice %arg8[%multiple_of3A_3] : memref<10008xf32, #tpu.memory_space<vmem_shared>> -> memref<520xf32, #tpu.memory_space<vmem_shared>>
        %dma_wait3A_27 = tpu.memref_slice %arg8[%multiple_of3A_3] : memref<10008xf32, #tpu.memory_space<vmem_shared>> -> memref<520xf32, #tpu.memory_space<vmem_shared>>
        %dma_wait3A_28 = arith.constant 0 : i32
        %dma_wait3A_29 = tpu.memref_slice %arg11[%dma_wait3A_28] : memref<632xf32, #tpu.memory_space<vmem>> -> memref<520xf32, #tpu.memory_space<vmem>>
        tpu.wait_dma2 semaphore(%run_scoped3A : memref<!tpu.dma_semaphore, #tpu.memory_space<semaphore_mem>>) src(%dma_wait3A_29 : memref<520xf32, #tpu.memory_space<vmem>>) dst(%dma_wait3A_27 : memref<520xf32, #tpu.memory_space<vmem_shared>>)
        tpu.yield
      }) : () -> ()
    } else {
    }
    %eq3A_10 = arith.constant 0 : i32
    %eq3A_11 = arith.cmpi eq, %arg0, %eq3A_10 : i32
    %convert_element_type3A_12 = arith.extui %eq3A_11 : i1 to i32
    %cond3A_13 = arith.constant 0 : i32
    %cond3A_14 = arith.cmpi ne, %convert_element_type3A_12, %cond3A_13 : i32
    scf.if %cond3A_14 {
      "tpu.region"() ({
        %run_scoped3A = tpu.sem_alloc : memref<!tpu.dma_semaphore, #tpu.memory_space<semaphore_mem>>
        %dma_start3A = arith.constant 0 : i32
        %dma_start3A_35 = tpu.memref_slice %arg3[%multiple_of3A, %dma_start3A] : memref<2560x128xf32, #tpu.memory_space<hbm>> -> memref<160x128xf32, #tpu.memory_space<hbm>>
        %dma_start3A_36 = arith.constant 0 : i32
        %dma_start3A_37 = tpu.memref_slice %arg3[%multiple_of3A, %dma_start3A_36] : memref<2560x128xf32, #tpu.memory_space<hbm>> -> memref<160x128xf32, #tpu.memory_space<hbm>>
        tpu.enqueue_dma source(%dma_start3A_37 : memref<160x128xf32, #tpu.memory_space<hbm>>) target(%arg9 : memref<160x128xf32, #tpu.memory_space<vmem>>) target_semaphore(%run_scoped3A : memref<!tpu.dma_semaphore, #tpu.memory_space<semaphore_mem>>)
        %dma_wait3A = arith.constant 0 : i32
        %dma_wait3A_38 = tpu.memref_slice %arg3[%multiple_of3A, %dma_wait3A] : memref<2560x128xf32, #tpu.memory_space<hbm>> -> memref<160x128xf32, #tpu.memory_space<hbm>>
        %dma_wait3A_39 = arith.constant 0 : i32
        %dma_wait3A_40 = tpu.memref_slice %arg3[%multiple_of3A, %dma_wait3A_39] : memref<2560x128xf32, #tpu.memory_space<hbm>> -> memref<160x128xf32, #tpu.memory_space<hbm>>
        tpu.wait_dma2 semaphore(%run_scoped3A : memref<!tpu.dma_semaphore, #tpu.memory_space<semaphore_mem>>) src(%dma_wait3A_40 : memref<160x128xf32, #tpu.memory_space<hbm>>) dst(%arg9 : memref<160x128xf32, #tpu.memory_space<vmem>>)
        tpu.yield
      }) : () -> ()
      "tpu.region"() ({
        %run_scoped3A = tpu.sem_alloc : memref<!tpu.dma_semaphore, #tpu.memory_space<semaphore_mem>>
        %dma_start3A = arith.constant 0 : i32
        %dma_start3A_35 = tpu.memref_slice %arg4[%multiple_of3A, %dma_start3A] : memref<2560x128xi32, #tpu.memory_space<hbm>> -> memref<160x128xi32, #tpu.memory_space<hbm>>
        %dma_start3A_36 = arith.constant 0 : i32
        %dma_start3A_37 = tpu.memref_slice %arg4[%multiple_of3A, %dma_start3A_36] : memref<2560x128xi32, #tpu.memory_space<hbm>> -> memref<160x128xi32, #tpu.memory_space<hbm>>
        tpu.enqueue_dma source(%dma_start3A_37 : memref<160x128xi32, #tpu.memory_space<hbm>>) target(%arg10 : memref<160x128xi32, #tpu.memory_space<vmem>>) target_semaphore(%run_scoped3A : memref<!tpu.dma_semaphore, #tpu.memory_space<semaphore_mem>>)
        %dma_wait3A = arith.constant 0 : i32
        %dma_wait3A_38 = tpu.memref_slice %arg4[%multiple_of3A, %dma_wait3A] : memref<2560x128xi32, #tpu.memory_space<hbm>> -> memref<160x128xi32, #tpu.memory_space<hbm>>
        %dma_wait3A_39 = arith.constant 0 : i32
        %dma_wait3A_40 = tpu.memref_slice %arg4[%multiple_of3A, %dma_wait3A_39] : memref<2560x128xi32, #tpu.memory_space<hbm>> -> memref<160x128xi32, #tpu.memory_space<hbm>>
        tpu.wait_dma2 semaphore(%run_scoped3A : memref<!tpu.dma_semaphore, #tpu.memory_space<semaphore_mem>>) src(%dma_wait3A_40 : memref<160x128xi32, #tpu.memory_space<hbm>>) dst(%arg10 : memref<160x128xi32, #tpu.memory_space<vmem>>)
        tpu.yield
      }) : () -> ()
      %barrier3A = arith.constant 0 : index
      tpu.barrier barrier_id(%barrier3A)
      %scan3A = arith.constant 0 : i32
      %scan3A_20 = arith.constant 0 : i32
      %scan3A_21 = arith.constant 160 : i32
      %scan3A_22 = arith.addi %scan3A_20, %scan3A_21 : i32
      %scan3A_23 = arith.constant 1 : i32
      %scan3A_24 = scf.for %scan3A_35 = %scan3A_20 to %scan3A_22 step %scan3A_23 iter_args(%scan3A_36 = %scan3A) -> (i32)  : i32 {
        "tpu.region"() ({
          %run_scoped3A = tpu.sem_alloc : memref<!tpu.dma_semaphore, #tpu.memory_space<semaphore_mem>>
          %dma_start3A = arith.constant 0 : i32
          %dma_start3A_38 = tpu.memref_slice %arg9[%scan3A_35, %dma_start3A] : memref<160x128xf32, #tpu.memory_space<vmem>> -> memref<1x128xf32, #tpu.memory_space<vmem>>
          %dma_start3A_39 = tpu.memref_squeeze %dma_start3A_38 : memref<1x128xf32, #tpu.memory_space<vmem>> -> memref<128xf32, #tpu.memory_space<vmem>>
          %dma_start3A_40 = arith.constant 0 : i32
          %dma_start3A_41 = tpu.memref_slice %arg10[%scan3A_35, %dma_start3A_40] : memref<160x128xi32, #tpu.memory_space<vmem>> -> memref<1x128xi32, #tpu.memory_space<vmem>>
          %dma_start3A_42 = tpu.memref_squeeze %dma_start3A_41 : memref<1x128xi32, #tpu.memory_space<vmem>> -> memref<128xi32, #tpu.memory_space<vmem>>
          %dma_start3A_43 = arith.constant 0 : i32
          %dma_start3A_44 = tpu.memref_slice %arg8[%dma_start3A_43] : memref<10008xf32, #tpu.memory_space<vmem_shared>> -> memref<10008xf32, #tpu.memory_space<vmem_shared>>
          tpu.enqueue_indirect_dma source(%dma_start3A_39 : memref<128xf32, #tpu.memory_space<vmem>>) target(%dma_start3A_44 : memref<10008xf32, #tpu.memory_space<vmem_shared>>) offsets(%dma_start3A_42 : memref<128xi32, #tpu.memory_space<vmem>>) semaphore(%run_scoped3A : memref<!tpu.dma_semaphore, #tpu.memory_space<semaphore_mem>>) {add = true}
          %dma_wait3A = arith.constant 0 : i32
          %dma_wait3A_45 = tpu.memref_slice %arg9[%scan3A_35, %dma_wait3A] : memref<160x128xf32, #tpu.memory_space<vmem>> -> memref<1x128xf32, #tpu.memory_space<vmem>>
          %dma_wait3A_46 = tpu.memref_squeeze %dma_wait3A_45 : memref<1x128xf32, #tpu.memory_space<vmem>> -> memref<128xf32, #tpu.memory_space<vmem>>
          %dma_wait3A_47 = arith.constant 0 : i32
          %dma_wait3A_48 = tpu.memref_slice %arg10[%scan3A_35, %dma_wait3A_47] : memref<160x128xi32, #tpu.memory_space<vmem>> -> memref<1x128xi32, #tpu.memory_space<vmem>>
          %dma_wait3A_49 = tpu.memref_squeeze %dma_wait3A_48 : memref<1x128xi32, #tpu.memory_space<vmem>> -> memref<128xi32, #tpu.memory_space<vmem>>
          %dma_wait3A_50 = arith.constant 0 : i32
          %dma_wait3A_51 = tpu.memref_slice %arg8[%dma_wait3A_50] : memref<10008xf32, #tpu.memory_space<vmem_shared>> -> memref<10008xf32, #tpu.memory_space<vmem_shared>>
          tpu.wait_indirect_dma semaphore(%run_scoped3A : memref<!tpu.dma_semaphore, #tpu.memory_space<semaphore_mem>>) src(%dma_wait3A_46 : memref<128xf32, #tpu.memory_space<vmem>>) dst(%dma_wait3A_51 : memref<10008xf32, #tpu.memory_space<vmem_shared>>)
          tpu.yield
        }) : () -> ()
        %scan3A_37 = arith.constant 0 : i32
        scf.yield %scan3A_37 : i32
      }
      %scan3A_25 = arith.constant 160 : i32
      %barrier3A_26 = arith.constant 0 : index
      tpu.barrier barrier_id(%barrier3A_26)
      %not3A_27 = arith.constant true
      %not3A_28 = arith.xori %eq3A_4, %not3A_27 : i1
      %convert_element_type3A_29 = arith.extui %not3A_28 : i1 to i32
      %cond3A_30 = arith.constant 0 : i32
      %cond3A_31 = arith.cmpi ne, %convert_element_type3A_29, %cond3A_30 : i32
      scf.if %cond3A_31 {
        "tpu.region"() ({
          %run_scoped3A = tpu.sem_alloc : memref<!tpu.dma_semaphore, #tpu.memory_space<semaphore_mem>>
          %dma_start3A = tpu.memref_slice %arg8[%multiple_of3A_3] : memref<10008xf32, #tpu.memory_space<vmem_shared>> -> memref<632xf32, #tpu.memory_space<vmem_shared>>
          %dma_start3A_35 = tpu.memref_slice %arg8[%multiple_of3A_3] : memref<10008xf32, #tpu.memory_space<vmem_shared>> -> memref<632xf32, #tpu.memory_space<vmem_shared>>
          tpu.enqueue_dma source(%dma_start3A_35 : memref<632xf32, #tpu.memory_space<vmem_shared>>) target(%arg11 : memref<632xf32, #tpu.memory_space<vmem>>) target_semaphore(%run_scoped3A : memref<!tpu.dma_semaphore, #tpu.memory_space<semaphore_mem>>)
          %dma_wait3A = tpu.memref_slice %arg8[%multiple_of3A_3] : memref<10008xf32, #tpu.memory_space<vmem_shared>> -> memref<632xf32, #tpu.memory_space<vmem_shared>>
          %dma_wait3A_36 = tpu.memref_slice %arg8[%multiple_of3A_3] : memref<10008xf32, #tpu.memory_space<vmem_shared>> -> memref<632xf32, #tpu.memory_space<vmem_shared>>
          tpu.wait_dma2 semaphore(%run_scoped3A : memref<!tpu.dma_semaphore, #tpu.memory_space<semaphore_mem>>) src(%dma_wait3A_36 : memref<632xf32, #tpu.memory_space<vmem_shared>>) dst(%arg11 : memref<632xf32, #tpu.memory_space<vmem>>)
          tpu.yield
        }) : () -> ()
        "tpu.region"() ({
          %run_scoped3A = tpu.sem_alloc : memref<!tpu.dma_semaphore, #tpu.memory_space<semaphore_mem>>
          %dma_start3A = tpu.memref_slice %arg6[%multiple_of3A_3] : memref<10000xf32, #tpu.memory_space<hbm>> -> memref<632xf32, #tpu.memory_space<hbm>>
          %dma_start3A_35 = tpu.memref_slice %arg6[%multiple_of3A_3] : memref<10000xf32, #tpu.memory_space<hbm>> -> memref<632xf32, #tpu.memory_space<hbm>>
          tpu.enqueue_dma source(%arg11 : memref<632xf32, #tpu.memory_space<vmem>>) target(%dma_start3A_35 : memref<632xf32, #tpu.memory_space<hbm>>) target_semaphore(%run_scoped3A : memref<!tpu.dma_semaphore, #tpu.memory_space<semaphore_mem>>)
          %dma_wait3A = tpu.memref_slice %arg6[%multiple_of3A_3] : memref<10000xf32, #tpu.memory_space<hbm>> -> memref<632xf32, #tpu.memory_space<hbm>>
          %dma_wait3A_36 = tpu.memref_slice %arg6[%multiple_of3A_3] : memref<10000xf32, #tpu.memory_space<hbm>> -> memref<632xf32, #tpu.memory_space<hbm>>
          tpu.wait_dma2 semaphore(%run_scoped3A : memref<!tpu.dma_semaphore, #tpu.memory_space<semaphore_mem>>) src(%arg11 : memref<632xf32, #tpu.memory_space<vmem>>) dst(%dma_wait3A_36 : memref<632xf32, #tpu.memory_space<hbm>>)
          tpu.yield
        }) : () -> ()
      } else {
      }
      %convert_element_type3A_32 = arith.extui %eq3A_4 : i1 to i32
      %cond3A_33 = arith.constant 0 : i32
      %cond3A_34 = arith.cmpi ne, %convert_element_type3A_32, %cond3A_33 : i32
      scf.if %cond3A_34 {
        "tpu.region"() ({
          %run_scoped3A = tpu.sem_alloc : memref<!tpu.dma_semaphore, #tpu.memory_space<semaphore_mem>>
          %dma_start3A = arith.constant 0 : i32
          %dma_start3A_35 = tpu.memref_slice %arg11[%dma_start3A] : memref<632xf32, #tpu.memory_space<vmem>> -> memref<520xf32, #tpu.memory_space<vmem>>
          %dma_start3A_36 = tpu.memref_slice %arg8[%multiple_of3A_3] : memref<10008xf32, #tpu.memory_space<vmem_shared>> -> memref<520xf32, #tpu.memory_space<vmem_shared>>
          %dma_start3A_37 = arith.constant 0 : i32
          %dma_start3A_38 = tpu.memref_slice %arg11[%dma_start3A_37] : memref<632xf32, #tpu.memory_space<vmem>> -> memref<520xf32, #tpu.memory_space<vmem>>
          %dma_start3A_39 = tpu.memref_slice %arg8[%multiple_of3A_3] : memref<10008xf32, #tpu.memory_space<vmem_shared>> -> memref<520xf32, #tpu.memory_space<vmem_shared>>
          tpu.enqueue_dma source(%dma_start3A_39 : memref<520xf32, #tpu.memory_space<vmem_shared>>) target(%dma_start3A_38 : memref<520xf32, #tpu.memory_space<vmem>>) target_semaphore(%run_scoped3A : memref<!tpu.dma_semaphore, #tpu.memory_space<semaphore_mem>>)
          %dma_wait3A = arith.constant 0 : i32
          %dma_wait3A_40 = tpu.memref_slice %arg11[%dma_wait3A] : memref<632xf32, #tpu.memory_space<vmem>> -> memref<520xf32, #tpu.memory_space<vmem>>
          %dma_wait3A_41 = tpu.memref_slice %arg8[%multiple_of3A_3] : memref<10008xf32, #tpu.memory_space<vmem_shared>> -> memref<520xf32, #tpu.memory_space<vmem_shared>>
          %dma_wait3A_42 = arith.constant 0 : i32
          %dma_wait3A_43 = tpu.memref_slice %arg11[%dma_wait3A_42] : memref<632xf32, #tpu.memory_space<vmem>> -> memref<520xf32, #tpu.memory_space<vmem>>
          %dma_wait3A_44 = tpu.memref_slice %arg8[%multiple_of3A_3] : memref<10008xf32, #tpu.memory_space<vmem_shared>> -> memref<520xf32, #tpu.memory_space<vmem_shared>>
          tpu.wait_dma2 semaphore(%run_scoped3A : memref<!tpu.dma_semaphore, #tpu.memory_space<semaphore_mem>>) src(%dma_wait3A_44 : memref<520xf32, #tpu.memory_space<vmem_shared>>) dst(%dma_wait3A_43 : memref<520xf32, #tpu.memory_space<vmem>>)
          tpu.yield
        }) : () -> ()
        "tpu.region"() ({
          %run_scoped3A = tpu.sem_alloc : memref<!tpu.dma_semaphore, #tpu.memory_space<semaphore_mem>>
          %dma_start3A = arith.constant 0 : i32
          %dma_start3A_35 = tpu.memref_slice %arg11[%dma_start3A] : memref<632xf32, #tpu.memory_space<vmem>> -> memref<520xf32, #tpu.memory_space<vmem>>
          %dma_start3A_36 = tpu.memref_slice %arg6[%multiple_of3A_3] : memref<10000xf32, #tpu.memory_space<hbm>> -> memref<520xf32, #tpu.memory_space<hbm>>
          %dma_start3A_37 = tpu.memref_slice %arg6[%multiple_of3A_3] : memref<10000xf32, #tpu.memory_space<hbm>> -> memref<520xf32, #tpu.memory_space<hbm>>
          %dma_start3A_38 = arith.constant 0 : i32
          %dma_start3A_39 = tpu.memref_slice %arg11[%dma_start3A_38] : memref<632xf32, #tpu.memory_space<vmem>> -> memref<520xf32, #tpu.memory_space<vmem>>
          tpu.enqueue_dma source(%dma_start3A_39 : memref<520xf32, #tpu.memory_space<vmem>>) target(%dma_start3A_37 : memref<520xf32, #tpu.memory_space<hbm>>) target_semaphore(%run_scoped3A : memref<!tpu.dma_semaphore, #tpu.memory_space<semaphore_mem>>)
          %dma_wait3A = arith.constant 0 : i32
          %dma_wait3A_40 = tpu.memref_slice %arg11[%dma_wait3A] : memref<632xf32, #tpu.memory_space<vmem>> -> memref<520xf32, #tpu.memory_space<vmem>>
          %dma_wait3A_41 = tpu.memref_slice %arg6[%multiple_of3A_3] : memref<10000xf32, #tpu.memory_space<hbm>> -> memref<520xf32, #tpu.memory_space<hbm>>
          %dma_wait3A_42 = tpu.memref_slice %arg6[%multiple_of3A_3] : memref<10000xf32, #tpu.memory_space<hbm>> -> memref<520xf32, #tpu.memory_space<hbm>>
          %dma_wait3A_43 = arith.constant 0 : i32
          %dma_wait3A_44 = tpu.memref_slice %arg11[%dma_wait3A_43] : memref<632xf32, #tpu.memory_space<vmem>> -> memref<520xf32, #tpu.memory_space<vmem>>
          tpu.wait_dma2 semaphore(%run_scoped3A : memref<!tpu.dma_semaphore, #tpu.memory_space<semaphore_mem>>) src(%dma_wait3A_44 : memref<520xf32, #tpu.memory_space<vmem>>) dst(%dma_wait3A_42 : memref<520xf32, #tpu.memory_space<hbm>>)
          tpu.yield
        }) : () -> ()
      } else {
      }
    } else {
    }
    %eq3A_15 = arith.constant 1 : i32
    %eq3A_16 = arith.cmpi eq, %arg0, %eq3A_15 : i32
    %convert_element_type3A_17 = arith.extui %eq3A_16 : i1 to i32
    %cond3A_18 = arith.constant 0 : i32
    %cond3A_19 = arith.cmpi ne, %convert_element_type3A_17, %cond3A_18 : i32
    scf.if %cond3A_19 {
      "tpu.region"() ({
        %run_scoped3A = tpu.sem_alloc : memref<!tpu.dma_semaphore, #tpu.memory_space<semaphore_mem>>
        %dma_start3A = arith.constant 0 : i32
        %dma_start3A_35 = tpu.memref_slice %arg3[%multiple_of3A, %dma_start3A] : memref<2560x128xf32, #tpu.memory_space<hbm>> -> memref<160x128xf32, #tpu.memory_space<hbm>>
        %dma_start3A_36 = arith.constant 0 : i32
        %dma_start3A_37 = tpu.memref_slice %arg3[%multiple_of3A, %dma_start3A_36] : memref<2560x128xf32, #tpu.memory_space<hbm>> -> memref<160x128xf32, #tpu.memory_space<hbm>>
        tpu.enqueue_dma source(%dma_start3A_37 : memref<160x128xf32, #tpu.memory_space<hbm>>) target(%arg9 : memref<160x128xf32, #tpu.memory_space<vmem>>) target_semaphore(%run_scoped3A : memref<!tpu.dma_semaphore, #tpu.memory_space<semaphore_mem>>)
        %dma_wait3A = arith.constant 0 : i32
        %dma_wait3A_38 = tpu.memref_slice %arg3[%multiple_of3A, %dma_wait3A] : memref<2560x128xf32, #tpu.memory_space<hbm>> -> memref<160x128xf32, #tpu.memory_space<hbm>>
        %dma_wait3A_39 = arith.constant 0 : i32
        %dma_wait3A_40 = tpu.memref_slice %arg3[%multiple_of3A, %dma_wait3A_39] : memref<2560x128xf32, #tpu.memory_space<hbm>> -> memref<160x128xf32, #tpu.memory_space<hbm>>
        tpu.wait_dma2 semaphore(%run_scoped3A : memref<!tpu.dma_semaphore, #tpu.memory_space<semaphore_mem>>) src(%dma_wait3A_40 : memref<160x128xf32, #tpu.memory_space<hbm>>) dst(%arg9 : memref<160x128xf32, #tpu.memory_space<vmem>>)
        tpu.yield
      }) : () -> ()
      "tpu.region"() ({
        %run_scoped3A = tpu.sem_alloc : memref<!tpu.dma_semaphore, #tpu.memory_space<semaphore_mem>>
        %dma_start3A = arith.constant 0 : i32
        %dma_start3A_35 = tpu.memref_slice %arg5[%multiple_of3A, %dma_start3A] : memref<2560x128xi32, #tpu.memory_space<hbm>> -> memref<160x128xi32, #tpu.memory_space<hbm>>
        %dma_start3A_36 = arith.constant 0 : i32
        %dma_start3A_37 = tpu.memref_slice %arg5[%multiple_of3A, %dma_start3A_36] : memref<2560x128xi32, #tpu.memory_space<hbm>> -> memref<160x128xi32, #tpu.memory_space<hbm>>
        tpu.enqueue_dma source(%dma_start3A_37 : memref<160x128xi32, #tpu.memory_space<hbm>>) target(%arg10 : memref<160x128xi32, #tpu.memory_space<vmem>>) target_semaphore(%run_scoped3A : memref<!tpu.dma_semaphore, #tpu.memory_space<semaphore_mem>>)
        %dma_wait3A = arith.constant 0 : i32
        %dma_wait3A_38 = tpu.memref_slice %arg5[%multiple_of3A, %dma_wait3A] : memref<2560x128xi32, #tpu.memory_space<hbm>> -> memref<160x128xi32, #tpu.memory_space<hbm>>
        %dma_wait3A_39 = arith.constant 0 : i32
        %dma_wait3A_40 = tpu.memref_slice %arg5[%multiple_of3A, %dma_wait3A_39] : memref<2560x128xi32, #tpu.memory_space<hbm>> -> memref<160x128xi32, #tpu.memory_space<hbm>>
        tpu.wait_dma2 semaphore(%run_scoped3A : memref<!tpu.dma_semaphore, #tpu.memory_space<semaphore_mem>>) src(%dma_wait3A_40 : memref<160x128xi32, #tpu.memory_space<hbm>>) dst(%arg10 : memref<160x128xi32, #tpu.memory_space<vmem>>)
        tpu.yield
      }) : () -> ()
      %barrier3A = arith.constant 0 : index
      tpu.barrier barrier_id(%barrier3A)
      %scan3A = arith.constant 0 : i32
      %scan3A_20 = arith.constant 0 : i32
      %scan3A_21 = arith.constant 160 : i32
      %scan3A_22 = arith.addi %scan3A_20, %scan3A_21 : i32
      %scan3A_23 = arith.constant 1 : i32
      %scan3A_24 = scf.for %scan3A_35 = %scan3A_20 to %scan3A_22 step %scan3A_23 iter_args(%scan3A_36 = %scan3A) -> (i32)  : i32 {
        "tpu.region"() ({
          %run_scoped3A = tpu.sem_alloc : memref<!tpu.dma_semaphore, #tpu.memory_space<semaphore_mem>>
          %dma_start3A = arith.constant 0 : i32
          %dma_start3A_38 = tpu.memref_slice %arg9[%scan3A_35, %dma_start3A] : memref<160x128xf32, #tpu.memory_space<vmem>> -> memref<1x128xf32, #tpu.memory_space<vmem>>
          %dma_start3A_39 = tpu.memref_squeeze %dma_start3A_38 : memref<1x128xf32, #tpu.memory_space<vmem>> -> memref<128xf32, #tpu.memory_space<vmem>>
          %dma_start3A_40 = arith.constant 0 : i32
          %dma_start3A_41 = tpu.memref_slice %arg10[%scan3A_35, %dma_start3A_40] : memref<160x128xi32, #tpu.memory_space<vmem>> -> memref<1x128xi32, #tpu.memory_space<vmem>>
          %dma_start3A_42 = tpu.memref_squeeze %dma_start3A_41 : memref<1x128xi32, #tpu.memory_space<vmem>> -> memref<128xi32, #tpu.memory_space<vmem>>
          %dma_start3A_43 = arith.constant 0 : i32
          %dma_start3A_44 = tpu.memref_slice %arg8[%dma_start3A_43] : memref<10008xf32, #tpu.memory_space<vmem_shared>> -> memref<10008xf32, #tpu.memory_space<vmem_shared>>
          tpu.enqueue_indirect_dma source(%dma_start3A_39 : memref<128xf32, #tpu.memory_space<vmem>>) target(%dma_start3A_44 : memref<10008xf32, #tpu.memory_space<vmem_shared>>) offsets(%dma_start3A_42 : memref<128xi32, #tpu.memory_space<vmem>>) semaphore(%run_scoped3A : memref<!tpu.dma_semaphore, #tpu.memory_space<semaphore_mem>>) {add = true}
          %dma_wait3A = arith.constant 0 : i32
          %dma_wait3A_45 = tpu.memref_slice %arg9[%scan3A_35, %dma_wait3A] : memref<160x128xf32, #tpu.memory_space<vmem>> -> memref<1x128xf32, #tpu.memory_space<vmem>>
          %dma_wait3A_46 = tpu.memref_squeeze %dma_wait3A_45 : memref<1x128xf32, #tpu.memory_space<vmem>> -> memref<128xf32, #tpu.memory_space<vmem>>
          %dma_wait3A_47 = arith.constant 0 : i32
          %dma_wait3A_48 = tpu.memref_slice %arg10[%scan3A_35, %dma_wait3A_47] : memref<160x128xi32, #tpu.memory_space<vmem>> -> memref<1x128xi32, #tpu.memory_space<vmem>>
          %dma_wait3A_49 = tpu.memref_squeeze %dma_wait3A_48 : memref<1x128xi32, #tpu.memory_space<vmem>> -> memref<128xi32, #tpu.memory_space<vmem>>
          %dma_wait3A_50 = arith.constant 0 : i32
          %dma_wait3A_51 = tpu.memref_slice %arg8[%dma_wait3A_50] : memref<10008xf32, #tpu.memory_space<vmem_shared>> -> memref<10008xf32, #tpu.memory_space<vmem_shared>>
          tpu.wait_indirect_dma semaphore(%run_scoped3A : memref<!tpu.dma_semaphore, #tpu.memory_space<semaphore_mem>>) src(%dma_wait3A_46 : memref<128xf32, #tpu.memory_space<vmem>>) dst(%dma_wait3A_51 : memref<10008xf32, #tpu.memory_space<vmem_shared>>)
          tpu.yield
        }) : () -> ()
        %scan3A_37 = arith.constant 0 : i32
        scf.yield %scan3A_37 : i32
      }
      %scan3A_25 = arith.constant 160 : i32
      %barrier3A_26 = arith.constant 0 : index
      tpu.barrier barrier_id(%barrier3A_26)
      %not3A_27 = arith.constant true
      %not3A_28 = arith.xori %eq3A_4, %not3A_27 : i1
      %convert_element_type3A_29 = arith.extui %not3A_28 : i1 to i32
      %cond3A_30 = arith.constant 0 : i32
      %cond3A_31 = arith.cmpi ne, %convert_element_type3A_29, %cond3A_30 : i32
      scf.if %cond3A_31 {
        "tpu.region"() ({
          %run_scoped3A = tpu.sem_alloc : memref<!tpu.dma_semaphore, #tpu.memory_space<semaphore_mem>>
          %dma_start3A = tpu.memref_slice %arg8[%multiple_of3A_3] : memref<10008xf32, #tpu.memory_space<vmem_shared>> -> memref<632xf32, #tpu.memory_space<vmem_shared>>
          %dma_start3A_35 = tpu.memref_slice %arg8[%multiple_of3A_3] : memref<10008xf32, #tpu.memory_space<vmem_shared>> -> memref<632xf32, #tpu.memory_space<vmem_shared>>
          tpu.enqueue_dma source(%dma_start3A_35 : memref<632xf32, #tpu.memory_space<vmem_shared>>) target(%arg11 : memref<632xf32, #tpu.memory_space<vmem>>) target_semaphore(%run_scoped3A : memref<!tpu.dma_semaphore, #tpu.memory_space<semaphore_mem>>)
          %dma_wait3A = tpu.memref_slice %arg8[%multiple_of3A_3] : memref<10008xf32, #tpu.memory_space<vmem_shared>> -> memref<632xf32, #tpu.memory_space<vmem_shared>>
          %dma_wait3A_36 = tpu.memref_slice %arg8[%multiple_of3A_3] : memref<10008xf32, #tpu.memory_space<vmem_shared>> -> memref<632xf32, #tpu.memory_space<vmem_shared>>
          tpu.wait_dma2 semaphore(%run_scoped3A : memref<!tpu.dma_semaphore, #tpu.memory_space<semaphore_mem>>) src(%dma_wait3A_36 : memref<632xf32, #tpu.memory_space<vmem_shared>>) dst(%arg11 : memref<632xf32, #tpu.memory_space<vmem>>)
          tpu.yield
        }) : () -> ()
        "tpu.region"() ({
          %run_scoped3A = tpu.sem_alloc : memref<!tpu.dma_semaphore, #tpu.memory_space<semaphore_mem>>
          %dma_start3A = tpu.memref_slice %arg7[%multiple_of3A_3] : memref<10000xf32, #tpu.memory_space<hbm>> -> memref<632xf32, #tpu.memory_space<hbm>>
          %dma_start3A_35 = tpu.memref_slice %arg7[%multiple_of3A_3] : memref<10000xf32, #tpu.memory_space<hbm>> -> memref<632xf32, #tpu.memory_space<hbm>>
          tpu.enqueue_dma source(%arg11 : memref<632xf32, #tpu.memory_space<vmem>>) target(%dma_start3A_35 : memref<632xf32, #tpu.memory_space<hbm>>) target_semaphore(%run_scoped3A : memref<!tpu.dma_semaphore, #tpu.memory_space<semaphore_mem>>)
          %dma_wait3A = tpu.memref_slice %arg7[%multiple_of3A_3] : memref<10000xf32, #tpu.memory_space<hbm>> -> memref<632xf32, #tpu.memory_space<hbm>>
          %dma_wait3A_36 = tpu.memref_slice %arg7[%multiple_of3A_3] : memref<10000xf32, #tpu.memory_space<hbm>> -> memref<632xf32, #tpu.memory_space<hbm>>
          tpu.wait_dma2 semaphore(%run_scoped3A : memref<!tpu.dma_semaphore, #tpu.memory_space<semaphore_mem>>) src(%arg11 : memref<632xf32, #tpu.memory_space<vmem>>) dst(%dma_wait3A_36 : memref<632xf32, #tpu.memory_space<hbm>>)
          tpu.yield
        }) : () -> ()
      } else {
      }
      %convert_element_type3A_32 = arith.extui %eq3A_4 : i1 to i32
      %cond3A_33 = arith.constant 0 : i32
      %cond3A_34 = arith.cmpi ne, %convert_element_type3A_32, %cond3A_33 : i32
      scf.if %cond3A_34 {
        "tpu.region"() ({
          %run_scoped3A = tpu.sem_alloc : memref<!tpu.dma_semaphore, #tpu.memory_space<semaphore_mem>>
          %dma_start3A = arith.constant 0 : i32
          %dma_start3A_35 = tpu.memref_slice %arg11[%dma_start3A] : memref<632xf32, #tpu.memory_space<vmem>> -> memref<520xf32, #tpu.memory_space<vmem>>
          %dma_start3A_36 = tpu.memref_slice %arg8[%multiple_of3A_3] : memref<10008xf32, #tpu.memory_space<vmem_shared>> -> memref<520xf32, #tpu.memory_space<vmem_shared>>
          %dma_start3A_37 = arith.constant 0 : i32
          %dma_start3A_38 = tpu.memref_slice %arg11[%dma_start3A_37] : memref<632xf32, #tpu.memory_space<vmem>> -> memref<520xf32, #tpu.memory_space<vmem>>
          %dma_start3A_39 = tpu.memref_slice %arg8[%multiple_of3A_3] : memref<10008xf32, #tpu.memory_space<vmem_shared>> -> memref<520xf32, #tpu.memory_space<vmem_shared>>
          tpu.enqueue_dma source(%dma_start3A_39 : memref<520xf32, #tpu.memory_space<vmem_shared>>) target(%dma_start3A_38 : memref<520xf32, #tpu.memory_space<vmem>>) target_semaphore(%run_scoped3A : memref<!tpu.dma_semaphore, #tpu.memory_space<semaphore_mem>>)
          %dma_wait3A = arith.constant 0 : i32
          %dma_wait3A_40 = tpu.memref_slice %arg11[%dma_wait3A] : memref<632xf32, #tpu.memory_space<vmem>> -> memref<520xf32, #tpu.memory_space<vmem>>
          %dma_wait3A_41 = tpu.memref_slice %arg8[%multiple_of3A_3] : memref<10008xf32, #tpu.memory_space<vmem_shared>> -> memref<520xf32, #tpu.memory_space<vmem_shared>>
          %dma_wait3A_42 = arith.constant 0 : i32
          %dma_wait3A_43 = tpu.memref_slice %arg11[%dma_wait3A_42] : memref<632xf32, #tpu.memory_space<vmem>> -> memref<520xf32, #tpu.memory_space<vmem>>
          %dma_wait3A_44 = tpu.memref_slice %arg8[%multiple_of3A_3] : memref<10008xf32, #tpu.memory_space<vmem_shared>> -> memref<520xf32, #tpu.memory_space<vmem_shared>>
          tpu.wait_dma2 semaphore(%run_scoped3A : memref<!tpu.dma_semaphore, #tpu.memory_space<semaphore_mem>>) src(%dma_wait3A_44 : memref<520xf32, #tpu.memory_space<vmem_shared>>) dst(%dma_wait3A_43 : memref<520xf32, #tpu.memory_space<vmem>>)
          tpu.yield
        }) : () -> ()
        "tpu.region"() ({
          %run_scoped3A = tpu.sem_alloc : memref<!tpu.dma_semaphore, #tpu.memory_space<semaphore_mem>>
          %dma_start3A = arith.constant 0 : i32
          %dma_start3A_35 = tpu.memref_slice %arg11[%dma_start3A] : memref<632xf32, #tpu.memory_space<vmem>> -> memref<520xf32, #tpu.memory_space<vmem>>
          %dma_start3A_36 = tpu.memref_slice %arg7[%multiple_of3A_3] : memref<10000xf32, #tpu.memory_space<hbm>> -> memref<520xf32, #tpu.memory_space<hbm>>
          %dma_start3A_37 = tpu.memref_slice %arg7[%multiple_of3A_3] : memref<10000xf32, #tpu.memory_space<hbm>> -> memref<520xf32, #tpu.memory_space<hbm>>
          %dma_start3A_38 = arith.constant 0 : i32
          %dma_start3A_39 = tpu.memref_slice %arg11[%dma_start3A_38] : memref<632xf32, #tpu.memory_space<vmem>> -> memref<520xf32, #tpu.memory_space<vmem>>
          tpu.enqueue_dma source(%dma_start3A_39 : memref<520xf32, #tpu.memory_space<vmem>>) target(%dma_start3A_37 : memref<520xf32, #tpu.memory_space<hbm>>) target_semaphore(%run_scoped3A : memref<!tpu.dma_semaphore, #tpu.memory_space<semaphore_mem>>)
          %dma_wait3A = arith.constant 0 : i32
          %dma_wait3A_40 = tpu.memref_slice %arg11[%dma_wait3A] : memref<632xf32, #tpu.memory_space<vmem>> -> memref<520xf32, #tpu.memory_space<vmem>>
          %dma_wait3A_41 = tpu.memref_slice %arg7[%multiple_of3A_3] : memref<10000xf32, #tpu.memory_space<hbm>> -> memref<520xf32, #tpu.memory_space<hbm>>
          %dma_wait3A_42 = tpu.memref_slice %arg7[%multiple_of3A_3] : memref<10000xf32, #tpu.memory_space<hbm>> -> memref<520xf32, #tpu.memory_space<hbm>>
          %dma_wait3A_43 = arith.constant 0 : i32
          %dma_wait3A_44 = tpu.memref_slice %arg11[%dma_wait3A_43] : memref<632xf32, #tpu.memory_space<vmem>> -> memref<520xf32, #tpu.memory_space<vmem>>
          tpu.wait_dma2 semaphore(%run_scoped3A : memref<!tpu.dma_semaphore, #tpu.memory_space<semaphore_mem>>) src(%dma_wait3A_44 : memref<520xf32, #tpu.memory_space<vmem>>) dst(%dma_wait3A_42 : memref<520xf32, #tpu.memory_space<hbm>>)
          tpu.yield
        }) : () -> ()
      } else {
      }
    } else {
    }
    return
  }
}

#map = affine_map<(d0, d1) -> (0, 0)>
module attributes {stable_mosaic.version = 14 : i64} {
  func.func @_seg_body(%arg0: i32, %arg1: i32, %arg2: memref<10000x128xf32, #tpu.memory_space<hbm>>, %arg3: memref<10000x128xf32, #tpu.memory_space<hbm>>, %arg4: memref<10000x128xf32, #tpu.memory_space<hbm>>, %arg5: memref<2560x128xi32, #tpu.memory_space<hbm>>, %arg6: memref<2560x128xi32, #tpu.memory_space<hbm>>, %arg7: memref<10000x128xf32, #tpu.memory_space<hbm>>, %arg8: memref<10000x128xf32, #tpu.memory_space<hbm>>, %arg9: memref<10008x128xf32, #tpu.memory_space<vmem_shared>>, %arg10: memref<32x128xi32, #tpu.memory_space<vmem>>, %arg11: memref<32x128xi32, #tpu.memory_space<vmem>>, %arg12: memref<128x128xf32, #tpu.memory_space<vmem>>, %arg13: memref<128x128xf32, #tpu.memory_space<vmem>>, %arg14: memref<!tpu.dma_semaphore, #tpu.memory_space<semaphore_mem>>, %arg15: memref<!tpu.dma_semaphore, #tpu.memory_space<semaphore_mem>>) attributes {dimension_semantics = [#tpu.dimension_semantics<core_parallel>, #tpu.dimension_semantics<subcore_parallel>], iteration_bounds = array<i64: 2, 16>, scalar_prefetch = 0 : i64, scratch_operands = 7 : i64, tpu.core_type = #tpu.core_type<sc_vector_subcore>, window_params = [{transform_indices = #map}, {transform_indices = #map}, {transform_indices = #map}, {transform_indices = #map}, {transform_indices = #map}, {transform_indices = #map}, {transform_indices = #map}]} {
    %mul3A = arith.constant 160 : i32
    %mul3A_0 = arith.muli %mul3A, %arg1 : i32
    %multiple_of3A = tpu.assume_multiple %mul3A_0, 8 : i32
    %mul3A_1 = arith.constant 632 : i32
    %mul3A_2 = arith.muli %mul3A_1, %arg1 : i32
    %multiple_of3A_3 = tpu.assume_multiple %mul3A_2, 8 : i32
    %eq3A = arith.constant 15 : i32
    %eq3A_4 = arith.cmpi eq, %arg1, %eq3A : i32
    %not3A = arith.constant true
    %not3A_5 = arith.xori %eq3A_4, %not3A : i1
    %convert_element_type3A = arith.extui %not3A_5 : i1 to i32
    %cond3A = arith.constant 0 : i32
    %cond3A_6 = arith.cmpi ne, %convert_element_type3A, %cond3A : i32
    scf.if %cond3A_6 {
      "tpu.region"() ({
        %run_scoped3A = tpu.sem_alloc : memref<!tpu.dma_semaphore, #tpu.memory_space<semaphore_mem>>
        %dma_start3A = arith.constant 0 : i32
        %dma_start3A_20 = tpu.memref_slice %arg9[%multiple_of3A_3, %dma_start3A] : memref<10008x128xf32, #tpu.memory_space<vmem_shared>> -> memref<632x128xf32, #tpu.memory_space<vmem_shared>>
        %dma_start3A_21 = arith.constant 0 : i32
        %dma_start3A_22 = tpu.memref_slice %arg2[%multiple_of3A_3, %dma_start3A_21] : memref<10000x128xf32, #tpu.memory_space<hbm>> -> memref<632x128xf32, #tpu.memory_space<hbm>>
        tpu.enqueue_dma source(%dma_start3A_22 : memref<632x128xf32, #tpu.memory_space<hbm>>) target(%dma_start3A_20 : memref<632x128xf32, #tpu.memory_space<vmem_shared>>) target_semaphore(%run_scoped3A : memref<!tpu.dma_semaphore, #tpu.memory_space<semaphore_mem>>)
        %dma_wait3A = arith.constant 0 : i32
        %dma_wait3A_23 = tpu.memref_slice %arg9[%multiple_of3A_3, %dma_wait3A] : memref<10008x128xf32, #tpu.memory_space<vmem_shared>> -> memref<632x128xf32, #tpu.memory_space<vmem_shared>>
        %dma_wait3A_24 = arith.constant 0 : i32
        %dma_wait3A_25 = tpu.memref_slice %arg2[%multiple_of3A_3, %dma_wait3A_24] : memref<10000x128xf32, #tpu.memory_space<hbm>> -> memref<632x128xf32, #tpu.memory_space<hbm>>
        tpu.wait_dma2 semaphore(%run_scoped3A : memref<!tpu.dma_semaphore, #tpu.memory_space<semaphore_mem>>) src(%dma_wait3A_25 : memref<632x128xf32, #tpu.memory_space<hbm>>) dst(%dma_wait3A_23 : memref<632x128xf32, #tpu.memory_space<vmem_shared>>)
        tpu.yield
      }) : () -> ()
    } else {
    }
    %convert_element_type3A_7 = arith.extui %eq3A_4 : i1 to i32
    %cond3A_8 = arith.constant 0 : i32
    %cond3A_9 = arith.cmpi ne, %convert_element_type3A_7, %cond3A_8 : i32
    scf.if %cond3A_9 {
      "tpu.region"() ({
        %run_scoped3A = tpu.sem_alloc : memref<!tpu.dma_semaphore, #tpu.memory_space<semaphore_mem>>
        %dma_start3A = arith.constant 0 : i32
        %dma_start3A_20 = tpu.memref_slice %arg9[%multiple_of3A_3, %dma_start3A] : memref<10008x128xf32, #tpu.memory_space<vmem_shared>> -> memref<520x128xf32, #tpu.memory_space<vmem_shared>>
        %dma_start3A_21 = arith.constant 0 : i32
        %dma_start3A_22 = tpu.memref_slice %arg2[%multiple_of3A_3, %dma_start3A_21] : memref<10000x128xf32, #tpu.memory_space<hbm>> -> memref<520x128xf32, #tpu.memory_space<hbm>>
        tpu.enqueue_dma source(%dma_start3A_22 : memref<520x128xf32, #tpu.memory_space<hbm>>) target(%dma_start3A_20 : memref<520x128xf32, #tpu.memory_space<vmem_shared>>) target_semaphore(%run_scoped3A : memref<!tpu.dma_semaphore, #tpu.memory_space<semaphore_mem>>)
        %dma_wait3A = arith.constant 0 : i32
        %dma_wait3A_23 = tpu.memref_slice %arg9[%multiple_of3A_3, %dma_wait3A] : memref<10008x128xf32, #tpu.memory_space<vmem_shared>> -> memref<520x128xf32, #tpu.memory_space<vmem_shared>>
        %dma_wait3A_24 = arith.constant 0 : i32
        %dma_wait3A_25 = tpu.memref_slice %arg2[%multiple_of3A_3, %dma_wait3A_24] : memref<10000x128xf32, #tpu.memory_space<hbm>> -> memref<520x128xf32, #tpu.memory_space<hbm>>
        tpu.wait_dma2 semaphore(%run_scoped3A : memref<!tpu.dma_semaphore, #tpu.memory_space<semaphore_mem>>) src(%dma_wait3A_25 : memref<520x128xf32, #tpu.memory_space<hbm>>) dst(%dma_wait3A_23 : memref<520x128xf32, #tpu.memory_space<vmem_shared>>)
        tpu.yield
      }) : () -> ()
    } else {
    }
    %eq3A_10 = arith.constant 0 : i32
    %eq3A_11 = arith.cmpi eq, %arg0, %eq3A_10 : i32
    %convert_element_type3A_12 = arith.extui %eq3A_11 : i1 to i32
    %cond3A_13 = arith.constant 0 : i32
    %cond3A_14 = arith.cmpi ne, %convert_element_type3A_12, %cond3A_13 : i32
    scf.if %cond3A_14 {
      %barrier3A = arith.constant 0 : index
      tpu.barrier barrier_id(%barrier3A)
      %scan3A = arith.constant 0 : i32
      %scan3A_20 = arith.constant 0 : i32
      %scan3A_21 = arith.constant 5 : i32
      %scan3A_22 = arith.addi %scan3A_20, %scan3A_21 : i32
      %scan3A_23 = arith.constant 1 : i32
      %scan3A_24 = scf.for %scan3A_35 = %scan3A_20 to %scan3A_22 step %scan3A_23 iter_args(%scan3A_36 = %scan3A) -> (i32)  : i32 {
        %mul3A_37 = arith.constant 32 : i32
        %mul3A_38 = arith.muli %scan3A_35, %mul3A_37 : i32
        %add3A = arith.addi %multiple_of3A, %mul3A_38 : i32
        %multiple_of3A_39 = tpu.assume_multiple %add3A, 8 : i32
        "tpu.region"() ({
          %run_scoped3A = tpu.sem_alloc : memref<!tpu.dma_semaphore, #tpu.memory_space<semaphore_mem>>
          %dma_start3A_54 = arith.constant 0 : i32
          %dma_start3A_55 = tpu.memref_slice %arg5[%multiple_of3A_39, %dma_start3A_54] : memref<2560x128xi32, #tpu.memory_space<hbm>> -> memref<32x128xi32, #tpu.memory_space<hbm>>
          %dma_start3A_56 = arith.constant 0 : i32
          %dma_start3A_57 = tpu.memref_slice %arg5[%multiple_of3A_39, %dma_start3A_56] : memref<2560x128xi32, #tpu.memory_space<hbm>> -> memref<32x128xi32, #tpu.memory_space<hbm>>
          tpu.enqueue_dma source(%dma_start3A_57 : memref<32x128xi32, #tpu.memory_space<hbm>>) target(%arg10 : memref<32x128xi32, #tpu.memory_space<vmem>>) target_semaphore(%run_scoped3A : memref<!tpu.dma_semaphore, #tpu.memory_space<semaphore_mem>>)
          %dma_wait3A = arith.constant 0 : i32
          %dma_wait3A_58 = tpu.memref_slice %arg5[%multiple_of3A_39, %dma_wait3A] : memref<2560x128xi32, #tpu.memory_space<hbm>> -> memref<32x128xi32, #tpu.memory_space<hbm>>
          %dma_wait3A_59 = arith.constant 0 : i32
          %dma_wait3A_60 = tpu.memref_slice %arg5[%multiple_of3A_39, %dma_wait3A_59] : memref<2560x128xi32, #tpu.memory_space<hbm>> -> memref<32x128xi32, #tpu.memory_space<hbm>>
          tpu.wait_dma2 semaphore(%run_scoped3A : memref<!tpu.dma_semaphore, #tpu.memory_space<semaphore_mem>>) src(%dma_wait3A_60 : memref<32x128xi32, #tpu.memory_space<hbm>>) dst(%arg10 : memref<32x128xi32, #tpu.memory_space<vmem>>)
          tpu.yield
        }) : () -> ()
        "tpu.region"() ({
          %run_scoped3A = tpu.sem_alloc : memref<!tpu.dma_semaphore, #tpu.memory_space<semaphore_mem>>
          %dma_start3A_54 = arith.constant 0 : i32
          %dma_start3A_55 = tpu.memref_slice %arg6[%multiple_of3A_39, %dma_start3A_54] : memref<2560x128xi32, #tpu.memory_space<hbm>> -> memref<32x128xi32, #tpu.memory_space<hbm>>
          %dma_start3A_56 = arith.constant 0 : i32
          %dma_start3A_57 = tpu.memref_slice %arg6[%multiple_of3A_39, %dma_start3A_56] : memref<2560x128xi32, #tpu.memory_space<hbm>> -> memref<32x128xi32, #tpu.memory_space<hbm>>
          tpu.enqueue_dma source(%dma_start3A_57 : memref<32x128xi32, #tpu.memory_space<hbm>>) target(%arg11 : memref<32x128xi32, #tpu.memory_space<vmem>>) target_semaphore(%run_scoped3A : memref<!tpu.dma_semaphore, #tpu.memory_space<semaphore_mem>>)
          %dma_wait3A = arith.constant 0 : i32
          %dma_wait3A_58 = tpu.memref_slice %arg6[%multiple_of3A_39, %dma_wait3A] : memref<2560x128xi32, #tpu.memory_space<hbm>> -> memref<32x128xi32, #tpu.memory_space<hbm>>
          %dma_wait3A_59 = arith.constant 0 : i32
          %dma_wait3A_60 = tpu.memref_slice %arg6[%multiple_of3A_39, %dma_wait3A_59] : memref<2560x128xi32, #tpu.memory_space<hbm>> -> memref<32x128xi32, #tpu.memory_space<hbm>>
          tpu.wait_dma2 semaphore(%run_scoped3A : memref<!tpu.dma_semaphore, #tpu.memory_space<semaphore_mem>>) src(%dma_wait3A_60 : memref<32x128xi32, #tpu.memory_space<hbm>>) dst(%arg11 : memref<32x128xi32, #tpu.memory_space<vmem>>)
          tpu.yield
        }) : () -> ()
        %dma_start3A = arith.constant 0 : i32
        %dma_start3A_40 = arith.constant 0 : i32
        %dma_start3A_41 = tpu.memref_slice %arg10[%dma_start3A, %dma_start3A_40] : memref<32x128xi32, #tpu.memory_space<vmem>> -> memref<1x128xi32, #tpu.memory_space<vmem>>
        %dma_start3A_42 = tpu.memref_squeeze %dma_start3A_41 : memref<1x128xi32, #tpu.memory_space<vmem>> -> memref<128xi32, #tpu.memory_space<vmem>>
        %dma_start3A_43 = arith.constant 0 : i32
        %dma_start3A_44 = arith.constant 0 : i32
        %dma_start3A_45 = tpu.memref_slice %arg3[%dma_start3A_43, %dma_start3A_44] : memref<10000x128xf32, #tpu.memory_space<hbm>> -> memref<10000x128xf32, #tpu.memory_space<hbm>>
        tpu.enqueue_indirect_dma source(%dma_start3A_45 : memref<10000x128xf32, #tpu.memory_space<hbm>>) target(%arg12 : memref<128x128xf32, #tpu.memory_space<vmem>>) offsets(%dma_start3A_42 : memref<128xi32, #tpu.memory_space<vmem>>) semaphore(%arg14 : memref<!tpu.dma_semaphore, #tpu.memory_space<semaphore_mem>>)
        %scan3A_46 = arith.constant 0 : i32
        %scan3A_47 = arith.constant 0 : i32
        %scan3A_48 = arith.constant 16 : i32
        %scan3A_49 = arith.addi %scan3A_47, %scan3A_48 : i32
        %scan3A_50 = arith.constant 1 : i32
        %scan3A_51 = scf.for %scan3A_54 = %scan3A_47 to %scan3A_49 step %scan3A_50 iter_args(%scan3A_55 = %scan3A_46) -> (i32)  : i32 {
          %mul3A_56 = arith.constant 2 : i32
          %mul3A_57 = arith.muli %mul3A_56, %scan3A_54 : i32
          %add3A_58 = arith.constant 1 : i32
          %add3A_59 = arith.addi %mul3A_57, %add3A_58 : i32
          %dma_start3A_60 = arith.constant 0 : i32
          %dma_start3A_61 = tpu.memref_slice %arg10[%add3A_59, %dma_start3A_60] : memref<32x128xi32, #tpu.memory_space<vmem>> -> memref<1x128xi32, #tpu.memory_space<vmem>>
          %dma_start3A_62 = tpu.memref_squeeze %dma_start3A_61 : memref<1x128xi32, #tpu.memory_space<vmem>> -> memref<128xi32, #tpu.memory_space<vmem>>
          %dma_start3A_63 = arith.constant 0 : i32
          %dma_start3A_64 = arith.constant 0 : i32
          %dma_start3A_65 = tpu.memref_slice %arg3[%dma_start3A_63, %dma_start3A_64] : memref<10000x128xf32, #tpu.memory_space<hbm>> -> memref<10000x128xf32, #tpu.memory_space<hbm>>
          tpu.enqueue_indirect_dma source(%dma_start3A_65 : memref<10000x128xf32, #tpu.memory_space<hbm>>) target(%arg13 : memref<128x128xf32, #tpu.memory_space<vmem>>) offsets(%dma_start3A_62 : memref<128xi32, #tpu.memory_space<vmem>>) semaphore(%arg15 : memref<!tpu.dma_semaphore, #tpu.memory_space<semaphore_mem>>)
          %dma_wait3A = arith.constant 0 : i32
          %dma_wait3A_66 = tpu.memref_slice %arg10[%mul3A_57, %dma_wait3A] : memref<32x128xi32, #tpu.memory_space<vmem>> -> memref<1x128xi32, #tpu.memory_space<vmem>>
          %dma_wait3A_67 = tpu.memref_squeeze %dma_wait3A_66 : memref<1x128xi32, #tpu.memory_space<vmem>> -> memref<128xi32, #tpu.memory_space<vmem>>
          %dma_wait3A_68 = arith.constant 0 : i32
          %dma_wait3A_69 = arith.constant 0 : i32
          %dma_wait3A_70 = tpu.memref_slice %arg3[%dma_wait3A_68, %dma_wait3A_69] : memref<10000x128xf32, #tpu.memory_space<hbm>> -> memref<10000x128xf32, #tpu.memory_space<hbm>>
          tpu.wait_indirect_dma semaphore(%arg14 : memref<!tpu.dma_semaphore, #tpu.memory_space<semaphore_mem>>) src(%dma_wait3A_70 : memref<10000x128xf32, #tpu.memory_space<hbm>>) dst(%arg12 : memref<128x128xf32, #tpu.memory_space<vmem>>)
          "tpu.region"() ({
            %run_scoped3A = tpu.sem_alloc : memref<!tpu.dma_semaphore, #tpu.memory_space<semaphore_mem>>
            %dma_start3A_86 = arith.constant 0 : i32
            %dma_start3A_87 = tpu.memref_slice %arg11[%mul3A_57, %dma_start3A_86] : memref<32x128xi32, #tpu.memory_space<vmem>> -> memref<1x128xi32, #tpu.memory_space<vmem>>
            %dma_start3A_88 = tpu.memref_squeeze %dma_start3A_87 : memref<1x128xi32, #tpu.memory_space<vmem>> -> memref<128xi32, #tpu.memory_space<vmem>>
            %dma_start3A_89 = arith.constant 0 : i32
            %dma_start3A_90 = arith.constant 0 : i32
            %dma_start3A_91 = tpu.memref_slice %arg9[%dma_start3A_89, %dma_start3A_90] : memref<10008x128xf32, #tpu.memory_space<vmem_shared>> -> memref<10008x128xf32, #tpu.memory_space<vmem_shared>>
            tpu.enqueue_indirect_dma source(%arg12 : memref<128x128xf32, #tpu.memory_space<vmem>>) target(%dma_start3A_91 : memref<10008x128xf32, #tpu.memory_space<vmem_shared>>) offsets(%dma_start3A_88 : memref<128xi32, #tpu.memory_space<vmem>>) semaphore(%run_scoped3A : memref<!tpu.dma_semaphore, #tpu.memory_space<semaphore_mem>>) {add = true}
            %dma_wait3A_92 = arith.constant 0 : i32
            %dma_wait3A_93 = tpu.memref_slice %arg11[%mul3A_57, %dma_wait3A_92] : memref<32x128xi32, #tpu.memory_space<vmem>> -> memref<1x128xi32, #tpu.memory_space<vmem>>
            %dma_wait3A_94 = tpu.memref_squeeze %dma_wait3A_93 : memref<1x128xi32, #tpu.memory_space<vmem>> -> memref<128xi32, #tpu.memory_space<vmem>>
            %dma_wait3A_95 = arith.constant 0 : i32
            %dma_wait3A_96 = arith.constant 0 : i32
            %dma_wait3A_97 = tpu.memref_slice %arg9[%dma_wait3A_95, %dma_wait3A_96] : memref<10008x128xf32, #tpu.memory_space<vmem_shared>> -> memref<10008x128xf32, #tpu.memory_space<vmem_shared>>
            tpu.wait_indirect_dma semaphore(%run_scoped3A : memref<!tpu.dma_semaphore, #tpu.memory_space<semaphore_mem>>) src(%arg12 : memref<128x128xf32, #tpu.memory_space<vmem>>) dst(%dma_wait3A_97 : memref<10008x128xf32, #tpu.memory_space<vmem_shared>>)
            tpu.yield
          }) : () -> ()
          %lt3A = arith.constant 15 : i32
          %lt3A_71 = arith.cmpi slt, %scan3A_54, %lt3A : i32
          %convert_element_type3A_72 = arith.extui %lt3A_71 : i1 to i32
          %cond3A_73 = arith.constant 0 : i32
          %cond3A_74 = arith.cmpi ne, %convert_element_type3A_72, %cond3A_73 : i32
          scf.if %cond3A_74 {
            %add3A_86 = arith.constant 2 : i32
            %add3A_87 = arith.addi %mul3A_57, %add3A_86 : i32
            %dma_start3A_88 = arith.constant 0 : i32
            %dma_start3A_89 = tpu.memref_slice %arg10[%add3A_87, %dma_start3A_88] : memref<32x128xi32, #tpu.memory_space<vmem>> -> memref<1x128xi32, #tpu.memory_space<vmem>>
            %dma_start3A_90 = tpu.memref_squeeze %dma_start3A_89 : memref<1x128xi32, #tpu.memory_space<vmem>> -> memref<128xi32, #tpu.memory_space<vmem>>
            %dma_start3A_91 = arith.constant 0 : i32
            %dma_start3A_92 = arith.constant 0 : i32
            %dma_start3A_93 = tpu.memref_slice %arg3[%dma_start3A_91, %dma_start3A_92] : memref<10000x128xf32, #tpu.memory_space<hbm>> -> memref<10000x128xf32, #tpu.memory_space<hbm>>
            tpu.enqueue_indirect_dma source(%dma_start3A_93 : memref<10000x128xf32, #tpu.memory_space<hbm>>) target(%arg12 : memref<128x128xf32, #tpu.memory_space<vmem>>) offsets(%dma_start3A_90 : memref<128xi32, #tpu.memory_space<vmem>>) semaphore(%arg14 : memref<!tpu.dma_semaphore, #tpu.memory_space<semaphore_mem>>)
          } else {
          }
          %add3A_75 = arith.constant 1 : i32
          %add3A_76 = arith.addi %mul3A_57, %add3A_75 : i32
          %dma_wait3A_77 = arith.constant 0 : i32
          %dma_wait3A_78 = tpu.memref_slice %arg10[%add3A_76, %dma_wait3A_77] : memref<32x128xi32, #tpu.memory_space<vmem>> -> memref<1x128xi32, #tpu.memory_space<vmem>>
          %dma_wait3A_79 = tpu.memref_squeeze %dma_wait3A_78 : memref<1x128xi32, #tpu.memory_space<vmem>> -> memref<128xi32, #tpu.memory_space<vmem>>
          %dma_wait3A_80 = arith.constant 0 : i32
          %dma_wait3A_81 = arith.constant 0 : i32
          %dma_wait3A_82 = tpu.memref_slice %arg3[%dma_wait3A_80, %dma_wait3A_81] : memref<10000x128xf32, #tpu.memory_space<hbm>> -> memref<10000x128xf32, #tpu.memory_space<hbm>>
          tpu.wait_indirect_dma semaphore(%arg15 : memref<!tpu.dma_semaphore, #tpu.memory_space<semaphore_mem>>) src(%dma_wait3A_82 : memref<10000x128xf32, #tpu.memory_space<hbm>>) dst(%arg13 : memref<128x128xf32, #tpu.memory_space<vmem>>)
          %add3A_83 = arith.constant 1 : i32
          %add3A_84 = arith.addi %mul3A_57, %add3A_83 : i32
          "tpu.region"() ({
            %run_scoped3A = tpu.sem_alloc : memref<!tpu.dma_semaphore, #tpu.memory_space<semaphore_mem>>
            %dma_start3A_86 = arith.constant 0 : i32
            %dma_start3A_87 = tpu.memref_slice %arg11[%add3A_84, %dma_start3A_86] : memref<32x128xi32, #tpu.memory_space<vmem>> -> memref<1x128xi32, #tpu.memory_space<vmem>>
            %dma_start3A_88 = tpu.memref_squeeze %dma_start3A_87 : memref<1x128xi32, #tpu.memory_space<vmem>> -> memref<128xi32, #tpu.memory_space<vmem>>
            %dma_start3A_89 = arith.constant 0 : i32
            %dma_start3A_90 = arith.constant 0 : i32
            %dma_start3A_91 = tpu.memref_slice %arg9[%dma_start3A_89, %dma_start3A_90] : memref<10008x128xf32, #tpu.memory_space<vmem_shared>> -> memref<10008x128xf32, #tpu.memory_space<vmem_shared>>
            tpu.enqueue_indirect_dma source(%arg13 : memref<128x128xf32, #tpu.memory_space<vmem>>) target(%dma_start3A_91 : memref<10008x128xf32, #tpu.memory_space<vmem_shared>>) offsets(%dma_start3A_88 : memref<128xi32, #tpu.memory_space<vmem>>) semaphore(%run_scoped3A : memref<!tpu.dma_semaphore, #tpu.memory_space<semaphore_mem>>) {add = true}
            %dma_wait3A_92 = arith.constant 0 : i32
            %dma_wait3A_93 = tpu.memref_slice %arg11[%add3A_84, %dma_wait3A_92] : memref<32x128xi32, #tpu.memory_space<vmem>> -> memref<1x128xi32, #tpu.memory_space<vmem>>
            %dma_wait3A_94 = tpu.memref_squeeze %dma_wait3A_93 : memref<1x128xi32, #tpu.memory_space<vmem>> -> memref<128xi32, #tpu.memory_space<vmem>>
            %dma_wait3A_95 = arith.constant 0 : i32
            %dma_wait3A_96 = arith.constant 0 : i32
            %dma_wait3A_97 = tpu.memref_slice %arg9[%dma_wait3A_95, %dma_wait3A_96] : memref<10008x128xf32, #tpu.memory_space<vmem_shared>> -> memref<10008x128xf32, #tpu.memory_space<vmem_shared>>
            tpu.wait_indirect_dma semaphore(%run_scoped3A : memref<!tpu.dma_semaphore, #tpu.memory_space<semaphore_mem>>) src(%arg13 : memref<128x128xf32, #tpu.memory_space<vmem>>) dst(%dma_wait3A_97 : memref<10008x128xf32, #tpu.memory_space<vmem_shared>>)
            tpu.yield
          }) : () -> ()
          %scan3A_85 = arith.constant 0 : i32
          scf.yield %scan3A_85 : i32
        }
        %scan3A_52 = arith.constant 16 : i32
        %scan3A_53 = arith.constant 0 : i32
        scf.yield %scan3A_53 : i32
      }
      %scan3A_25 = arith.constant 5 : i32
      %barrier3A_26 = arith.constant 0 : index
      tpu.barrier barrier_id(%barrier3A_26)
      %not3A_27 = arith.constant true
      %not3A_28 = arith.xori %eq3A_4, %not3A_27 : i1
      %convert_element_type3A_29 = arith.extui %not3A_28 : i1 to i32
      %cond3A_30 = arith.constant 0 : i32
      %cond3A_31 = arith.cmpi ne, %convert_element_type3A_29, %cond3A_30 : i32
      scf.if %cond3A_31 {
        "tpu.region"() ({
          %run_scoped3A = tpu.sem_alloc : memref<!tpu.dma_semaphore, #tpu.memory_space<semaphore_mem>>
          %dma_start3A = arith.constant 0 : i32
          %dma_start3A_35 = tpu.memref_slice %arg7[%multiple_of3A_3, %dma_start3A] : memref<10000x128xf32, #tpu.memory_space<hbm>> -> memref<632x128xf32, #tpu.memory_space<hbm>>
          %dma_start3A_36 = arith.constant 0 : i32
          %dma_start3A_37 = tpu.memref_slice %arg9[%multiple_of3A_3, %dma_start3A_36] : memref<10008x128xf32, #tpu.memory_space<vmem_shared>> -> memref<632x128xf32, #tpu.memory_space<vmem_shared>>
          tpu.enqueue_dma source(%dma_start3A_37 : memref<632x128xf32, #tpu.memory_space<vmem_shared>>) target(%dma_start3A_35 : memref<632x128xf32, #tpu.memory_space<hbm>>) target_semaphore(%run_scoped3A : memref<!tpu.dma_semaphore, #tpu.memory_space<semaphore_mem>>)
          %dma_wait3A = arith.constant 0 : i32
          %dma_wait3A_38 = tpu.memref_slice %arg7[%multiple_of3A_3, %dma_wait3A] : memref<10000x128xf32, #tpu.memory_space<hbm>> -> memref<632x128xf32, #tpu.memory_space<hbm>>
          %dma_wait3A_39 = arith.constant 0 : i32
          %dma_wait3A_40 = tpu.memref_slice %arg9[%multiple_of3A_3, %dma_wait3A_39] : memref<10008x128xf32, #tpu.memory_space<vmem_shared>> -> memref<632x128xf32, #tpu.memory_space<vmem_shared>>
          tpu.wait_dma2 semaphore(%run_scoped3A : memref<!tpu.dma_semaphore, #tpu.memory_space<semaphore_mem>>) src(%dma_wait3A_40 : memref<632x128xf32, #tpu.memory_space<vmem_shared>>) dst(%dma_wait3A_38 : memref<632x128xf32, #tpu.memory_space<hbm>>)
          tpu.yield
        }) : () -> ()
      } else {
      }
      %convert_element_type3A_32 = arith.extui %eq3A_4 : i1 to i32
      %cond3A_33 = arith.constant 0 : i32
      %cond3A_34 = arith.cmpi ne, %convert_element_type3A_32, %cond3A_33 : i32
      scf.if %cond3A_34 {
        "tpu.region"() ({
          %run_scoped3A = tpu.sem_alloc : memref<!tpu.dma_semaphore, #tpu.memory_space<semaphore_mem>>
          %dma_start3A = arith.constant 0 : i32
          %dma_start3A_35 = tpu.memref_slice %arg7[%multiple_of3A_3, %dma_start3A] : memref<10000x128xf32, #tpu.memory_space<hbm>> -> memref<520x128xf32, #tpu.memory_space<hbm>>
          %dma_start3A_36 = arith.constant 0 : i32
          %dma_start3A_37 = tpu.memref_slice %arg9[%multiple_of3A_3, %dma_start3A_36] : memref<10008x128xf32, #tpu.memory_space<vmem_shared>> -> memref<520x128xf32, #tpu.memory_space<vmem_shared>>
          tpu.enqueue_dma source(%dma_start3A_37 : memref<520x128xf32, #tpu.memory_space<vmem_shared>>) target(%dma_start3A_35 : memref<520x128xf32, #tpu.memory_space<hbm>>) target_semaphore(%run_scoped3A : memref<!tpu.dma_semaphore, #tpu.memory_space<semaphore_mem>>)
          %dma_wait3A = arith.constant 0 : i32
          %dma_wait3A_38 = tpu.memref_slice %arg7[%multiple_of3A_3, %dma_wait3A] : memref<10000x128xf32, #tpu.memory_space<hbm>> -> memref<520x128xf32, #tpu.memory_space<hbm>>
          %dma_wait3A_39 = arith.constant 0 : i32
          %dma_wait3A_40 = tpu.memref_slice %arg9[%multiple_of3A_3, %dma_wait3A_39] : memref<10008x128xf32, #tpu.memory_space<vmem_shared>> -> memref<520x128xf32, #tpu.memory_space<vmem_shared>>
          tpu.wait_dma2 semaphore(%run_scoped3A : memref<!tpu.dma_semaphore, #tpu.memory_space<semaphore_mem>>) src(%dma_wait3A_40 : memref<520x128xf32, #tpu.memory_space<vmem_shared>>) dst(%dma_wait3A_38 : memref<520x128xf32, #tpu.memory_space<hbm>>)
          tpu.yield
        }) : () -> ()
      } else {
      }
    } else {
    }
    %eq3A_15 = arith.constant 1 : i32
    %eq3A_16 = arith.cmpi eq, %arg0, %eq3A_15 : i32
    %convert_element_type3A_17 = arith.extui %eq3A_16 : i1 to i32
    %cond3A_18 = arith.constant 0 : i32
    %cond3A_19 = arith.cmpi ne, %convert_element_type3A_17, %cond3A_18 : i32
    scf.if %cond3A_19 {
      %barrier3A = arith.constant 0 : index
      tpu.barrier barrier_id(%barrier3A)
      %scan3A = arith.constant 0 : i32
      %scan3A_20 = arith.constant 0 : i32
      %scan3A_21 = arith.constant 5 : i32
      %scan3A_22 = arith.addi %scan3A_20, %scan3A_21 : i32
      %scan3A_23 = arith.constant 1 : i32
      %scan3A_24 = scf.for %scan3A_35 = %scan3A_20 to %scan3A_22 step %scan3A_23 iter_args(%scan3A_36 = %scan3A) -> (i32)  : i32 {
        %mul3A_37 = arith.constant 32 : i32
        %mul3A_38 = arith.muli %scan3A_35, %mul3A_37 : i32
        %add3A = arith.addi %multiple_of3A, %mul3A_38 : i32
        %multiple_of3A_39 = tpu.assume_multiple %add3A, 8 : i32
        "tpu.region"() ({
          %run_scoped3A = tpu.sem_alloc : memref<!tpu.dma_semaphore, #tpu.memory_space<semaphore_mem>>
          %dma_start3A_54 = arith.constant 0 : i32
          %dma_start3A_55 = tpu.memref_slice %arg5[%multiple_of3A_39, %dma_start3A_54] : memref<2560x128xi32, #tpu.memory_space<hbm>> -> memref<32x128xi32, #tpu.memory_space<hbm>>
          %dma_start3A_56 = arith.constant 0 : i32
          %dma_start3A_57 = tpu.memref_slice %arg5[%multiple_of3A_39, %dma_start3A_56] : memref<2560x128xi32, #tpu.memory_space<hbm>> -> memref<32x128xi32, #tpu.memory_space<hbm>>
          tpu.enqueue_dma source(%dma_start3A_57 : memref<32x128xi32, #tpu.memory_space<hbm>>) target(%arg10 : memref<32x128xi32, #tpu.memory_space<vmem>>) target_semaphore(%run_scoped3A : memref<!tpu.dma_semaphore, #tpu.memory_space<semaphore_mem>>)
          %dma_wait3A = arith.constant 0 : i32
          %dma_wait3A_58 = tpu.memref_slice %arg5[%multiple_of3A_39, %dma_wait3A] : memref<2560x128xi32, #tpu.memory_space<hbm>> -> memref<32x128xi32, #tpu.memory_space<hbm>>
          %dma_wait3A_59 = arith.constant 0 : i32
          %dma_wait3A_60 = tpu.memref_slice %arg5[%multiple_of3A_39, %dma_wait3A_59] : memref<2560x128xi32, #tpu.memory_space<hbm>> -> memref<32x128xi32, #tpu.memory_space<hbm>>
          tpu.wait_dma2 semaphore(%run_scoped3A : memref<!tpu.dma_semaphore, #tpu.memory_space<semaphore_mem>>) src(%dma_wait3A_60 : memref<32x128xi32, #tpu.memory_space<hbm>>) dst(%arg10 : memref<32x128xi32, #tpu.memory_space<vmem>>)
          tpu.yield
        }) : () -> ()
        "tpu.region"() ({
          %run_scoped3A = tpu.sem_alloc : memref<!tpu.dma_semaphore, #tpu.memory_space<semaphore_mem>>
          %dma_start3A_54 = arith.constant 0 : i32
          %dma_start3A_55 = tpu.memref_slice %arg6[%multiple_of3A_39, %dma_start3A_54] : memref<2560x128xi32, #tpu.memory_space<hbm>> -> memref<32x128xi32, #tpu.memory_space<hbm>>
          %dma_start3A_56 = arith.constant 0 : i32
          %dma_start3A_57 = tpu.memref_slice %arg6[%multiple_of3A_39, %dma_start3A_56] : memref<2560x128xi32, #tpu.memory_space<hbm>> -> memref<32x128xi32, #tpu.memory_space<hbm>>
          tpu.enqueue_dma source(%dma_start3A_57 : memref<32x128xi32, #tpu.memory_space<hbm>>) target(%arg11 : memref<32x128xi32, #tpu.memory_space<vmem>>) target_semaphore(%run_scoped3A : memref<!tpu.dma_semaphore, #tpu.memory_space<semaphore_mem>>)
          %dma_wait3A = arith.constant 0 : i32
          %dma_wait3A_58 = tpu.memref_slice %arg6[%multiple_of3A_39, %dma_wait3A] : memref<2560x128xi32, #tpu.memory_space<hbm>> -> memref<32x128xi32, #tpu.memory_space<hbm>>
          %dma_wait3A_59 = arith.constant 0 : i32
          %dma_wait3A_60 = tpu.memref_slice %arg6[%multiple_of3A_39, %dma_wait3A_59] : memref<2560x128xi32, #tpu.memory_space<hbm>> -> memref<32x128xi32, #tpu.memory_space<hbm>>
          tpu.wait_dma2 semaphore(%run_scoped3A : memref<!tpu.dma_semaphore, #tpu.memory_space<semaphore_mem>>) src(%dma_wait3A_60 : memref<32x128xi32, #tpu.memory_space<hbm>>) dst(%arg11 : memref<32x128xi32, #tpu.memory_space<vmem>>)
          tpu.yield
        }) : () -> ()
        %dma_start3A = arith.constant 0 : i32
        %dma_start3A_40 = arith.constant 0 : i32
        %dma_start3A_41 = tpu.memref_slice %arg10[%dma_start3A, %dma_start3A_40] : memref<32x128xi32, #tpu.memory_space<vmem>> -> memref<1x128xi32, #tpu.memory_space<vmem>>
        %dma_start3A_42 = tpu.memref_squeeze %dma_start3A_41 : memref<1x128xi32, #tpu.memory_space<vmem>> -> memref<128xi32, #tpu.memory_space<vmem>>
        %dma_start3A_43 = arith.constant 0 : i32
        %dma_start3A_44 = arith.constant 0 : i32
        %dma_start3A_45 = tpu.memref_slice %arg4[%dma_start3A_43, %dma_start3A_44] : memref<10000x128xf32, #tpu.memory_space<hbm>> -> memref<10000x128xf32, #tpu.memory_space<hbm>>
        tpu.enqueue_indirect_dma source(%dma_start3A_45 : memref<10000x128xf32, #tpu.memory_space<hbm>>) target(%arg12 : memref<128x128xf32, #tpu.memory_space<vmem>>) offsets(%dma_start3A_42 : memref<128xi32, #tpu.memory_space<vmem>>) semaphore(%arg14 : memref<!tpu.dma_semaphore, #tpu.memory_space<semaphore_mem>>)
        %scan3A_46 = arith.constant 0 : i32
        %scan3A_47 = arith.constant 0 : i32
        %scan3A_48 = arith.constant 16 : i32
        %scan3A_49 = arith.addi %scan3A_47, %scan3A_48 : i32
        %scan3A_50 = arith.constant 1 : i32
        %scan3A_51 = scf.for %scan3A_54 = %scan3A_47 to %scan3A_49 step %scan3A_50 iter_args(%scan3A_55 = %scan3A_46) -> (i32)  : i32 {
          %mul3A_56 = arith.constant 2 : i32
          %mul3A_57 = arith.muli %mul3A_56, %scan3A_54 : i32
          %add3A_58 = arith.constant 1 : i32
          %add3A_59 = arith.addi %mul3A_57, %add3A_58 : i32
          %dma_start3A_60 = arith.constant 0 : i32
          %dma_start3A_61 = tpu.memref_slice %arg10[%add3A_59, %dma_start3A_60] : memref<32x128xi32, #tpu.memory_space<vmem>> -> memref<1x128xi32, #tpu.memory_space<vmem>>
          %dma_start3A_62 = tpu.memref_squeeze %dma_start3A_61 : memref<1x128xi32, #tpu.memory_space<vmem>> -> memref<128xi32, #tpu.memory_space<vmem>>
          %dma_start3A_63 = arith.constant 0 : i32
          %dma_start3A_64 = arith.constant 0 : i32
          %dma_start3A_65 = tpu.memref_slice %arg4[%dma_start3A_63, %dma_start3A_64] : memref<10000x128xf32, #tpu.memory_space<hbm>> -> memref<10000x128xf32, #tpu.memory_space<hbm>>
          tpu.enqueue_indirect_dma source(%dma_start3A_65 : memref<10000x128xf32, #tpu.memory_space<hbm>>) target(%arg13 : memref<128x128xf32, #tpu.memory_space<vmem>>) offsets(%dma_start3A_62 : memref<128xi32, #tpu.memory_space<vmem>>) semaphore(%arg15 : memref<!tpu.dma_semaphore, #tpu.memory_space<semaphore_mem>>)
          %dma_wait3A = arith.constant 0 : i32
          %dma_wait3A_66 = tpu.memref_slice %arg10[%mul3A_57, %dma_wait3A] : memref<32x128xi32, #tpu.memory_space<vmem>> -> memref<1x128xi32, #tpu.memory_space<vmem>>
          %dma_wait3A_67 = tpu.memref_squeeze %dma_wait3A_66 : memref<1x128xi32, #tpu.memory_space<vmem>> -> memref<128xi32, #tpu.memory_space<vmem>>
          %dma_wait3A_68 = arith.constant 0 : i32
          %dma_wait3A_69 = arith.constant 0 : i32
          %dma_wait3A_70 = tpu.memref_slice %arg4[%dma_wait3A_68, %dma_wait3A_69] : memref<10000x128xf32, #tpu.memory_space<hbm>> -> memref<10000x128xf32, #tpu.memory_space<hbm>>
          tpu.wait_indirect_dma semaphore(%arg14 : memref<!tpu.dma_semaphore, #tpu.memory_space<semaphore_mem>>) src(%dma_wait3A_70 : memref<10000x128xf32, #tpu.memory_space<hbm>>) dst(%arg12 : memref<128x128xf32, #tpu.memory_space<vmem>>)
          "tpu.region"() ({
            %run_scoped3A = tpu.sem_alloc : memref<!tpu.dma_semaphore, #tpu.memory_space<semaphore_mem>>
            %dma_start3A_86 = arith.constant 0 : i32
            %dma_start3A_87 = tpu.memref_slice %arg11[%mul3A_57, %dma_start3A_86] : memref<32x128xi32, #tpu.memory_space<vmem>> -> memref<1x128xi32, #tpu.memory_space<vmem>>
            %dma_start3A_88 = tpu.memref_squeeze %dma_start3A_87 : memref<1x128xi32, #tpu.memory_space<vmem>> -> memref<128xi32, #tpu.memory_space<vmem>>
            %dma_start3A_89 = arith.constant 0 : i32
            %dma_start3A_90 = arith.constant 0 : i32
            %dma_start3A_91 = tpu.memref_slice %arg9[%dma_start3A_89, %dma_start3A_90] : memref<10008x128xf32, #tpu.memory_space<vmem_shared>> -> memref<10008x128xf32, #tpu.memory_space<vmem_shared>>
            tpu.enqueue_indirect_dma source(%arg12 : memref<128x128xf32, #tpu.memory_space<vmem>>) target(%dma_start3A_91 : memref<10008x128xf32, #tpu.memory_space<vmem_shared>>) offsets(%dma_start3A_88 : memref<128xi32, #tpu.memory_space<vmem>>) semaphore(%run_scoped3A : memref<!tpu.dma_semaphore, #tpu.memory_space<semaphore_mem>>) {add = true}
            %dma_wait3A_92 = arith.constant 0 : i32
            %dma_wait3A_93 = tpu.memref_slice %arg11[%mul3A_57, %dma_wait3A_92] : memref<32x128xi32, #tpu.memory_space<vmem>> -> memref<1x128xi32, #tpu.memory_space<vmem>>
            %dma_wait3A_94 = tpu.memref_squeeze %dma_wait3A_93 : memref<1x128xi32, #tpu.memory_space<vmem>> -> memref<128xi32, #tpu.memory_space<vmem>>
            %dma_wait3A_95 = arith.constant 0 : i32
            %dma_wait3A_96 = arith.constant 0 : i32
            %dma_wait3A_97 = tpu.memref_slice %arg9[%dma_wait3A_95, %dma_wait3A_96] : memref<10008x128xf32, #tpu.memory_space<vmem_shared>> -> memref<10008x128xf32, #tpu.memory_space<vmem_shared>>
            tpu.wait_indirect_dma semaphore(%run_scoped3A : memref<!tpu.dma_semaphore, #tpu.memory_space<semaphore_mem>>) src(%arg12 : memref<128x128xf32, #tpu.memory_space<vmem>>) dst(%dma_wait3A_97 : memref<10008x128xf32, #tpu.memory_space<vmem_shared>>)
            tpu.yield
          }) : () -> ()
          %lt3A = arith.constant 15 : i32
          %lt3A_71 = arith.cmpi slt, %scan3A_54, %lt3A : i32
          %convert_element_type3A_72 = arith.extui %lt3A_71 : i1 to i32
          %cond3A_73 = arith.constant 0 : i32
          %cond3A_74 = arith.cmpi ne, %convert_element_type3A_72, %cond3A_73 : i32
          scf.if %cond3A_74 {
            %add3A_86 = arith.constant 2 : i32
            %add3A_87 = arith.addi %mul3A_57, %add3A_86 : i32
            %dma_start3A_88 = arith.constant 0 : i32
            %dma_start3A_89 = tpu.memref_slice %arg10[%add3A_87, %dma_start3A_88] : memref<32x128xi32, #tpu.memory_space<vmem>> -> memref<1x128xi32, #tpu.memory_space<vmem>>
            %dma_start3A_90 = tpu.memref_squeeze %dma_start3A_89 : memref<1x128xi32, #tpu.memory_space<vmem>> -> memref<128xi32, #tpu.memory_space<vmem>>
            %dma_start3A_91 = arith.constant 0 : i32
            %dma_start3A_92 = arith.constant 0 : i32
            %dma_start3A_93 = tpu.memref_slice %arg4[%dma_start3A_91, %dma_start3A_92] : memref<10000x128xf32, #tpu.memory_space<hbm>> -> memref<10000x128xf32, #tpu.memory_space<hbm>>
            tpu.enqueue_indirect_dma source(%dma_start3A_93 : memref<10000x128xf32, #tpu.memory_space<hbm>>) target(%arg12 : memref<128x128xf32, #tpu.memory_space<vmem>>) offsets(%dma_start3A_90 : memref<128xi32, #tpu.memory_space<vmem>>) semaphore(%arg14 : memref<!tpu.dma_semaphore, #tpu.memory_space<semaphore_mem>>)
          } else {
          }
          %add3A_75 = arith.constant 1 : i32
          %add3A_76 = arith.addi %mul3A_57, %add3A_75 : i32
          %dma_wait3A_77 = arith.constant 0 : i32
          %dma_wait3A_78 = tpu.memref_slice %arg10[%add3A_76, %dma_wait3A_77] : memref<32x128xi32, #tpu.memory_space<vmem>> -> memref<1x128xi32, #tpu.memory_space<vmem>>
          %dma_wait3A_79 = tpu.memref_squeeze %dma_wait3A_78 : memref<1x128xi32, #tpu.memory_space<vmem>> -> memref<128xi32, #tpu.memory_space<vmem>>
          %dma_wait3A_80 = arith.constant 0 : i32
          %dma_wait3A_81 = arith.constant 0 : i32
          %dma_wait3A_82 = tpu.memref_slice %arg4[%dma_wait3A_80, %dma_wait3A_81] : memref<10000x128xf32, #tpu.memory_space<hbm>> -> memref<10000x128xf32, #tpu.memory_space<hbm>>
          tpu.wait_indirect_dma semaphore(%arg15 : memref<!tpu.dma_semaphore, #tpu.memory_space<semaphore_mem>>) src(%dma_wait3A_82 : memref<10000x128xf32, #tpu.memory_space<hbm>>) dst(%arg13 : memref<128x128xf32, #tpu.memory_space<vmem>>)
          %add3A_83 = arith.constant 1 : i32
          %add3A_84 = arith.addi %mul3A_57, %add3A_83 : i32
          "tpu.region"() ({
            %run_scoped3A = tpu.sem_alloc : memref<!tpu.dma_semaphore, #tpu.memory_space<semaphore_mem>>
            %dma_start3A_86 = arith.constant 0 : i32
            %dma_start3A_87 = tpu.memref_slice %arg11[%add3A_84, %dma_start3A_86] : memref<32x128xi32, #tpu.memory_space<vmem>> -> memref<1x128xi32, #tpu.memory_space<vmem>>
            %dma_start3A_88 = tpu.memref_squeeze %dma_start3A_87 : memref<1x128xi32, #tpu.memory_space<vmem>> -> memref<128xi32, #tpu.memory_space<vmem>>
            %dma_start3A_89 = arith.constant 0 : i32
            %dma_start3A_90 = arith.constant 0 : i32
            %dma_start3A_91 = tpu.memref_slice %arg9[%dma_start3A_89, %dma_start3A_90] : memref<10008x128xf32, #tpu.memory_space<vmem_shared>> -> memref<10008x128xf32, #tpu.memory_space<vmem_shared>>
            tpu.enqueue_indirect_dma source(%arg13 : memref<128x128xf32, #tpu.memory_space<vmem>>) target(%dma_start3A_91 : memref<10008x128xf32, #tpu.memory_space<vmem_shared>>) offsets(%dma_start3A_88 : memref<128xi32, #tpu.memory_space<vmem>>) semaphore(%run_scoped3A : memref<!tpu.dma_semaphore, #tpu.memory_space<semaphore_mem>>) {add = true}
            %dma_wait3A_92 = arith.constant 0 : i32
            %dma_wait3A_93 = tpu.memref_slice %arg11[%add3A_84, %dma_wait3A_92] : memref<32x128xi32, #tpu.memory_space<vmem>> -> memref<1x128xi32, #tpu.memory_space<vmem>>
            %dma_wait3A_94 = tpu.memref_squeeze %dma_wait3A_93 : memref<1x128xi32, #tpu.memory_space<vmem>> -> memref<128xi32, #tpu.memory_space<vmem>>
            %dma_wait3A_95 = arith.constant 0 : i32
            %dma_wait3A_96 = arith.constant 0 : i32
            %dma_wait3A_97 = tpu.memref_slice %arg9[%dma_wait3A_95, %dma_wait3A_96] : memref<10008x128xf32, #tpu.memory_space<vmem_shared>> -> memref<10008x128xf32, #tpu.memory_space<vmem_shared>>
            tpu.wait_indirect_dma semaphore(%run_scoped3A : memref<!tpu.dma_semaphore, #tpu.memory_space<semaphore_mem>>) src(%arg13 : memref<128x128xf32, #tpu.memory_space<vmem>>) dst(%dma_wait3A_97 : memref<10008x128xf32, #tpu.memory_space<vmem_shared>>)
            tpu.yield
          }) : () -> ()
          %scan3A_85 = arith.constant 0 : i32
          scf.yield %scan3A_85 : i32
        }
        %scan3A_52 = arith.constant 16 : i32
        %scan3A_53 = arith.constant 0 : i32
        scf.yield %scan3A_53 : i32
      }
      %scan3A_25 = arith.constant 5 : i32
      %barrier3A_26 = arith.constant 0 : index
      tpu.barrier barrier_id(%barrier3A_26)
      %not3A_27 = arith.constant true
      %not3A_28 = arith.xori %eq3A_4, %not3A_27 : i1
      %convert_element_type3A_29 = arith.extui %not3A_28 : i1 to i32
      %cond3A_30 = arith.constant 0 : i32
      %cond3A_31 = arith.cmpi ne, %convert_element_type3A_29, %cond3A_30 : i32
      scf.if %cond3A_31 {
        "tpu.region"() ({
          %run_scoped3A = tpu.sem_alloc : memref<!tpu.dma_semaphore, #tpu.memory_space<semaphore_mem>>
          %dma_start3A = arith.constant 0 : i32
          %dma_start3A_35 = tpu.memref_slice %arg8[%multiple_of3A_3, %dma_start3A] : memref<10000x128xf32, #tpu.memory_space<hbm>> -> memref<632x128xf32, #tpu.memory_space<hbm>>
          %dma_start3A_36 = arith.constant 0 : i32
          %dma_start3A_37 = tpu.memref_slice %arg9[%multiple_of3A_3, %dma_start3A_36] : memref<10008x128xf32, #tpu.memory_space<vmem_shared>> -> memref<632x128xf32, #tpu.memory_space<vmem_shared>>
          tpu.enqueue_dma source(%dma_start3A_37 : memref<632x128xf32, #tpu.memory_space<vmem_shared>>) target(%dma_start3A_35 : memref<632x128xf32, #tpu.memory_space<hbm>>) target_semaphore(%run_scoped3A : memref<!tpu.dma_semaphore, #tpu.memory_space<semaphore_mem>>)
          %dma_wait3A = arith.constant 0 : i32
          %dma_wait3A_38 = tpu.memref_slice %arg8[%multiple_of3A_3, %dma_wait3A] : memref<10000x128xf32, #tpu.memory_space<hbm>> -> memref<632x128xf32, #tpu.memory_space<hbm>>
          %dma_wait3A_39 = arith.constant 0 : i32
          %dma_wait3A_40 = tpu.memref_slice %arg9[%multiple_of3A_3, %dma_wait3A_39] : memref<10008x128xf32, #tpu.memory_space<vmem_shared>> -> memref<632x128xf32, #tpu.memory_space<vmem_shared>>
          tpu.wait_dma2 semaphore(%run_scoped3A : memref<!tpu.dma_semaphore, #tpu.memory_space<semaphore_mem>>) src(%dma_wait3A_40 : memref<632x128xf32, #tpu.memory_space<vmem_shared>>) dst(%dma_wait3A_38 : memref<632x128xf32, #tpu.memory_space<hbm>>)
          tpu.yield
        }) : () -> ()
      } else {
      }
      %convert_element_type3A_32 = arith.extui %eq3A_4 : i1 to i32
      %cond3A_33 = arith.constant 0 : i32
      %cond3A_34 = arith.cmpi ne, %convert_element_type3A_32, %cond3A_33 : i32
      scf.if %cond3A_34 {
        "tpu.region"() ({
          %run_scoped3A = tpu.sem_alloc : memref<!tpu.dma_semaphore, #tpu.memory_space<semaphore_mem>>
          %dma_start3A = arith.constant 0 : i32
          %dma_start3A_35 = tpu.memref_slice %arg8[%multiple_of3A_3, %dma_start3A] : memref<10000x128xf32, #tpu.memory_space<hbm>> -> memref<520x128xf32, #tpu.memory_space<hbm>>
          %dma_start3A_36 = arith.constant 0 : i32
          %dma_start3A_37 = tpu.memref_slice %arg9[%multiple_of3A_3, %dma_start3A_36] : memref<10008x128xf32, #tpu.memory_space<vmem_shared>> -> memref<520x128xf32, #tpu.memory_space<vmem_shared>>
          tpu.enqueue_dma source(%dma_start3A_37 : memref<520x128xf32, #tpu.memory_space<vmem_shared>>) target(%dma_start3A_35 : memref<520x128xf32, #tpu.memory_space<hbm>>) target_semaphore(%run_scoped3A : memref<!tpu.dma_semaphore, #tpu.memory_space<semaphore_mem>>)
          %dma_wait3A = arith.constant 0 : i32
          %dma_wait3A_38 = tpu.memref_slice %arg8[%multiple_of3A_3, %dma_wait3A] : memref<10000x128xf32, #tpu.memory_space<hbm>> -> memref<520x128xf32, #tpu.memory_space<hbm>>
          %dma_wait3A_39 = arith.constant 0 : i32
          %dma_wait3A_40 = tpu.memref_slice %arg9[%multiple_of3A_3, %dma_wait3A_39] : memref<10008x128xf32, #tpu.memory_space<vmem_shared>> -> memref<520x128xf32, #tpu.memory_space<vmem_shared>>
          tpu.wait_dma2 semaphore(%run_scoped3A : memref<!tpu.dma_semaphore, #tpu.memory_space<semaphore_mem>>) src(%dma_wait3A_40 : memref<520x128xf32, #tpu.memory_space<vmem_shared>>) dst(%dma_wait3A_38 : memref<520x128xf32, #tpu.memory_space<hbm>>)
          tpu.yield
        }) : () -> ()
      } else {
      }
    } else {
    }
    return
  }
}

module attributes {stable_mosaic.version = 14 : i64} {
  func.func @_pre_body(%arg0: i32, %arg1: memref<1000x128xf32, #tpu.memory_space<vmem>>, %arg2: memref<1000x1xf32, #tpu.memory_space<vmem>>, %arg3: memref<128x256xf32, #tpu.memory_space<vmem>>, %arg4: memref<1x256xf32, #tpu.memory_space<vmem>>, %arg5: memref<256x256xf32, #tpu.memory_space<vmem>>, %arg6: memref<256x256xf32, #tpu.memory_space<vmem>>, %arg7: memref<256x256xf32, #tpu.memory_space<vmem>>, %arg8: memref<1000x128xf32, #tpu.memory_space<vmem>>, %arg9: memref<1000x128xf32, #tpu.memory_space<vmem>>, %arg10: memref<1000x128xf32, #tpu.memory_space<vmem>>, %arg11: memref<1000x128xf32, #tpu.memory_space<vmem>>, %arg12: memref<1000x256xf32, #tpu.memory_space<vmem>>) attributes {dimension_semantics = [#tpu.dimension_semantics<arbitrary>], iteration_bounds = array<i64: 10>, scalar_prefetch = 0 : i64, scratch_operands = 0 : i64, tpu.core_type = #tpu.core_type<tc>, window_params = [{transform_indices = @transform_0, window_bounds = array<i64: 1000, 128>}, {transform_indices = @transform_1, window_bounds = array<i64: 1000, 1>}, {pipeline_mode = #tpu.pipeline_mode<synchronous>, transform_indices = @transform_2, window_bounds = array<i64: 128, 256>}, {pipeline_mode = #tpu.pipeline_mode<synchronous>, transform_indices = @transform_3, window_bounds = array<i64: 1, 256>}, {pipeline_mode = #tpu.pipeline_mode<synchronous>, transform_indices = @transform_4, window_bounds = array<i64: 256, 256>}, {pipeline_mode = #tpu.pipeline_mode<synchronous>, transform_indices = @transform_5, window_bounds = array<i64: 256, 256>}, {pipeline_mode = #tpu.pipeline_mode<synchronous>, transform_indices = @transform_6, window_bounds = array<i64: 256, 256>}, {transform_indices = @transform_7, window_bounds = array<i64: 1000, 128>}, {transform_indices = @transform_8, window_bounds = array<i64: 1000, 128>}, {transform_indices = @transform_9, window_bounds = array<i64: 1000, 128>}, {transform_indices = @transform_10, window_bounds = array<i64: 1000, 128>}, {transform_indices = @transform_11, window_bounds = array<i64: 1000, 256>}]} {
    %get3A = arith.constant 0 : index
    %get3A_0 = arith.constant 0 : index
    %get3A_1 = vector.load %arg1[%get3A, %get3A_0] : memref<1000x128xf32, #tpu.memory_space<vmem>>, vector<1000x128xf32>
    %get3A_2 = arith.constant 0 : index
    %get3A_3 = arith.constant 0 : index
    %get3A_4 = vector.load %arg3[%get3A_2, %get3A_3] : memref<128x256xf32, #tpu.memory_space<vmem>>, vector<128x256xf32>
    %dot_general3A = arith.constant dense<0.000000e+00> : vector<1000x256xf32>
    %dot_general3A_5 = tpu.matmul %get3A_1, %get3A_4, %dot_general3A {dimension_numbers = #tpu.dot_dimension_numbers<[1], [0], [0], [1], [0, 0, 1, 1], [], []>, precision = #tpu.contract_precision<fp32>, transpose_lhs_hint = false} : vector<1000x128xf32>, vector<128x256xf32>, vector<1000x256xf32> -> vector<1000x256xf32>
    %get3A_6 = arith.constant 0 : index
    %get3A_7 = arith.constant 0 : index
    %get3A_8 = vector.load %arg4[%get3A_6, %get3A_7] : memref<1x256xf32, #tpu.memory_space<vmem>>, vector<1x256xf32>
    %add3A = vector.broadcast %get3A_8 : vector<1x256xf32> to vector<1000x256xf32>
    %add3A_9 = arith.addf %dot_general3A_5, %add3A : vector<1000x256xf32>
    %max3A = arith.constant 0.000000e+00 : f32
    %max3A_10 = vector.broadcast %max3A : f32 to vector<1000x256xf32>
    %max3A_11 = arith.maximumf %add3A_9, %max3A_10 : vector<1000x256xf32>
    %get3A_12 = arith.constant 0 : index
    %get3A_13 = arith.constant 0 : index
    %get3A_14 = vector.load %arg2[%get3A_12, %get3A_13] : memref<1000x1xf32, #tpu.memory_space<vmem>>, vector<1000x1xf32>
    %div3A = arith.constant 1.000000e+00 : f32
    %div3A_15 = vector.broadcast %div3A : f32 to vector<1000x1xf32>
    %div3A_16 = arith.divf %div3A_15, %get3A_14 : vector<1000x1xf32>
    %mul3A = vector.broadcast %div3A_16 : vector<1000x1xf32> to vector<1000x256xf32>
    %mul3A_17 = arith.mulf %max3A_11, %mul3A : vector<1000x256xf32>
    %get3A_18 = arith.constant 0 : index
    %get3A_19 = arith.constant 0 : index
    %get3A_20 = vector.load %arg5[%get3A_18, %get3A_19] : memref<256x256xf32, #tpu.memory_space<vmem>>, vector<256x256xf32>
    %dot_general3A_21 = arith.constant dense<0.000000e+00> : vector<1000x256xf32>
    %dot_general3A_22 = tpu.matmul %mul3A_17, %get3A_20, %dot_general3A_21 {dimension_numbers = #tpu.dot_dimension_numbers<[1], [0], [0], [1], [0, 0, 1, 1], [], []>, precision = #tpu.contract_precision<fp32>, transpose_lhs_hint = false} : vector<1000x256xf32>, vector<256x256xf32>, vector<1000x256xf32> -> vector<1000x256xf32>
    %get3A_23 = arith.constant 0 : index
    %get3A_24 = arith.constant 0 : index
    %get3A_25 = vector.load %arg6[%get3A_23, %get3A_24] : memref<256x256xf32, #tpu.memory_space<vmem>>, vector<256x256xf32>
    %dot_general3A_26 = arith.constant dense<0.000000e+00> : vector<1000x256xf32>
    %dot_general3A_27 = tpu.matmul %max3A_11, %get3A_25, %dot_general3A_26 {dimension_numbers = #tpu.dot_dimension_numbers<[1], [0], [0], [1], [0, 0, 1, 1], [], []>, precision = #tpu.contract_precision<fp32>, transpose_lhs_hint = false} : vector<1000x256xf32>, vector<256x256xf32>, vector<1000x256xf32> -> vector<1000x256xf32>
    %slice3A = vector.extract_strided_slice %dot_general3A_22 {offsets = [0, 0], sizes = [1000, 128], strides = [1, 1]} : vector<1000x256xf32> to vector<1000x128xf32>
    %swap3A = arith.constant 0 : index
    %swap3A_28 = arith.constant 0 : index
    %swap3A_29 = vector.load %arg8[%swap3A, %swap3A_28] : memref<1000x128xf32, #tpu.memory_space<vmem>>, vector<1000x128xf32>
    tpu.vector_store %arg8[%swap3A, %swap3A_28], %slice3A {strides = array<i32>} : memref<1000x128xf32, #tpu.memory_space<vmem>>, vector<1000x128xf32>,
    %slice3A_30 = vector.extract_strided_slice %dot_general3A_22 {offsets = [0, 128], sizes = [1000, 128], strides = [1, 1]} : vector<1000x256xf32> to vector<1000x128xf32>
    %swap3A_31 = arith.constant 0 : index
    %swap3A_32 = arith.constant 0 : index
    %swap3A_33 = vector.load %arg9[%swap3A_31, %swap3A_32] : memref<1000x128xf32, #tpu.memory_space<vmem>>, vector<1000x128xf32>
    tpu.vector_store %arg9[%swap3A_31, %swap3A_32], %slice3A_30 {strides = array<i32>} : memref<1000x128xf32, #tpu.memory_space<vmem>>, vector<1000x128xf32>,
    %slice3A_34 = vector.extract_strided_slice %dot_general3A_27 {offsets = [0, 0], sizes = [1000, 128], strides = [1, 1]} : vector<1000x256xf32> to vector<1000x128xf32>
    %swap3A_35 = arith.constant 0 : index
    %swap3A_36 = arith.constant 0 : index
    %swap3A_37 = vector.load %arg10[%swap3A_35, %swap3A_36] : memref<1000x128xf32, #tpu.memory_space<vmem>>, vector<1000x128xf32>
    tpu.vector_store %arg10[%swap3A_35, %swap3A_36], %slice3A_34 {strides = array<i32>} : memref<1000x128xf32, #tpu.memory_space<vmem>>, vector<1000x128xf32>,
    %slice3A_38 = vector.extract_strided_slice %dot_general3A_27 {offsets = [0, 128], sizes = [1000, 128], strides = [1, 1]} : vector<1000x256xf32> to vector<1000x128xf32>
    %swap3A_39 = arith.constant 0 : index
    %swap3A_40 = arith.constant 0 : index
    %swap3A_41 = vector.load %arg11[%swap3A_39, %swap3A_40] : memref<1000x128xf32, #tpu.memory_space<vmem>>, vector<1000x128xf32>
    tpu.vector_store %arg11[%swap3A_39, %swap3A_40], %slice3A_38 {strides = array<i32>} : memref<1000x128xf32, #tpu.memory_space<vmem>>, vector<1000x128xf32>,
    %get3A_42 = arith.constant 0 : index
    %get3A_43 = arith.constant 0 : index
    %get3A_44 = vector.load %arg7[%get3A_42, %get3A_43] : memref<256x256xf32, #tpu.memory_space<vmem>>, vector<256x256xf32>
    %dot_general3A_45 = arith.constant dense<0.000000e+00> : vector<1000x256xf32>
    %dot_general3A_46 = tpu.matmul %max3A_11, %get3A_44, %dot_general3A_45 {dimension_numbers = #tpu.dot_dimension_numbers<[1], [0], [0], [1], [0, 0, 1, 1], [], []>, precision = #tpu.contract_precision<fp32>, transpose_lhs_hint = false} : vector<1000x256xf32>, vector<256x256xf32>, vector<1000x256xf32> -> vector<1000x256xf32>
    %swap3A_47 = arith.constant 0 : index
    %swap3A_48 = arith.constant 0 : index
    %swap3A_49 = vector.load %arg12[%swap3A_47, %swap3A_48] : memref<1000x256xf32, #tpu.memory_space<vmem>>, vector<1000x256xf32>
    tpu.vector_store %arg12[%swap3A_47, %swap3A_48], %dot_general3A_46 {strides = array<i32>} : memref<1000x256xf32, #tpu.memory_space<vmem>>, vector<1000x256xf32>,
    return
  }
  func.func @transform_0(%arg0: i32) -> (i32, i32) {
    %c0_i32 = arith.constant 0 : i32
    %c0_i32_0 = arith.constant 0 : i32
    return %arg0, %c0_i32 : i32, i32
  }
  func.func @transform_1(%arg0: i32) -> (i32, i32) {
    %c0_i32 = arith.constant 0 : i32
    %c0_i32_0 = arith.constant 0 : i32
    return %arg0, %c0_i32 : i32, i32
  }
  func.func @transform_2(%arg0: i32) -> (i32, i32) {
    %c0_i32 = arith.constant 0 : i32
    %c0_i32_0 = arith.constant 0 : i32
    %c0_i32_1 = arith.constant 0 : i32
    return %c0_i32, %c0_i32_0 : i32, i32
  }
  func.func @transform_3(%arg0: i32) -> (i32, i32) {
    %c0_i32 = arith.constant 0 : i32
    %c0_i32_0 = arith.constant 0 : i32
    %c0_i32_1 = arith.constant 0 : i32
    return %c0_i32, %c0_i32_0 : i32, i32
  }
  func.func @transform_4(%arg0: i32) -> (i32, i32) {
    %c0_i32 = arith.constant 0 : i32
    %c0_i32_0 = arith.constant 0 : i32
    %c0_i32_1 = arith.constant 0 : i32
    return %c0_i32, %c0_i32_0 : i32, i32
  }
  func.func @transform_5(%arg0: i32) -> (i32, i32) {
    %c0_i32 = arith.constant 0 : i32
    %c0_i32_0 = arith.constant 0 : i32
    %c0_i32_1 = arith.constant 0 : i32
    return %c0_i32, %c0_i32_0 : i32, i32
  }
  func.func @transform_6(%arg0: i32) -> (i32, i32) {
    %c0_i32 = arith.constant 0 : i32
    %c0_i32_0 = arith.constant 0 : i32
    %c0_i32_1 = arith.constant 0 : i32
    return %c0_i32, %c0_i32_0 : i32, i32
  }
  func.func @transform_7(%arg0: i32) -> (i32, i32) {
    %c0_i32 = arith.constant 0 : i32
    %c0_i32_0 = arith.constant 0 : i32
    return %arg0, %c0_i32 : i32, i32
  }
  func.func @transform_8(%arg0: i32) -> (i32, i32) {
    %c0_i32 = arith.constant 0 : i32
    %c0_i32_0 = arith.constant 0 : i32
    return %arg0, %c0_i32 : i32, i32
  }
  func.func @transform_9(%arg0: i32) -> (i32, i32) {
    %c0_i32 = arith.constant 0 : i32
    %c0_i32_0 = arith.constant 0 : i32
    return %arg0, %c0_i32 : i32, i32
  }
  func.func @transform_10(%arg0: i32) -> (i32, i32) {
    %c0_i32 = arith.constant 0 : i32
    %c0_i32_0 = arith.constant 0 : i32
    return %arg0, %c0_i32 : i32, i32
  }
  func.func @transform_11(%arg0: i32) -> (i32, i32) {
    %c0_i32 = arith.constant 0 : i32
    %c0_i32_0 = arith.constant 0 : i32
    return %arg0, %c0_i32 : i32, i32
  }
}

module attributes {stable_mosaic.version = 14 : i64} {
  func.func @_post_body(%arg0: i32, %arg1: memref<1000x256xf32, #tpu.memory_space<vmem>>, %arg2: memref<1000x128xf32, #tpu.memory_space<vmem>>, %arg3: memref<1000x128xf32, #tpu.memory_space<vmem>>, %arg4: memref<1000x128xf32, #tpu.memory_space<vmem>>, %arg5: memref<1000x128xf32, #tpu.memory_space<vmem>>, %arg6: memref<1000x1xf32, #tpu.memory_space<vmem>>, %arg7: memref<1x128xf32, #tpu.memory_space<vmem>>, %arg8: memref<1x128xf32, #tpu.memory_space<vmem>>, %arg9: memref<1x128xf32, #tpu.memory_space<vmem>>, %arg10: memref<1000x128xf32, #tpu.memory_space<vmem>>, %arg11: memref<1000x1xf32, #tpu.memory_space<vmem>>) attributes {dimension_semantics = [#tpu.dimension_semantics<arbitrary>], iteration_bounds = array<i64: 10>, scalar_prefetch = 0 : i64, scratch_operands = 0 : i64, tpu.core_type = #tpu.core_type<tc>, window_params = [{transform_indices = @transform_0, window_bounds = array<i64: 1000, 256>}, {transform_indices = @transform_1, window_bounds = array<i64: 1000, 128>}, {transform_indices = @transform_2, window_bounds = array<i64: 1000, 128>}, {transform_indices = @transform_3, window_bounds = array<i64: 1000, 128>}, {transform_indices = @transform_4, window_bounds = array<i64: 1000, 128>}, {transform_indices = @transform_5, window_bounds = array<i64: 1000, 1>}, {pipeline_mode = #tpu.pipeline_mode<synchronous>, transform_indices = @transform_6, window_bounds = array<i64: 1, 128>}, {pipeline_mode = #tpu.pipeline_mode<synchronous>, transform_indices = @transform_7, window_bounds = array<i64: 1, 128>}, {pipeline_mode = #tpu.pipeline_mode<synchronous>, transform_indices = @transform_8, window_bounds = array<i64: 1, 128>}, {transform_indices = @transform_9, window_bounds = array<i64: 1000, 128>}, {transform_indices = @transform_10, window_bounds = array<i64: 1000, 1>}]} {
    %get3A = arith.constant 0 : index
    %get3A_0 = arith.constant 0 : index
    %get3A_1 = vector.load %arg6[%get3A, %get3A_0] : memref<1000x1xf32, #tpu.memory_space<vmem>>, vector<1000x1xf32>
    %div3A = arith.constant 1.000000e+00 : f32
    %div3A_2 = vector.broadcast %div3A : f32 to vector<1000x1xf32>
    %div3A_3 = arith.divf %div3A_2, %get3A_1 : vector<1000x1xf32>
    %get3A_4 = arith.constant 0 : index
    %get3A_5 = arith.constant 0 : index
    %get3A_6 = vector.load %arg1[%get3A_4, %get3A_5] : memref<1000x256xf32, #tpu.memory_space<vmem>>, vector<1000x128xf32>
    %get3A_7 = arith.constant 0 : index
    %get3A_8 = arith.constant 0 : index
    %get3A_9 = vector.load %arg2[%get3A_7, %get3A_8] : memref<1000x128xf32, #tpu.memory_space<vmem>>, vector<1000x128xf32>
    %add3A = arith.addf %get3A_6, %get3A_9 : vector<1000x128xf32>
    %get3A_10 = arith.constant 0 : index
    %get3A_11 = arith.constant 0 : index
    %get3A_12 = vector.load %arg4[%get3A_10, %get3A_11] : memref<1000x128xf32, #tpu.memory_space<vmem>>, vector<1000x128xf32>
    %mul3A = vector.broadcast %div3A_3 : vector<1000x1xf32> to vector<1000x128xf32>
    %mul3A_13 = arith.mulf %mul3A, %get3A_12 : vector<1000x128xf32>
    %add3A_14 = arith.addf %add3A, %mul3A_13 : vector<1000x128xf32>
    %get3A_15 = arith.constant 0 : index
    %get3A_16 = arith.constant 0 : index
    %get3A_17 = vector.load %arg7[%get3A_15, %get3A_16] : memref<1x128xf32, #tpu.memory_space<vmem>>, vector<1x128xf32>
    %add3A_18 = vector.broadcast %get3A_17 : vector<1x128xf32> to vector<1000x128xf32>
    %add3A_19 = arith.addf %add3A_14, %add3A_18 : vector<1000x128xf32>
    %get3A_20 = arith.constant 0 : index
    %get3A_21 = arith.constant 128 : index
    %get3A_22 = vector.load %arg1[%get3A_20, %get3A_21] : memref<1000x256xf32, #tpu.memory_space<vmem>>, vector<1000x128xf32>
    %get3A_23 = arith.constant 0 : index
    %get3A_24 = arith.constant 0 : index
    %get3A_25 = vector.load %arg3[%get3A_23, %get3A_24] : memref<1000x128xf32, #tpu.memory_space<vmem>>, vector<1000x128xf32>
    %add3A_26 = arith.addf %get3A_22, %get3A_25 : vector<1000x128xf32>
    %get3A_27 = arith.constant 0 : index
    %get3A_28 = arith.constant 0 : index
    %get3A_29 = vector.load %arg5[%get3A_27, %get3A_28] : memref<1000x128xf32, #tpu.memory_space<vmem>>, vector<1000x128xf32>
    %mul3A_30 = vector.broadcast %div3A_3 : vector<1000x1xf32> to vector<1000x128xf32>
    %mul3A_31 = arith.mulf %mul3A_30, %get3A_29 : vector<1000x128xf32>
    %add3A_32 = arith.addf %add3A_26, %mul3A_31 : vector<1000x128xf32>
    %get3A_33 = arith.constant 0 : index
    %get3A_34 = arith.constant 0 : index
    %get3A_35 = vector.load %arg8[%get3A_33, %get3A_34] : memref<1x128xf32, #tpu.memory_space<vmem>>, vector<1x128xf32>
    %add3A_36 = vector.broadcast %get3A_35 : vector<1x128xf32> to vector<1000x128xf32>
    %add3A_37 = arith.addf %add3A_32, %add3A_36 : vector<1000x128xf32>
    %logistic3A = arith.negf %add3A_19 : vector<1000x128xf32>
    %logistic3A_38 = math.exp %logistic3A : vector<1000x128xf32>
    %logistic3A_39 = arith.constant 1.000000e+00 : f32
    %logistic3A_40 = vector.broadcast %logistic3A_39 : f32 to vector<1000x128xf32>
    %logistic3A_41 = arith.addf %logistic3A_40, %logistic3A_38 : vector<1000x128xf32>
    %logistic3A_42 = arith.divf %logistic3A_40, %logistic3A_41 : vector<1000x128xf32>
    %tanh3A = math.tanh %add3A_37 : vector<1000x128xf32>
    %sub3A = arith.constant 1.000000e+00 : f32
    %sub3A_43 = vector.broadcast %sub3A : f32 to vector<1000x128xf32>
    %sub3A_44 = arith.subf %sub3A_43, %logistic3A_42 : vector<1000x128xf32>
    %mul3A_45 = arith.mulf %sub3A_44, %tanh3A : vector<1000x128xf32>
    %swap3A = arith.constant 0 : index
    %swap3A_46 = arith.constant 0 : index
    %swap3A_47 = vector.load %arg10[%swap3A, %swap3A_46] : memref<1000x128xf32, #tpu.memory_space<vmem>>, vector<1000x128xf32>
    tpu.vector_store %arg10[%swap3A, %swap3A_46], %mul3A_45 {strides = array<i32>} : memref<1000x128xf32, #tpu.memory_space<vmem>>, vector<1000x128xf32>,
    %max3A = arith.constant 0.000000e+00 : f32
    %max3A_48 = vector.broadcast %max3A : f32 to vector<1000x128xf32>
    %max3A_49 = arith.maximumf %mul3A_45, %max3A_48 : vector<1000x128xf32>
    %get3A_50 = arith.constant 0 : index
    %get3A_51 = arith.constant 0 : index
    %get3A_52 = vector.load %arg9[%get3A_50, %get3A_51] : memref<1x128xf32, #tpu.memory_space<vmem>>, vector<1x128xf32>
    %mul3A_53 = vector.broadcast %get3A_52 : vector<1x128xf32> to vector<1000x128xf32>
    %mul3A_54 = arith.mulf %max3A_49, %mul3A_53 : vector<1000x128xf32>
    %reduce_sum3A = arith.constant dense<0.000000e+00> : vector<1000xf32>
    %reduce_sum3A_55 = vector.multi_reduction <add>, %mul3A_54, %reduce_sum3A [1] : vector<1000x128xf32> to vector<1000xf32>
    %broadcast_in_dim3A = vector.shape_cast %reduce_sum3A_55 : vector<1000xf32> to vector<1000x1xf32>
    %swap3A_56 = arith.constant 0 : index
    %swap3A_57 = arith.constant 0 : index
    %swap3A_58 = vector.load %arg11[%swap3A_56, %swap3A_57] : memref<1000x1xf32, #tpu.memory_space<vmem>>, vector<1000x1xf32>
    tpu.vector_store %arg11[%swap3A_56, %swap3A_57], %broadcast_in_dim3A {strides = array<i32>} : memref<1000x1xf32, #tpu.memory_space<vmem>>, vector<1000x1xf32>,
    return
  }
  func.func @transform_0(%arg0: i32) -> (i32, i32) {
    %c0_i32 = arith.constant 0 : i32
    %c0_i32_0 = arith.constant 0 : i32
    return %arg0, %c0_i32 : i32, i32
  }
  func.func @transform_1(%arg0: i32) -> (i32, i32) {
    %c0_i32 = arith.constant 0 : i32
    %c0_i32_0 = arith.constant 0 : i32
    return %arg0, %c0_i32 : i32, i32
  }
  func.func @transform_2(%arg0: i32) -> (i32, i32) {
    %c0_i32 = arith.constant 0 : i32
    %c0_i32_0 = arith.constant 0 : i32
    return %arg0, %c0_i32 : i32, i32
  }
  func.func @transform_3(%arg0: i32) -> (i32, i32) {
    %c0_i32 = arith.constant 0 : i32
    %c0_i32_0 = arith.constant 0 : i32
    return %arg0, %c0_i32 : i32, i32
  }
  func.func @transform_4(%arg0: i32) -> (i32, i32) {
    %c0_i32 = arith.constant 0 : i32
    %c0_i32_0 = arith.constant 0 : i32
    return %arg0, %c0_i32 : i32, i32
  }
  func.func @transform_5(%arg0: i32) -> (i32, i32) {
    %c0_i32 = arith.constant 0 : i32
    %c0_i32_0 = arith.constant 0 : i32
    return %arg0, %c0_i32 : i32, i32
  }
  func.func @transform_6(%arg0: i32) -> (i32, i32) {
    %c0_i32 = arith.constant 0 : i32
    %c0_i32_0 = arith.constant 0 : i32
    %c0_i32_1 = arith.constant 0 : i32
    return %c0_i32, %c0_i32_0 : i32, i32
  }
  func.func @transform_7(%arg0: i32) -> (i32, i32) {
    %c0_i32 = arith.constant 0 : i32
    %c0_i32_0 = arith.constant 0 : i32
    %c0_i32_1 = arith.constant 0 : i32
    return %c0_i32, %c0_i32_0 : i32, i32
  }
  func.func @transform_8(%arg0: i32) -> (i32, i32) {
    %c0_i32 = arith.constant 0 : i32
    %c0_i32_0 = arith.constant 0 : i32
    %c0_i32_1 = arith.constant 0 : i32
    return %c0_i32, %c0_i32_0 : i32, i32
  }
  func.func @transform_9(%arg0: i32) -> (i32, i32) {
    %c0_i32 = arith.constant 0 : i32
    %c0_i32_0 = arith.constant 0 : i32
    return %arg0, %c0_i32 : i32, i32
  }
  func.func @transform_10(%arg0: i32) -> (i32, i32) {
    %c0_i32 = arith.constant 0 : i32
    %c0_i32_0 = arith.constant 0 : i32
    return %arg0, %c0_i32 : i32, i32
  }
}

</mosaic_0001>

<sc_bundles>
// kernel: kernel.10.cloned.1.call-start
scs
__scs_entry_jumppad:
0x0: {  	(pc) =	sbr.rel $0x88, $3  }
0x1: {  	(tag) =	ssettag $0x0;
	lr =	simm.s32 $0x1  }
0x2: {  	[smem:$0x3F96] =	sst lr;
	_ =	strace $0xD0000000  }
0x3: {  	_ = 	snop  }
0x4: {  	_ = 	snop  }
0x5: {  	_ = 	snop  }
0x6: {  	_ = 	snop  }
0x7: {  	_ = 	snop  }
__scs_overlays_trampoline_lowered:
0x8: {  	[smem:$0x3FA5] =	sst s0  }
0x9: {  	[smem:$0x3FA6] =	sst s1  }
0xa: {  	[smem:$0x3FA7] =	sst s2  }
0xb: {  	[smem:$0x3FA8] =	sst s3  }
0xc: {  	[smem:$0x3FA9] =	sst s4  }
0xd: {  	[smem:$0x3FAA] =	sst s5  }
0xe: {  	[smem:$0x3FAB] =	sst s6  }
0xf: {  	[smem:$0x3FAC] =	sst s7  }
0x10: {  	[smem:$0x3FAD] =	sst s8  }
0x11: {  	[smem:$0x3FAE] =	sst s9;
	s0 =	simm.s32 @!p0 $0x0  }
0x12: {  	s1 =	sld [smem:$0x3F94];
	s0 =	simm.s32 @p0 $0x1  }
0x13: {  	[smem:$0x3FAF] =	sst s0;
	s0 =	simm.s32 @!p1 $0x0  }
0x14: {  	s2 =	sld [smem:$0x3F93];
	s0 =	simm.s32 @p1 $0x1  }
0x15: {  	[smem:$0x3FB0] =	sst s0;
	s0 =	simm.s32 @!p2 $0x0  }
0x16: {  	s3 =	sld [smem:$0x3FDB];
	s0 =	simm.s32 @p2 $0x1  }
0x17: {  	s4 =	simm.s32 $0x1BF5;
	[smem:$0x3FB2] =	sst s0  }
0x18: {  	s0 =	sld [smem:$0x3F95];
	_ =	swait.ge [sflag:s4], $0x0  }
0x19: {  	s7 =	sld [smem:$0x3F96]  }
0x1a: {  	s8 =	sadd.s32 $0xFFFFE003, lr  }
0x1b: {  	s9 =	sadd.s32 $0xFFFFFEF7, lr;
	s5 =	simm.s32 $0xFFFFFFFF;
	p2 =	slt.u32 s8, $0xFFFFF086  }
0x1c: {  	p1 =	slt.u32 s9, $0xF7A;
	s5 =	simm.s32 @!p2 $0x0  }
0x1d: {  	s5 =	simm.s32 @p1 $0x1;
	p0 =	seq.s32 s7, s2  }
0x1e: {  	s7 =	smul.u32 @!p0 $0xF7A, s2;
	p2 =	seq.s32 @!p0 s5, $0x0  }
0x1f: {  	s9 =	smul.u32 $0xF7A, s1;
	s8 =	simm.s32 @!p0 $0x1BF5;
	p2 =	por !p2, p0  }
0x20: {  	[sflag:s8] =	ssyncset.s32 @!p0 $0xFFFFF086;
	s6 =	sadd.s32 @!p0 s3, s7;
	s7 =	simm.s32 @!p0 $0x108  }
0x21: {  	s3 =	sadd.s32 s3, s9;
	s6 =	sadd.s32 @!p0 $0x88, s6;
	s7 =	simm.s32 @p2 $0x1082  }
0x22: {  	[simem:s7], [sflag:s8] =	dma.local @!p0 [hbm:s6], $0xF7A  }
0x23: {  	s9 =	sor.u32 $0xD0000000, s2;
	s6 =	simm.s32 $0x108;
	_ =	swait.ge @!p0 [sflag:s8], $0x0  }
0x24: {  	s3 =	sadd.s32 $0x88, s3;
	s6 =	simm.s32 @!p1 $0x1082;
	[sflag:s4] =	ssyncset.s32 $0xFFFFF086  }
0x25: {  	[simem:s6], [sflag:s4] =	dma.local [hbm:s3], $0xF7A  }
0x26: {  	[smem:$0x3F96] =	sst s1;
	(tag) =	ssettag s2;
	_ =	strace s9  }
0x27: {  	s1 =	sld [smem:$0x3FA6]  }
0x28: {  	s2 =	sld [smem:$0x3FA7]  }
0x29: {  	s4 =	sld [smem:$0x3FA9]  }
0x2a: {  	p0 =	seq.s32 s5, $0x0;
	s5 =	sld [smem:$0x3FAA]  }
0x2b: {  	s6 =	sld [smem:$0x3FAB]  }
0x2c: {  	s7 =	sld [smem:$0x3FAC]  }
0x2d: {  	s3 =	simm.s32 $0x108;
	s8 =	sld [smem:$0x3FAD]  }
0x2e: {  	s3 =	simm.s32 @!p0 $0x1082;
	s9 =	sld [smem:$0x3FAE]  }
0x2f: {  	lr =	sadd.s32 s0, s3;
	s0 =	sld [smem:$0x3FA5]  }
0x30: {  	s3 =	sld [smem:$0x3FA8]  }
0x31: {  	[smem:$0x3FB1] =	sst s10  }
0x32: {  	s10 =	sld [smem:$0x3FAF];
	_ =	sdelay $0x3  }
0x33: {  	p0 =	seq.s32 s10, $0x1;
	s10 =	sld [smem:$0x3FB1];
	_ =	sdelay $0x3  }
0x34: {  	[smem:$0x3FB1] =	sst s10  }
0x35: {  	s10 =	sld [smem:$0x3FB0];
	_ =	sdelay $0x3  }
0x36: {  	p1 =	seq.s32 s10, $0x1;
	s10 =	sld [smem:$0x3FB1];
	_ =	sdelay $0x3  }
0x37: {  	[smem:$0x3FB1] =	sst s10  }
0x38: {  	s10 =	sld [smem:$0x3FB2]  }
0x39: {  	_ = 	snop;
	(pc) =	sbr.ind lr, $3  }
0x3a: {  	_ = 	snop  }
0x3b: {  	_ = 	snop  }
0x3c: {  	p2 =	seq.s32 s10, $0x1;
	s10 =	sld [smem:$0x3FB1]  }
0x3d: {  	_ =	shalt  }
0x3e: {  	_ =	shalt  }
0x3f: {  	_ =	shalt  }
0x40: {  	_ =	shalt  }
0x41: {  	_ =	shalt  }
0x42: {  	_ =	shalt  }
0x43: {  	_ =	shalt  }
0x44: {  	_ =	shalt  }
0x45: {  	_ =	shalt  }
0x46: {  	_ =	shalt  }
0x47: {  	_ =	shalt  }
0x48: {  	_ =	shalt  }
0x49: {  	_ =	shalt  }
0x4a: {  	_ =	shalt  }
0x4b: {  	_ =	shalt  }
0x4c: {  	_ =	shalt  }
0x4d: {  	_ =	shalt  }
0x4e: {  	_ =	shalt  }
0x4f: {  	_ =	shalt  }
0x50: {  	_ =	shalt  }
0x51: {  	_ =	shalt  }
0x52: {  	_ =	shalt  }
0x53: {  	_ =	shalt  }
0x54: {  	_ =	shalt  }
0x55: {  	_ =	shalt  }
0x56: {  	_ =	shalt  }
0x57: {  	_ =	shalt  }
0x58: {  	_ =	shalt  }
0x59: {  	_ =	shalt  }
0x5a: {  	_ =	shalt  }
0x5b: {  	_ =	shalt  }
0x5c: {  	_ =	shalt  }
0x5d: {  	_ =	shalt  }
0x5e: {  	_ =	shalt  }
0x5f: {  	_ =	shalt  }
0x60: {  	_ =	shalt  }
0x61: {  	_ =	shalt  }
0x62: {  	_ =	shalt  }
0x63: {  	_ =	shalt  }
0x64: {  	_ =	shalt  }
0x65: {  	_ =	shalt  }
0x66: {  	_ =	shalt  }
0x67: {  	_ =	shalt  }
0x68: {  	_ =	shalt  }
0x69: {  	_ =	shalt  }
0x6a: {  	_ =	shalt  }
0x6b: {  	_ =	shalt  }
0x6c: {  	_ =	shalt  }
0x6d: {  	_ =	shalt  }
0x6e: {  	_ =	shalt  }
0x6f: {  	_ =	shalt  }
0x70: {  	_ =	shalt  }
0x71: {  	_ =	shalt  }
0x72: {  	_ =	shalt  }
0x73: {  	_ =	shalt  }
0x74: {  	_ =	shalt  }
0x75: {  	_ =	shalt  }
0x76: {  	_ =	shalt  }
0x77: {  	_ =	shalt  }
0x78: {  	_ =	shalt  }
0x79: {  	_ =	shalt  }
0x7a: {  	_ =	shalt  }
0x7b: {  	_ =	shalt  }
0x7c: {  	_ =	shalt  }
0x7d: {  	_ =	shalt  }
0x7e: {  	_ =	shalt  }
0x7f: {  	_ =	shalt  }
0x80: {  	_ =	shalt  }
0x81: {  	_ =	shalt  }
0x82: {  	_ =	shalt  }
0x83: {  	_ =	shalt  }
0x84: {  	_ =	shalt  }
0x85: {  	_ =	shalt  }
0x86: {  	_ =	shalt  }
0x87: {  	_ =	shalt  }
.Lfunc_end0:
.L_simem_size_0:
called_computation.1_lowered:
.L_overlay_start_0:
0x88: {  	s2 =	sld [smem:$0x3FD9]  }
0x89: {  	s3 =	sld [smem:$0x3FFE];
	_ =	sdelay $0x1  }
0x8a: {  	s1 =	srdreg.scid  }
0x8b: {  	s0 =	sand.u32 $0x1, s1  }
0x8c: {  	s15 =	sshll.u32 s0, $0xA;
	s2 =	sadd.s32 s3, s2  }
0x8d: {  	s2 =	sadd.s32 s2, s15  }
0x8e: {  	[smem:$0x3FBD] =	sst s2  }
0x8f: {  	_ = 	snop  }
0x90: {  	s2 =	sld [smem:$0x3FD0];
	_ =	sdelay $0x2  }
0x91: {  	s16 =	simm.s32 $0xB;
	s4 =	simm.s32 $0x10  }
0x92: {  	[smem:s4], [sflag:s16] =	dma.local [hbm:s2], $0x1  }
0x93: {  	_ =	swait.eq [sflag:s16], $0x1  }
0x94: {  	[sflag:s16] =	ssyncset.done $0x0  }
0x95: {  	[sflag:s16] =	ssyncadd.s32 $0xFFFFFFFF  }
0x96: {  	s17 =	sld [smem:$0x11];
	(tm) =	ssettm $0x1  }
0x97: {  	s18 =	sld [smem:$0x3FFB];
	_ =	sdelay $0x3  }
0x98: {  	_ =	strace s18  }
0x99: {  	s2 =	sld [smem:$0x3FFC];
	_ =	sdelay $0x3  }
0x9a: {  	_ =	strace s2  }
0x9b: {  	s2 =	sld [smem:$0x3FFD];
	_ =	sdelay $0x3  }
0x9c: {  	_ =	strace s2  }
0x9d: {  	_ =	strace $0x8FFFFFFF  }
0x9e: {  	s19 =	sld [smem:$0x3FDB];
	_ =	sdelay $0x1  }
0x9f: {  	s20 =	simm.s32 $_scs_section_size  }
0xa0: {  	s5 =	simm.s32 $_size__tile_overlayer_lowered;
	s6 =	simm.s32 $_tile_overlayer_lowered  }
0xa1: {  	s7 =	simm.s32 $0x1BFF;
	s21 =	sshll.u32 s6, $0x1;
	s4 =	sadd.s32 s20, s19  }
0xa2: {  	s22 =	simm.s32 $0x0;
	s5 =	sshll.u32 s5, $0x1;
	s6 =	sadd.s32 s21, s4  }
0xa3: {  	[timem:s22], [sflag:s7] =	dma.local [hbm:s6], s5  }
0xa4: {  	_ =	swait.ge [sflag:s7], s5  }
0xa5: {  	s5 =	ssub.s32 $0x0, s5;
	[sflag:s7] =	ssyncset.done $0x0  }
0xa6: {  	[sflag:s7] =	ssyncadd.s32 s5;
	_ =	sdelay $0x1  }
0xa7: {  	s23 =	simm.s32 $0x1B8B  }
0xa8: {  	_ =	swait.ge [sflag:s23], $0x1  }
0xa9: {  	[sflag:s23] =	ssyncset.done $0x0  }
0xaa: {  	[sflag:s23] =	ssyncadd.s32 $0xFFFFFFFF  }
0xab: {  	s5 =	sld [smem:$0x0]  }
0xac: {  	s6 =	sand.u32 $0xFFFFFFFE, s1  }
0xad: {  	p0 =	sne.s32 s1, s6  }
0xae: {  	s6 =	sshll.u32 @p0 s6, $0xE  }
0xaf: {  	s6 =	sadd.s32 @p0 $0x11B8D, s6;
	s7 =	sshll.u32 @p0 s5, $0x11  }
0xb0: {  	s6 =	sor.u32 @p0 s7, s6  }
0xb1: {  	[sflag:s6] =	ssyncadd.remote.s32 @p0 $0x1;
	_ =	sdelay $0x1  }
0xb2: {  	s6 =	simm.s32 @p0 $0x1B8D  }
0xb3: {  	_ =	swait.eq @p0 [sflag:s6], $0x1  }
0xb4: {  	[sflag:s6] =	ssyncadd.s32 @p0 $0xFFFFFFFF  }
0xb5: {  	s7 =	sshll.u32 @!p0 s1, $0xE  }
0xb6: {  	s7 =	sor.u32 @!p0 $0x4000, s7;
	s6 =	simm.s32 @!p0 $0x1B8D  }
0xb7: {  	s5 =	sshll.u32 @!p0 s5, $0x11;
	s7 =	sadd.s32 @!p0 $0x11B8D, s7;
	_ =	swait.eq @!p0 [sflag:s6], $0x1  }
0xb8: {  	s5 =	sor.u32 @!p0 s5, s7;
	[sflag:s6] =	ssyncadd.s32 @!p0 $0xFFFFFFFF  }
0xb9: {  	s25 =	simm.s32 $0x1B8E;
	s24 =	sld [smem:$0x3FFE];
	[sflag:s5] =	ssyncadd.remote.s32 @!p0 $0x1  }
0xba: {  	s26 =	simm.s32 $execute0_lowered;
	[smem:$0x3FD2] =	sst s25  }
0xbb: {  	s6 =	sshll.u32 s26, $0x1;
	_ =	strace $0x8000004C;
	[dreg:$0x1] =	wrdreg $0xFFFFFFFF  }
0xbc: {  	s28 =	simm.s32 $_size_execute0_lowered;
	s4 =	sadd.s32 s4, s6;
	[dreg:$0x0] =	wrdreg $0x0  }
0xbd: {  	s6 =	sshll.u32 s28, $0x1;
	[dreg:$0x2] =	wrdreg s4  }
0xbe: {  	[dreg:$0x3] =	wrdreg s6  }
0xbf: {  	[dreg:$0x4] =	wrdreg $0xC0  }
0xc0: {  	_ =	task [dreg:s22], $0x5FFFF  }
0xc1: {  	[dreg:$0x1] =	wrdreg $0xFFFFFFFF  }
0xc2: {  	[dreg:$0x0] =	wrdreg $0x60  }
0xc3: {  	[dreg:$0x2] =	wrdreg s17  }
0xc4: {  	[dreg:$0x3] =	wrdreg s24  }
0xc5: {  	[dreg:$0x4] =	wrdreg $0x0  }
0xc6: {  	[dreg:$0x5] =	wrdreg $0x9  }
0xc7: {  	_ =	task.clear_ibuf [dreg:s22], $0x6FFFF;
	_ =	strace $0x9000004C  }
0xc8: {  	s29 =	simm.s32 $0x9;
	_ =	strace $0x8000004E  }
0xc9: {  	_ =	swait.ge [sflag:s29], $0x1  }
0xca: {  	[sflag:s29] =	ssyncadd.s32 $0xFFFFFFFF  }
0xcb: {  	_ =	strace $0x9000004E  }
0xcc: {  	_ =	sfence  }
0xcd: {  	s30 =	sld [smem:$0x0];
	_ =	sdelay $0x2  }
0xce: {  	s31 =	sshll.u32 s1, $0xD;
	s1 =	sshrl.u32 s1, $0x2  }
0xcf: {  	s4 =	sand.u32 $0x4000, s31;
	s1 =	sadd.s32 s1, s30  }
0xd0: {  	s0 =	sor.u32 s4, s0;
	s1 =	sshll.u32 s1, $0x11  }
0xd1: {  	s0 =	sor.u32 s1, s0  }
0xd2: {  	s0 =	sadd.s32 $0x8F2B, s0  }
0xd3: {  	[sflag:s0] =	ssyncadd.remote.s32 $0x1  }
0xd4: {  	_ =	sfence.sel $0xFFFF  }
0xd5: {  	[dreg:$0x0] =	wrdreg $0xFFFFFFFF;
	(pc) =	sbr.abs _section_cstart, $3  }
0xd6: {  	[dreg:$0x1] =	wrdreg $0xFFFFFFFF  }
0xd7: {  	_ =	task.clear_ibuf [dreg:s22], $0x2FFFF;
	_ =	strace $0x9FFFFFFF  }
0xd8: {  	(tm) =	ssettm $0x7FFFFFFF  }
0xd9: {  	_ =	shalt  }
tec
execute0_lowered:
.L_overlay_start_1:
0x0: {  	(tag) =	ssettag $0x1  }
0x1: {  	s0 =	rddreg [dreg:$0x0]  }
0x2: {  	s2 =	rddreg [dreg:$0x1]  }
0x3: {  	s1 =	rddreg [dreg:$0x2]  }
0x4: {  	s3 =	simm.s32 $0x0;
	s17 =	stileid.u32;
	s5 =	srdreg.scid  }
0x5: {  	s19 =	simm.s32 $0x138C0;
	s20 =	simm.s32 $0x3;
	s21 =	simm.s32 $0x148C0  }
0x6: {  	s23 =	simm.s32 $0x158C0;
	s28 =	simm.s32 $0x14840;
	s29 =	simm.s32 $0x157C0  }
0x7: {  	s30 =	simm.s32 $0x15840;
	[smem:$0x7FF] =	sst s3;
	s4 =	sadd.s32 $0xEFA00, s2  }
0x8: {  	s8 =	smul.u32 $0x2780, s17;
	s10 =	sand.u32 $0x1, s5;
	s5 =	sadd.s32 $0x7A400, s2  }
0x9: {  	s11 =	smul.u32 $0x4F000, s17;
	s6 =	sadd.s32 $0x21600, s2;
	s16 =	sadd.s32 $0x128400, s1  }
0xa: {  	s7 =	sadd.s32 $0x17600, s2;
	s26 =	sadd.s32 $0x18A080, s2;
	p1 =	seq.s32 s17, $0xF  }
0xb: {  	s22 =	simm.s32 $0x80;
	s14 =	sadd.s32 $0x1B1280, s2;
	_ =	strace $0x8000004D  }
0xc: {  	s9 =	ssub.s32 $0x2, s10;
	p0 =	seq.s32 s10, $0x1;
	s10 =	smul.u32 $0x5000, s17  }
0xd: {  	[dreg:$0x5] =	wrdreg s26;
	s16 =	sshrl.u32 @p1 s16, $0x3;
	s26 =	simm.s32 $0x2  }
0xe: {  	s12 =	sshrl.u32 s9, $0x1;
	s13 =	sadd.s32 s8, s2;
	s24 =	sshrl.u32 s11, $0x2  }
.Ltmp0:
0xf: {  	s8 =	sadd.s32 s0, s8;
	s15 =	ssub.s32 s9, s12;
	(pc) =	sbr.rel .LBB2_1-.Ltmp0, $4  }
0x10: {  	s18 =	sadd.s32 s24, s1;
	s9 =	sadd.s32 $0x25080, s0;
	s25 =	sadd.s32 $0x165000, s13  }
0x11: {  	s31 =	sadd.s32 $0x18C200, s13;
	s0 =	sshll.u32 @!p1 s17, $0x6;
	[dreg:$0x4] =	wrdreg s25  }
0x12: {  	s24 =	simm.s32 $0x198C0;
	[dreg:$0x6] =	wrdreg s31;
	s15 =	smax.u32 s15, $0x1  }
0x13: {  	s17 =	sor.u32 @!p1 $0x1C03, s0;
	s18 =	sshrl.u32 @!p1 s18, $0x3;
	s25 =	simm.s32 $0x1  }
.LBB2_10:
0x14: {  	s3 =	sadd.s32 $0x1, s3  }
0x15: {  	p2 =	sne.s32 s3, s15  }
.Ltmp1:
0x16: {  	_ = 	snop;
	(pc) =	sbr.rel @!p2 .LBB2_11-.Ltmp1, $1  }
0x17: {  	_ =	sdelay $0x3  }
.LBB2_1:
0x18: {  	s0 =	simm.s32 @p1 $0x1FC3  }
0x19: {  	[spmem:s16], [sflag:s0] =	dma.local @p1 [hbm:s9], $0x2080  }
0x1a: {  	s0 =	simm.s32 @p1 $0x3  }
0x1b: {  	_ =	swait.ge @p1 [sflag:s0], $0x2080  }
0x1c: {  	[sflag:s0] =	ssyncset.done @p1 $0x0  }
0x1d: {  	[sflag:s0] =	ssyncadd.s32 @p1 $0xFFFFDF80;
	s0 =	simm.s32 @!p1 $0x3  }
0x1e: {  	[spmem:s18], [sflag:s17] =	dma.local @!p1 [hbm:s8], $0x2780  }
.Ltmp2:
0x1f: {  	_ =	swait.ge @!p1 [sflag:s0], $0x2780;
	(pc) =	sbr.rel @!p0 .LBB2_2-.Ltmp2, $4  }
0x20: {  	[sflag:s0] =	ssyncset.done @!p1 $0x0  }
0x21: {  	[sflag:s0] =	ssyncadd.s32 @!p1 $0xFFFFD880  }
0x22: {  	[bflag:$0x0] =	sbarrier.arrive $0xFFFF  }
0x23: {  	s31 =	simm.s32 $0x0;
	s0 =	simm.s32 $0x0  }
.LBB2_6:
0x24: {  	s2 =	sshll.u32 s0, $0xC  }
0x25: {  	s2 =	sadd.s32 s10, s2  }
0x26: {  	s2 =	sshrl.u32 s2, $0x3  }
0x27: {  	s12 =	simm.s32 $0x0;
	s11 =	sadd.s32 s6, s2  }
0x28: {  	[tilespmem:s19], [sflag:$0x3] =	stream.linear.gather [hbm4b:s11+s12], $0x1000, $0x38;
	[tilespmem:$0x1D8C0] =	vst v63  }
0x29: {  	_ =	swait.ge [sflag:s20], $0x1000  }
0x2a: {  	[sflag:s20] =	ssyncset.done $0x0  }
0x2b: {  	s2 =	sadd.s32 s7, s2;
	[sflag:s20] =	ssyncadd.s32 $0xFFFFF000  }
0x2c: {  	[tilespmem:s21], [sflag:$0x3] =	stream.linear.gather [hbm4b:s2+s12], $0x1000, $0x38;
	[tilespmem:$0x1D8C0] =	vst v63  }
0x2d: {  	_ =	swait.ge [sflag:s20], $0x1000  }
0x2e: {  	[sflag:s20] =	ssyncset.done $0x0  }
0x2f: {  	[sflag:s20] =	ssyncadd.s32 $0xFFFFF000  }
0x30: {  	[tilespmem:s23], [sflag:$0x1] =	stream.indirect.gather [hbm4b:s5+s22], $0x80, s19, s22, $0xb8;
	[tilespmem:$0x1D8C0] =	vst v63  }
0x31: {  	s13 =	simm.s32 $0x13940  }
0x32: {  	[tilespmem:s24], [sflag:$0x2] =	stream.indirect.gather [hbm4b:s5+s22], $0x80, s13, s22, $0xb8;
	[tilespmem:$0x1D8C0] =	vst v63  }
0x33: {  	_ =	swait.ge [sflag:s25], $0x4000  }
0x34: {  	[sflag:s25] =	ssyncset.done $0x0  }
0x35: {  	s11 =	simm.s32 $0x148C0;
	[sflag:s25] =	ssyncadd.s32 $0xFFFFC000  }
0x36: {  	[spmem:s1] =	stream.indirect.scatter.add.f32 [tilespmem:s23], [sflag:$0x3], $0x80, s11, s22, $0xb8;
	[tilespmem:$0x1D8C0] =	vst v63  }
0x37: {  	_ =	swait.ge [sflag:s20], $0x4000  }
0x38: {  	[sflag:s20] =	ssyncset.done $0x0  }
0x39: {  	s12 =	simm.s32 $0x139C0;
	[sflag:s20] =	ssyncadd.s32 $0xFFFFC000  }
0x3a: {  	[tilespmem:s23], [sflag:$0x1] =	stream.indirect.gather [hbm4b:s5+s22], $0x80, s12, s22, $0xb8;
	[tilespmem:$0x1D8C0] =	vst v63  }
0x3b: {  	_ =	swait.ge [sflag:s26], $0x4000  }
0x3c: {  	[sflag:s26] =	ssyncset.done $0x0  }
0x3d: {  	s13 =	simm.s32 $0x14940;
	[sflag:s26] =	ssyncadd.s32 $0xFFFFC000  }
0x3e: {  	[spmem:s1] =	stream.indirect.scatter.add.f32 [tilespmem:s24], [sflag:$0x3], $0x80, s13, s22, $0xb8;
	[tilespmem:$0x1D8C0] =	vst v63  }
0x3f: {  	_ =	swait.ge [sflag:s20], $0x4000  }
0x40: {  	s31 =	simm.s32 $0x100;
	s2 =	simm.s32 $0x800;
	[sflag:s20] =	ssyncset.done $0x0  }
.LBB2_7:
0x41: {  	s11 =	sadd.s32 $0x13940, s31  }
0x42: {  	[sflag:s20] =	ssyncadd.s32 $0xFFFFC000;
	s12 =	smov.u32 s2;
	s13 =	sadd.s32 $0x400, s2  }
0x43: {  	[tilespmem:s24], [sflag:$0x2] =	stream.indirect.gather [hbm4b:s5+s22], $0x80, s11, s22, $0xb8;
	[tilespmem:$0x1D8C0] =	vst v63  }
0x44: {  	p2 =	sne.s32 s2, $0x3800;
	_ =	swait.ge [sflag:s25], $0x4000  }
0x45: {  	[sflag:s25] =	ssyncset.done $0x0  }
0x46: {  	s2 =	sadd.s32 $0x148C0, s31;
	[sflag:s25] =	ssyncadd.s32 $0xFFFFC000  }
0x47: {  	[spmem:s1] =	stream.indirect.scatter.add.f32 [tilespmem:s23], [sflag:$0x3], $0x80, s2, s22, $0xb8;
	[tilespmem:$0x1D8C0] =	vst v63  }
0x48: {  	_ =	swait.ge [sflag:s20], $0x4000  }
0x49: {  	[sflag:s20] =	ssyncset.done $0x0  }
0x4a: {  	s2 =	sadd.s32 $0x139C0, s31;
	[sflag:s20] =	ssyncadd.s32 $0xFFFFC000  }
0x4b: {  	[tilespmem:s23], [sflag:$0x1] =	stream.indirect.gather [hbm4b:s5+s22], $0x80, s2, s22, $0xb8;
	[tilespmem:$0x1D8C0] =	vst v63  }
0x4c: {  	_ =	swait.ge [sflag:s26], $0x4000  }
.Ltmp3:
0x4d: {  	[sflag:s26] =	ssyncset.done $0x0;
	(pc) =	sbr.rel @p2 .LBB2_7-.Ltmp3, $4  }
0x4e: {  	s2 =	sadd.s32 $0x14940, s31;
	[sflag:s26] =	ssyncadd.s32 $0xFFFFC000  }
0x4f: {  	[spmem:s1] =	stream.indirect.scatter.add.f32 [tilespmem:s24], [sflag:$0x3], $0x80, s2, s22, $0xb8;
	[tilespmem:$0x1D8C0] =	vst v63  }
0x50: {  	_ =	swait.ge [sflag:s20], $0x4000  }
0x51: {  	s31 =	sshra.s32 s12, $0x2;
	s2 =	smov.u32 s13;
	[sflag:s20] =	ssyncset.done $0x0  }
0x52: {  	s2 =	sadd.s32 $0x13940, s31;
	[sflag:s20] =	ssyncadd.s32 $0xFFFFC000  }
0x53: {  	[tilespmem:s24], [sflag:$0x2] =	stream.indirect.gather [hbm4b:s5+s22], $0x80, s2, s22, $0xb8;
	[tilespmem:$0x1D8C0] =	vst v63  }
0x54: {  	_ =	swait.ge [sflag:s25], $0x4000  }
0x55: {  	[sflag:s25] =	ssyncset.done $0x0  }
0x56: {  	s12 =	sadd.s32 $0x148C0, s31;
	[sflag:s25] =	ssyncadd.s32 $0xFFFFC000  }
0x57: {  	[spmem:s1] =	stream.indirect.scatter.add.f32 [tilespmem:s23], [sflag:$0x3], $0x80, s12, s22, $0xb8;
	[tilespmem:$0x1D8C0] =	vst v63  }
0x58: {  	_ =	swait.ge [sflag:s20], $0x4000  }
0x59: {  	[sflag:s20] =	ssyncset.done $0x0  }
0x5a: {  	s13 =	sadd.s32 $0x139C0, s31;
	[sflag:s20] =	ssyncadd.s32 $0xFFFFC000  }
0x5b: {  	[tilespmem:s23], [sflag:$0x1] =	stream.indirect.gather [hbm4b:s5+s22], $0x80, s13, s22, $0xb8;
	[tilespmem:$0x1D8C0] =	vst v63  }
0x5c: {  	_ =	swait.ge [sflag:s26], $0x4000  }
0x5d: {  	[sflag:s26] =	ssyncset.done $0x0  }
0x5e: {  	s31 =	sadd.s32 $0x14940, s31;
	[sflag:s26] =	ssyncadd.s32 $0xFFFFC000  }
0x5f: {  	[spmem:s1] =	stream.indirect.scatter.add.f32 [tilespmem:s24], [sflag:$0x3], $0x80, s31, s22, $0xb8;
	[tilespmem:$0x1D8C0] =	vst v63  }
0x60: {  	_ =	swait.ge [sflag:s20], $0x4000  }
0x61: {  	[sflag:s20] =	ssyncset.done $0x0  }
0x62: {  	[sflag:s20] =	ssyncadd.s32 $0xFFFFC000  }
0x63: {  	[tilespmem:s24], [sflag:$0x2] =	stream.indirect.gather [hbm4b:s5+s22], $0x80, s28, s22, $0xb8;
	[tilespmem:$0x1D8C0] =	vst v63  }
0x64: {  	_ =	swait.ge [sflag:s25], $0x4000  }
0x65: {  	[sflag:s25] =	ssyncset.done $0x0  }
0x66: {  	[sflag:s25] =	ssyncadd.s32 $0xFFFFC000  }
0x67: {  	[spmem:s1] =	stream.indirect.scatter.add.f32 [tilespmem:s23], [sflag:$0x3], $0x80, s29, s22, $0xb8;
	[tilespmem:$0x1D8C0] =	vst v63  }
0x68: {  	_ =	swait.ge [sflag:s20], $0x4000  }
0x69: {  	[sflag:s20] =	ssyncset.done $0x0  }
0x6a: {  	[sflag:s20] =	ssyncadd.s32 $0xFFFFC000  }
0x6b: {  	s0 =	sadd.s32 $0x1, s0;
	_ =	swait.ge [sflag:s26], $0x4000  }
0x6c: {  	p2 =	sne.s32 s0, $0x5;
	[sflag:s26] =	ssyncset.done $0x0  }
.Ltmp4:
0x6d: {  	[sflag:s26] =	ssyncadd.s32 $0xFFFFC000;
	(pc) =	sbr.rel @p2 .LBB2_6-.Ltmp4, $4  }
0x6e: {  	[spmem:s1] =	stream.indirect.scatter.add.f32 [tilespmem:s24], [sflag:$0x3], $0x80, s30, s22, $0xb8;
	[tilespmem:$0x1D8C0] =	vst v63  }
0x6f: {  	_ =	swait.ge [sflag:s20], $0x4000  }
0x70: {  	[sflag:s20] =	ssyncset.done $0x0  }
0x71: {  	[sflag:s20] =	ssyncadd.s32 $0xFFFFC000  }
0x72: {  	[bflag:$0x0] =	sbarrier.arrive $0xFFFF;
	s0 =	simm.s32 @p1 $0x1FC3  }
0x73: {  	[hbm:s14], [sflag:s0] =	dma.local @p1 [spmem:s16], $0x2080  }
0x74: {  	s0 =	simm.s32 @p1 $0x3  }
0x75: {  	_ =	swait.ge @p1 [sflag:s0], $0x2080  }
0x76: {  	[sflag:s0] =	ssyncset.done @p1 $0x0  }
0x77: {  	[sflag:s0] =	ssyncadd.s32 @p1 $0xFFFFDF80;
	s0 =	rddreg [dreg:$0x6]  }
0x78: {  	[hbm:s0], [sflag:s17] =	dma.local @!p1 [spmem:s18], $0x2780  }
.Ltmp5:
0x79: {  	_ = 	snop;
	(pc) =	sbr.rel .LBB2_10-.Ltmp5, $4  }
0x7a: {  	s0 =	simm.s32 @!p1 $0x3  }
0x7b: {  	_ =	swait.ge @!p1 [sflag:s0], $0x2780  }
0x7c: {  	[sflag:s0] =	ssyncset.done @!p1 $0x0  }
0x7d: {  	[sflag:s0] =	ssyncadd.s32 @!p1 $0xFFFFD880  }
.LBB2_2:
0x7e: {  	s0 =	sshll.u32 s31, $0xC  }
0x7f: {  	s0 =	sadd.s32 s10, s0  }
0x80: {  	s0 =	sshrl.u32 s0, $0x3  }
0x81: {  	s11 =	simm.s32 $0x0;
	s2 =	sadd.s32 s6, s0  }
0x82: {  	[tilespmem:s19], [sflag:$0x3] =	stream.linear.gather [hbm4b:s2+s11], $0x1000, $0x38;
	[tilespmem:$0x1D8C0] =	vst v63  }
0x83: {  	_ =	swait.ge [sflag:s20], $0x1000  }
0x84: {  	[sflag:s20] =	ssyncset.done $0x0  }
0x85: {  	s0 =	sadd.s32 s7, s0;
	[sflag:s20] =	ssyncadd.s32 $0xFFFFF000  }
0x86: {  	[tilespmem:s21], [sflag:$0x3] =	stream.linear.gather [hbm4b:s0+s11], $0x1000, $0x38;
	[tilespmem:$0x1D8C0] =	vst v63  }
0x87: {  	_ =	swait.ge [sflag:s20], $0x1000  }
0x88: {  	[sflag:s20] =	ssyncset.done $0x0  }
0x89: {  	[sflag:s20] =	ssyncadd.s32 $0xFFFFF000  }
0x8a: {  	[tilespmem:s23], [sflag:$0x1] =	stream.indirect.gather [hbm4b:s4+s22], $0x80, s19, s22, $0xb8;
	[tilespmem:$0x1D8C0] =	vst v63  }
0x8b: {  	s2 =	simm.s32 $0x13940  }
0x8c: {  	[tilespmem:s24], [sflag:$0x2] =	stream.indirect.gather [hbm4b:s4+s22], $0x80, s2, s22, $0xb8;
	[tilespmem:$0x1D8C0] =	vst v63  }
0x8d: {  	_ =	swait.ge [sflag:s25], $0x4000  }
0x8e: {  	[sflag:s25] =	ssyncset.done $0x0  }
0x8f: {  	s11 =	simm.s32 $0x148C0;
	[sflag:s25] =	ssyncadd.s32 $0xFFFFC000  }
0x90: {  	[spmem:s1] =	stream.indirect.scatter.add.f32 [tilespmem:s23], [sflag:$0x3], $0x80, s11, s22, $0xb8;
	[tilespmem:$0x1D8C0] =	vst v63  }
0x91: {  	_ =	swait.ge [sflag:s20], $0x4000  }
0x92: {  	[sflag:s20] =	ssyncset.done $0x0  }
0x93: {  	s12 =	simm.s32 $0x139C0;
	[sflag:s20] =	ssyncadd.s32 $0xFFFFC000  }
0x94: {  	[tilespmem:s23], [sflag:$0x1] =	stream.indirect.gather [hbm4b:s4+s22], $0x80, s12, s22, $0xb8;
	[tilespmem:$0x1D8C0] =	vst v63  }
0x95: {  	_ =	swait.ge [sflag:s26], $0x4000  }
0x96: {  	[sflag:s26] =	ssyncset.done $0x0  }
0x97: {  	s13 =	simm.s32 $0x14940;
	[sflag:s26] =	ssyncadd.s32 $0xFFFFC000  }
0x98: {  	[spmem:s1] =	stream.indirect.scatter.add.f32 [tilespmem:s24], [sflag:$0x3], $0x80, s13, s22, $0xb8;
	[tilespmem:$0x1D8C0] =	vst v63  }
0x99: {  	_ =	swait.ge [sflag:s20], $0x4000  }
0x9a: {  	s0 =	simm.s32 $0x100;
	s2 =	simm.s32 $0x800;
	[sflag:s20] =	ssyncset.done $0x0  }
.LBB2_3:
0x9b: {  	s11 =	sadd.s32 $0x13940, s0  }
0x9c: {  	[sflag:s20] =	ssyncadd.s32 $0xFFFFC000;
	s12 =	smov.u32 s2;
	s13 =	sadd.s32 $0x400, s2  }
0x9d: {  	[tilespmem:s24], [sflag:$0x2] =	stream.indirect.gather [hbm4b:s4+s22], $0x80, s11, s22, $0xb8;
	[tilespmem:$0x1D8C0] =	vst v63  }
0x9e: {  	p2 =	sne.s32 s2, $0x3800;
	_ =	swait.ge [sflag:s25], $0x4000  }
0x9f: {  	[sflag:s25] =	ssyncset.done $0x0  }
0xa0: {  	s2 =	sadd.s32 $0x148C0, s0;
	[sflag:s25] =	ssyncadd.s32 $0xFFFFC000  }
0xa1: {  	[spmem:s1] =	stream.indirect.scatter.add.f32 [tilespmem:s23], [sflag:$0x3], $0x80, s2, s22, $0xb8;
	[tilespmem:$0x1D8C0] =	vst v63  }
0xa2: {  	_ =	swait.ge [sflag:s20], $0x4000  }
0xa3: {  	[sflag:s20] =	ssyncset.done $0x0  }
0xa4: {  	s2 =	sadd.s32 $0x139C0, s0;
	[sflag:s20] =	ssyncadd.s32 $0xFFFFC000  }
0xa5: {  	[tilespmem:s23], [sflag:$0x1] =	stream.indirect.gather [hbm4b:s4+s22], $0x80, s2, s22, $0xb8;
	[tilespmem:$0x1D8C0] =	vst v63  }
0xa6: {  	_ =	swait.ge [sflag:s26], $0x4000  }
.Ltmp6:
0xa7: {  	[sflag:s26] =	ssyncset.done $0x0;
	(pc) =	sbr.rel @p2 .LBB2_3-.Ltmp6, $4  }
0xa8: {  	s0 =	sadd.s32 $0x14940, s0;
	[sflag:s26] =	ssyncadd.s32 $0xFFFFC000  }
0xa9: {  	[spmem:s1] =	stream.indirect.scatter.add.f32 [tilespmem:s24], [sflag:$0x3], $0x80, s0, s22, $0xb8;
	[tilespmem:$0x1D8C0] =	vst v63  }
0xaa: {  	_ =	swait.ge [sflag:s20], $0x4000  }
0xab: {  	s2 =	smov.u32 s13;
	s0 =	sshra.s32 s12, $0x2;
	[sflag:s20] =	ssyncset.done $0x0  }
0xac: {  	s2 =	sadd.s32 $0x13940, s0;
	[sflag:s20] =	ssyncadd.s32 $0xFFFFC000  }
0xad: {  	[tilespmem:s24], [sflag:$0x2] =	stream.indirect.gather [hbm4b:s4+s22], $0x80, s2, s22, $0xb8;
	[tilespmem:$0x1D8C0] =	vst v63  }
0xae: {  	_ =	swait.ge [sflag:s25], $0x4000  }
0xaf: {  	[sflag:s25] =	ssyncset.done $0x0  }
0xb0: {  	s11 =	sadd.s32 $0x148C0, s0;
	[sflag:s25] =	ssyncadd.s32 $0xFFFFC000  }
0xb1: {  	[spmem:s1] =	stream.indirect.scatter.add.f32 [tilespmem:s23], [sflag:$0x3], $0x80, s11, s22, $0xb8;
	[tilespmem:$0x1D8C0] =	vst v63  }
0xb2: {  	_ =	swait.ge [sflag:s20], $0x4000  }
0xb3: {  	[sflag:s20] =	ssyncset.done $0x0  }
0xb4: {  	s12 =	sadd.s32 $0x139C0, s0;
	[sflag:s20] =	ssyncadd.s32 $0xFFFFC000  }
0xb5: {  	[tilespmem:s23], [sflag:$0x1] =	stream.indirect.gather [hbm4b:s4+s22], $0x80, s12, s22, $0xb8;
	[tilespmem:$0x1D8C0] =	vst v63  }
0xb6: {  	_ =	swait.ge [sflag:s26], $0x4000  }
0xb7: {  	[sflag:s26] =	ssyncset.done $0x0  }
0xb8: {  	s13 =	sadd.s32 $0x14940, s0;
	[sflag:s26] =	ssyncadd.s32 $0xFFFFC000  }
0xb9: {  	[spmem:s1] =	stream.indirect.scatter.add.f32 [tilespmem:s24], [sflag:$0x3], $0x80, s13, s22, $0xb8;
	[tilespmem:$0x1D8C0] =	vst v63  }
0xba: {  	_ =	swait.ge [sflag:s20], $0x4000  }
0xbb: {  	[sflag:s20] =	ssyncset.done $0x0  }
0xbc: {  	[sflag:s20] =	ssyncadd.s32 $0xFFFFC000  }
0xbd: {  	[tilespmem:s24], [sflag:$0x2] =	stream.indirect.gather [hbm4b:s4+s22], $0x80, s28, s22, $0xb8;
	[tilespmem:$0x1D8C0] =	vst v63  }
0xbe: {  	_ =	swait.ge [sflag:s25], $0x4000  }
0xbf: {  	[sflag:s25] =	ssyncset.done $0x0  }
0xc0: {  	[sflag:s25] =	ssyncadd.s32 $0xFFFFC000  }
0xc1: {  	[spmem:s1] =	stream.indirect.scatter.add.f32 [tilespmem:s23], [sflag:$0x3], $0x80, s29, s22, $0xb8;
	[tilespmem:$0x1D8C0] =	vst v63  }
0xc2: {  	_ =	swait.ge [sflag:s20], $0x4000  }
0xc3: {  	[sflag:s20] =	ssyncset.done $0x0  }
0xc4: {  	[sflag:s20] =	ssyncadd.s32 $0xFFFFC000  }
0xc5: {  	s31 =	sadd.s32 $0x1, s31;
	_ =	swait.ge [sflag:s26], $0x4000  }
0xc6: {  	p2 =	sne.s32 s31, $0x5;
	[sflag:s26] =	ssyncset.done $0x0  }
.Ltmp7:
0xc7: {  	[sflag:s26] =	ssyncadd.s32 $0xFFFFC000;
	(pc) =	sbr.rel @p2 .LBB2_2-.Ltmp7, $4  }
0xc8: {  	[spmem:s1] =	stream.indirect.scatter.add.f32 [tilespmem:s24], [sflag:$0x3], $0x80, s30, s22, $0xb8;
	[tilespmem:$0x1D8C0] =	vst v63  }
0xc9: {  	_ =	swait.ge [sflag:s20], $0x4000  }
0xca: {  	[sflag:s20] =	ssyncset.done $0x0  }
0xcb: {  	[sflag:s20] =	ssyncadd.s32 $0xFFFFC000  }
0xcc: {  	[bflag:$0x0] =	sbarrier.arrive $0xFFFF  }
0xcd: {  	s0 =	simm.s32 @p1 $0x1FC3;
	s2 =	rddreg [dreg:$0x5]  }
0xce: {  	[hbm:s2], [sflag:s0] =	dma.local @p1 [spmem:s16], $0x2080  }
0xcf: {  	s0 =	simm.s32 @p1 $0x3  }
0xd0: {  	_ =	swait.ge @p1 [sflag:s0], $0x2080  }
0xd1: {  	[sflag:s0] =	ssyncset.done @p1 $0x0  }
0xd2: {  	[sflag:s0] =	ssyncadd.s32 @p1 $0xFFFFDF80;
	s0 =	rddreg [dreg:$0x4]  }
0xd3: {  	[hbm:s0], [sflag:s17] =	dma.local @!p1 [spmem:s18], $0x2780  }
.Ltmp8:
0xd4: {  	_ = 	snop;
	(pc) =	sbr.rel .LBB2_10-.Ltmp8, $4  }
0xd5: {  	s0 =	simm.s32 @!p1 $0x3  }
0xd6: {  	_ =	swait.ge @!p1 [sflag:s0], $0x2780  }
0xd7: {  	[sflag:s0] =	ssyncset.done @!p1 $0x0  }
0xd8: {  	[sflag:s0] =	ssyncadd.s32 @!p1 $0xFFFFD880  }
.LBB2_11:
0xd9: {  	_ =	sfence.sel $0x180000  }
0xda: {  	[bflag:$0x0] =	sbarrier.arrive $0xFFFF  }
0xdb: {  	_ =	strace $0x9000004D  }
0xdc: {  	s0 =	stileid.u32;
	[bflag:$0x2] =	sbarrier.arrive $0xFFFF  }
0xdd: {  	p0 =	sne.s32 s0, $0x0;
	s0 =	rddreg [dreg:$0x3]  }
0xde: {  	s0 =	sadd.s32 @!p0 $0x100000, s0  }
0xdf: {  	[sflag:s0] =	ssyncadd.tile.s32 @!p0 $0x1;
	_ =	shalt  }
.Lfunc_end2:
_tile_overlayer_lowered:
.L_overlay_start_2:
0xe0: {  	(tag) =	ssettag $0x2  }
0xe1: {  	s0 =	rddreg [dreg:$0x0];
	s2 =	stileid.u32  }
0xe2: {  	s1 =	rddreg [dreg:$0x1];
	p0 =	sne.s32 s2, $0x0  }
0xe3: {  	s3 =	rddreg [dreg:$0x2];
	[bflag:$0x3] =	sbarrier.arrive $0xFFFF;
	s2 =	simm.s32 @!p0 $0x1C03  }
0xe4: {  	[timem:s3], [sflag:s2] =	dma.local @!p0 [hbm:s0], s1  }
0xe5: {  	s0 =	simm.s32 @!p0 $0x3  }
0xe6: {  	_ =	swait.ge @!p0 [sflag:s0], s1  }
0xe7: {  	s1 =	ssub.s32 @!p0 $0x0, s1;
	[sflag:s0] =	ssyncset.done @!p0 $0x0  }
0xe8: {  	[sflag:s0] =	ssyncadd.s32 @!p0 s1  }
0xe9: {  	[bflag:$0x3] =	sbarrier.arrive $0xFFFF  }
0xea: {  	_ =	shalt  }

// kernel: kernel.13.cloned.1.call-start
scs
__scs_entry_jumppad:
0x0: {  	(pc) =	sbr.rel $0x88, $3  }
0x1: {  	(tag) =	ssettag $0x0;
	lr =	simm.s32 $0x1  }
0x2: {  	[smem:$0x3F96] =	sst lr;
	_ =	strace $0xD0000000  }
0x3: {  	_ = 	snop  }
0x4: {  	_ = 	snop  }
0x5: {  	_ = 	snop  }
0x6: {  	_ = 	snop  }
0x7: {  	_ = 	snop  }
__scs_overlays_trampoline_lowered:
0x8: {  	[smem:$0x3FA5] =	sst s0  }
0x9: {  	[smem:$0x3FA6] =	sst s1  }
0xa: {  	[smem:$0x3FA7] =	sst s2  }
0xb: {  	[smem:$0x3FA8] =	sst s3  }
0xc: {  	[smem:$0x3FA9] =	sst s4  }
0xd: {  	[smem:$0x3FAA] =	sst s5  }
0xe: {  	[smem:$0x3FAB] =	sst s6  }
0xf: {  	[smem:$0x3FAC] =	sst s7  }
0x10: {  	[smem:$0x3FAD] =	sst s8  }
0x11: {  	[smem:$0x3FAE] =	sst s9;
	s0 =	simm.s32 @!p0 $0x0  }
0x12: {  	s1 =	sld [smem:$0x3F94];
	s0 =	simm.s32 @p0 $0x1  }
0x13: {  	[smem:$0x3FAF] =	sst s0;
	s0 =	simm.s32 @!p1 $0x0  }
0x14: {  	s2 =	sld [smem:$0x3F93];
	s0 =	simm.s32 @p1 $0x1  }
0x15: {  	[smem:$0x3FB0] =	sst s0;
	s0 =	simm.s32 @!p2 $0x0  }
0x16: {  	s3 =	sld [smem:$0x3FDB];
	s0 =	simm.s32 @p2 $0x1  }
0x17: {  	s4 =	simm.s32 $0x1BF5;
	[smem:$0x3FB2] =	sst s0  }
0x18: {  	s0 =	sld [smem:$0x3F95];
	_ =	swait.ge [sflag:s4], $0x0  }
0x19: {  	s7 =	sld [smem:$0x3F96]  }
0x1a: {  	s8 =	sadd.s32 $0xFFFFE003, lr  }
0x1b: {  	s9 =	sadd.s32 $0xFFFFFEF7, lr;
	s5 =	simm.s32 $0xFFFFFFFF;
	p2 =	slt.u32 s8, $0xFFFFF086  }
0x1c: {  	p1 =	slt.u32 s9, $0xF7A;
	s5 =	simm.s32 @!p2 $0x0  }
0x1d: {  	s5 =	simm.s32 @p1 $0x1;
	p0 =	seq.s32 s7, s2  }
0x1e: {  	s7 =	smul.u32 @!p0 $0xF7A, s2;
	p2 =	seq.s32 @!p0 s5, $0x0  }
0x1f: {  	s9 =	smul.u32 $0xF7A, s1;
	s8 =	simm.s32 @!p0 $0x1BF5;
	p2 =	por !p2, p0  }
0x20: {  	[sflag:s8] =	ssyncset.s32 @!p0 $0xFFFFF086;
	s6 =	sadd.s32 @!p0 s3, s7;
	s7 =	simm.s32 @!p0 $0x108  }
0x21: {  	s3 =	sadd.s32 s3, s9;
	s6 =	sadd.s32 @!p0 $0x88, s6;
	s7 =	simm.s32 @p2 $0x1082  }
0x22: {  	[simem:s7], [sflag:s8] =	dma.local @!p0 [hbm:s6], $0xF7A  }
0x23: {  	s9 =	sor.u32 $0xD0000000, s2;
	s6 =	simm.s32 $0x108;
	_ =	swait.ge @!p0 [sflag:s8], $0x0  }
0x24: {  	s3 =	sadd.s32 $0x88, s3;
	s6 =	simm.s32 @!p1 $0x1082;
	[sflag:s4] =	ssyncset.s32 $0xFFFFF086  }
0x25: {  	[simem:s6], [sflag:s4] =	dma.local [hbm:s3], $0xF7A  }
0x26: {  	[smem:$0x3F96] =	sst s1;
	(tag) =	ssettag s2;
	_ =	strace s9  }
0x27: {  	s1 =	sld [smem:$0x3FA6]  }
0x28: {  	s2 =	sld [smem:$0x3FA7]  }
0x29: {  	s4 =	sld [smem:$0x3FA9]  }
0x2a: {  	p0 =	seq.s32 s5, $0x0;
	s5 =	sld [smem:$0x3FAA]  }
0x2b: {  	s6 =	sld [smem:$0x3FAB]  }
0x2c: {  	s7 =	sld [smem:$0x3FAC]  }
0x2d: {  	s3 =	simm.s32 $0x108;
	s8 =	sld [smem:$0x3FAD]  }
0x2e: {  	s3 =	simm.s32 @!p0 $0x1082;
	s9 =	sld [smem:$0x3FAE]  }
0x2f: {  	lr =	sadd.s32 s0, s3;
	s0 =	sld [smem:$0x3FA5]  }
0x30: {  	s3 =	sld [smem:$0x3FA8]  }
0x31: {  	[smem:$0x3FB1] =	sst s10  }
0x32: {  	s10 =	sld [smem:$0x3FAF];
	_ =	sdelay $0x3  }
0x33: {  	p0 =	seq.s32 s10, $0x1;
	s10 =	sld [smem:$0x3FB1];
	_ =	sdelay $0x3  }
0x34: {  	[smem:$0x3FB1] =	sst s10  }
0x35: {  	s10 =	sld [smem:$0x3FB0];
	_ =	sdelay $0x3  }
0x36: {  	p1 =	seq.s32 s10, $0x1;
	s10 =	sld [smem:$0x3FB1];
	_ =	sdelay $0x3  }
0x37: {  	[smem:$0x3FB1] =	sst s10  }
0x38: {  	s10 =	sld [smem:$0x3FB2]  }
0x39: {  	_ = 	snop;
	(pc) =	sbr.ind lr, $3  }
0x3a: {  	_ = 	snop  }
0x3b: {  	_ = 	snop  }
0x3c: {  	p2 =	seq.s32 s10, $0x1;
	s10 =	sld [smem:$0x3FB1]  }
0x3d: {  	_ =	shalt  }
0x3e: {  	_ =	shalt  }
0x3f: {  	_ =	shalt  }
0x40: {  	_ =	shalt  }
0x41: {  	_ =	shalt  }
0x42: {  	_ =	shalt  }
0x43: {  	_ =	shalt  }
0x44: {  	_ =	shalt  }
0x45: {  	_ =	shalt  }
0x46: {  	_ =	shalt  }
0x47: {  	_ =	shalt  }
0x48: {  	_ =	shalt  }
0x49: {  	_ =	shalt  }
0x4a: {  	_ =	shalt  }
0x4b: {  	_ =	shalt  }
0x4c: {  	_ =	shalt  }
0x4d: {  	_ =	shalt  }
0x4e: {  	_ =	shalt  }
0x4f: {  	_ =	shalt  }
0x50: {  	_ =	shalt  }
0x51: {  	_ =	shalt  }
0x52: {  	_ =	shalt  }
0x53: {  	_ =	shalt  }
0x54: {  	_ =	shalt  }
0x55: {  	_ =	shalt  }
0x56: {  	_ =	shalt  }
0x57: {  	_ =	shalt  }
0x58: {  	_ =	shalt  }
0x59: {  	_ =	shalt  }
0x5a: {  	_ =	shalt  }
0x5b: {  	_ =	shalt  }
0x5c: {  	_ =	shalt  }
0x5d: {  	_ =	shalt  }
0x5e: {  	_ =	shalt  }
0x5f: {  	_ =	shalt  }
0x60: {  	_ =	shalt  }
0x61: {  	_ =	shalt  }
0x62: {  	_ =	shalt  }
0x63: {  	_ =	shalt  }
0x64: {  	_ =	shalt  }
0x65: {  	_ =	shalt  }
0x66: {  	_ =	shalt  }
0x67: {  	_ =	shalt  }
0x68: {  	_ =	shalt  }
0x69: {  	_ =	shalt  }
0x6a: {  	_ =	shalt  }
0x6b: {  	_ =	shalt  }
0x6c: {  	_ =	shalt  }
0x6d: {  	_ =	shalt  }
0x6e: {  	_ =	shalt  }
0x6f: {  	_ =	shalt  }
0x70: {  	_ =	shalt  }
0x71: {  	_ =	shalt  }
0x72: {  	_ =	shalt  }
0x73: {  	_ =	shalt  }
0x74: {  	_ =	shalt  }
0x75: {  	_ =	shalt  }
0x76: {  	_ =	shalt  }
0x77: {  	_ =	shalt  }
0x78: {  	_ =	shalt  }
0x79: {  	_ =	shalt  }
0x7a: {  	_ =	shalt  }
0x7b: {  	_ =	shalt  }
0x7c: {  	_ =	shalt  }
0x7d: {  	_ =	shalt  }
0x7e: {  	_ =	shalt  }
0x7f: {  	_ =	shalt  }
0x80: {  	_ =	shalt  }
0x81: {  	_ =	shalt  }
0x82: {  	_ =	shalt  }
0x83: {  	_ =	shalt  }
0x84: {  	_ =	shalt  }
0x85: {  	_ =	shalt  }
0x86: {  	_ =	shalt  }
0x87: {  	_ =	shalt  }
.Lfunc_end0:
.L_simem_size_0:
called_computation.2_lowered:
.L_overlay_start_0:
0x88: {  	s2 =	sld [smem:$0x3FD9]  }
0x89: {  	s3 =	sld [smem:$0x3FFE];
	_ =	sdelay $0x1  }
0x8a: {  	s1 =	srdreg.scid  }
0x8b: {  	s0 =	sand.u32 $0x1, s1  }
0x8c: {  	s14 =	sshll.u32 s0, $0xA;
	s2 =	sadd.s32 s3, s2  }
0x8d: {  	s2 =	sadd.s32 s2, s14  }
0x8e: {  	[smem:$0x3FBD] =	sst s2  }
0x8f: {  	_ = 	snop  }
0x90: {  	s2 =	sld [smem:$0x3FD0];
	_ =	sdelay $0x2  }
0x91: {  	s15 =	simm.s32 $0xB;
	s4 =	simm.s32 $0x10  }
0x92: {  	[smem:s4], [sflag:s15] =	dma.local [hbm:s2], $0x1  }
0x93: {  	_ =	swait.eq [sflag:s15], $0x1  }
0x94: {  	[sflag:s15] =	ssyncset.done $0x0  }
0x95: {  	[sflag:s15] =	ssyncadd.s32 $0xFFFFFFFF  }
0x96: {  	s16 =	sld [smem:$0x11];
	(tm) =	ssettm $0x1  }
0x97: {  	s17 =	sld [smem:$0x3FFB];
	_ =	sdelay $0x3  }
0x98: {  	_ =	strace s17  }
0x99: {  	s3 =	sld [smem:$0x3FFC];
	_ =	sdelay $0x3  }
0x9a: {  	_ =	strace s3  }
0x9b: {  	s3 =	sld [smem:$0x3FFD];
	_ =	sdelay $0x3  }
0x9c: {  	_ =	strace s3  }
0x9d: {  	_ =	strace $0x8FFFFFFF  }
0x9e: {  	s18 =	sld [smem:$0x3FDB];
	_ =	sdelay $0x1  }
0x9f: {  	s19 =	simm.s32 $_scs_section_size  }
0xa0: {  	s5 =	simm.s32 $_size__tile_overlayer_lowered;
	s6 =	simm.s32 $_tile_overlayer_lowered  }
0xa1: {  	s22 =	simm.s32 $0x1BFF;
	s21 =	sshll.u32 s6, $0x1;
	s3 =	sadd.s32 s19, s18  }
0xa2: {  	s7 =	simm.s32 $0x0;
	s20 =	sshll.u32 s5, $0x1;
	s5 =	sadd.s32 s21, s3  }
0xa3: {  	[timem:s7], [sflag:s22] =	dma.local [hbm:s5], s20  }
0xa4: {  	_ =	swait.ge [sflag:s22], s20  }
0xa5: {  	s4 =	ssub.s32 $0x0, s20;
	[sflag:s22] =	ssyncset.done $0x0  }
0xa6: {  	[sflag:s22] =	ssyncadd.s32 s4;
	_ =	sdelay $0x1  }
0xa7: {  	s23 =	simm.s32 $0x1B8B  }
0xa8: {  	_ =	swait.ge [sflag:s23], $0x1  }
0xa9: {  	[sflag:s23] =	ssyncset.done $0x0  }
0xaa: {  	s25 =	simm.s32 $0x1B8E;
	s24 =	sld [smem:$0x3FFE];
	[sflag:s23] =	ssyncadd.s32 $0xFFFFFFFF  }
0xab: {  	s26 =	simm.s32 $execute0_lowered;
	[smem:$0x3FD2] =	sst s25  }
0xac: {  	s5 =	sshll.u32 s26, $0x1;
	_ =	strace $0x80000049;
	[dreg:$0x1] =	wrdreg $0xFFFFFFFF  }
0xad: {  	s28 =	simm.s32 $_size_execute0_lowered;
	s3 =	sadd.s32 s3, s5;
	[dreg:$0x0] =	wrdreg $0x0  }
0xae: {  	s5 =	sshll.u32 s28, $0x1;
	[dreg:$0x2] =	wrdreg s3  }
0xaf: {  	[dreg:$0x3] =	wrdreg s5  }
0xb0: {  	[dreg:$0x4] =	wrdreg $0xC0  }
0xb1: {  	_ =	task [dreg:s7], $0x5FFFF  }
0xb2: {  	[dreg:$0x1] =	wrdreg $0xFFFFFFFF  }
0xb3: {  	[dreg:$0x0] =	wrdreg $0x60  }
0xb4: {  	[dreg:$0x2] =	wrdreg s16  }
0xb5: {  	[dreg:$0x3] =	wrdreg s24  }
0xb6: {  	[dreg:$0x4] =	wrdreg $0x0  }
0xb7: {  	[dreg:$0x5] =	wrdreg $0xA  }
0xb8: {  	_ =	task.clear_ibuf [dreg:s7], $0x6FFFF;
	_ =	strace $0x90000049  }
0xb9: {  	s29 =	simm.s32 $0xA;
	_ =	strace $0x8000004B  }
0xba: {  	_ =	swait.ge [sflag:s29], $0x1  }
0xbb: {  	[sflag:s29] =	ssyncadd.s32 $0xFFFFFFFF  }
0xbc: {  	_ =	strace $0x9000004B  }
0xbd: {  	_ =	sfence  }
0xbe: {  	s30 =	sld [smem:$0x0];
	_ =	sdelay $0x2  }
0xbf: {  	s31 =	sshll.u32 s1, $0xD;
	s1 =	sshrl.u32 s1, $0x2  }
0xc0: {  	s3 =	sand.u32 $0x4000, s31;
	s1 =	sadd.s32 s1, s30  }
0xc1: {  	s0 =	sor.u32 s3, s0;
	s1 =	sshll.u32 s1, $0x11  }
0xc2: {  	s0 =	sor.u32 s1, s0  }
0xc3: {  	s0 =	sadd.s32 $0x8F2B, s0  }
0xc4: {  	[sflag:s0] =	ssyncadd.remote.s32 $0x1  }
0xc5: {  	_ =	sfence.sel $0xFFFF  }
0xc6: {  	[dreg:$0x0] =	wrdreg $0xFFFFFFFF;
	(pc) =	sbr.abs _section_cstart, $3  }
0xc7: {  	[dreg:$0x1] =	wrdreg $0xFFFFFFFF  }
0xc8: {  	_ =	task.clear_ibuf [dreg:s7], $0x2FFFF;
	_ =	strace $0x9FFFFFFF  }
0xc9: {  	(tm) =	ssettm $0x7FFFFFFF  }
tec
execute0_lowered:
.L_overlay_start_1:
0x0: {  	(tag) =	ssettag $0x1  }
0x1: {  	s0 =	rddreg [dreg:$0x0]  }
0x2: {  	s2 =	rddreg [dreg:$0x1]  }
0x3: {  	s1 =	rddreg [dreg:$0x2]  }
0x4: {  	s3 =	simm.s32 $0x0;
	s17 =	stileid.u32;
	s5 =	srdreg.scid  }
0x5: {  	s19 =	simm.s32 $0x138C0;
	s20 =	simm.s32 $0x3;
	s21 =	simm.s32 $0x148C0  }
0x6: {  	s23 =	simm.s32 $0x158C0;
	s28 =	simm.s32 $0x14840;
	s29 =	simm.s32 $0x157C0  }
0x7: {  	s30 =	simm.s32 $0x15840;
	[smem:$0x7FF] =	sst s3;
	s4 =	sadd.s32 $0xA1600, s2  }
0x8: {  	s8 =	smul.u32 $0x2780, s17;
	s10 =	sand.u32 $0x1, s5;
	s5 =	sadd.s32 $0xC8800, s2  }
0x9: {  	s11 =	smul.u32 $0x4F000, s17;
	s6 =	sadd.s32 $0x3600, s2;
	s16 =	sadd.s32 $0x128400, s1  }
0xa: {  	s7 =	sadd.s32 $0xD600, s2;
	s26 =	sadd.s32 $0x13BC80, s2;
	p1 =	seq.s32 s17, $0xF  }
0xb: {  	s22 =	simm.s32 $0x80;
	s14 =	sadd.s32 $0x162E80, s2;
	_ =	strace $0x8000004A  }
0xc: {  	s9 =	ssub.s32 $0x2, s10;
	p0 =	seq.s32 s10, $0x1;
	[dreg:$0x5] =	wrdreg s26  }
0xd: {  	s16 =	sshrl.u32 @p1 s16, $0x3;
	s26 =	simm.s32 $0x2;
	s12 =	sshrl.u32 s9, $0x1  }
0xe: {  	s13 =	sadd.s32 s8, s2;
	s24 =	sshrl.u32 s11, $0x2;
	s11 =	smul.u32 $0x5000, s17  }
.Ltmp0:
0xf: {  	s8 =	sadd.s32 s0, s8;
	s15 =	ssub.s32 s9, s12;
	(pc) =	sbr.rel .LBB2_1-.Ltmp0, $4  }
0x10: {  	s18 =	sadd.s32 s24, s1;
	s9 =	sadd.s32 $0x25080, s0;
	s25 =	sadd.s32 $0x116C00, s13  }
0x11: {  	s31 =	sadd.s32 $0x13DE00, s13;
	s0 =	sshll.u32 @!p1 s17, $0x6;
	[dreg:$0x4] =	wrdreg s25  }
0x12: {  	s24 =	simm.s32 $0x198C0;
	[dreg:$0x6] =	wrdreg s31;
	s15 =	smax.u32 s15, $0x1  }
0x13: {  	s17 =	sor.u32 @!p1 $0x1C03, s0;
	s18 =	sshrl.u32 @!p1 s18, $0x3;
	s25 =	simm.s32 $0x1  }
.LBB2_10:
0x14: {  	s3 =	sadd.s32 $0x1, s3  }
0x15: {  	p2 =	sne.s32 s3, s15  }
.Ltmp1:
0x16: {  	_ = 	snop;
	(pc) =	sbr.rel @!p2 .LBB2_11-.Ltmp1, $1  }
0x17: {  	_ =	sdelay $0x3  }
.LBB2_1:
0x18: {  	s0 =	simm.s32 @p1 $0x1FC3  }
0x19: {  	[spmem:s16], [sflag:s0] =	dma.local @p1 [hbm:s9], $0x2080  }
0x1a: {  	s0 =	simm.s32 @p1 $0x3  }
0x1b: {  	_ =	swait.ge @p1 [sflag:s0], $0x2080  }
0x1c: {  	[sflag:s0] =	ssyncset.done @p1 $0x0  }
0x1d: {  	[sflag:s0] =	ssyncadd.s32 @p1 $0xFFFFDF80;
	s0 =	simm.s32 @!p1 $0x3  }
0x1e: {  	[spmem:s18], [sflag:s17] =	dma.local @!p1 [hbm:s8], $0x2780  }
.Ltmp2:
0x1f: {  	_ =	swait.ge @!p1 [sflag:s0], $0x2780;
	(pc) =	sbr.rel @!p0 .LBB2_2-.Ltmp2, $4  }
0x20: {  	[sflag:s0] =	ssyncset.done @!p1 $0x0  }
0x21: {  	[sflag:s0] =	ssyncadd.s32 @!p1 $0xFFFFD880  }
0x22: {  	[bflag:$0x0] =	sbarrier.arrive $0xFFFF  }
0x23: {  	s31 =	simm.s32 $0x0;
	s0 =	simm.s32 $0x0  }
.LBB2_6:
0x24: {  	s2 =	sshll.u32 s0, $0xC  }
0x25: {  	s2 =	sadd.s32 s11, s2  }
0x26: {  	s2 =	sshrl.u32 s2, $0x3  }
0x27: {  	s12 =	simm.s32 $0x0;
	s10 =	sadd.s32 s6, s2  }
0x28: {  	[tilespmem:s19], [sflag:$0x3] =	stream.linear.gather [hbm4b:s10+s12], $0x1000, $0x38;
	[tilespmem:$0x1D8C0] =	vst v63  }
0x29: {  	_ =	swait.ge [sflag:s20], $0x1000  }
0x2a: {  	[sflag:s20] =	ssyncset.done $0x0  }
0x2b: {  	s2 =	sadd.s32 s7, s2;
	[sflag:s20] =	ssyncadd.s32 $0xFFFFF000  }
0x2c: {  	[tilespmem:s21], [sflag:$0x3] =	stream.linear.gather [hbm4b:s2+s12], $0x1000, $0x38;
	[tilespmem:$0x1D8C0] =	vst v63  }
0x2d: {  	_ =	swait.ge [sflag:s20], $0x1000  }
0x2e: {  	[sflag:s20] =	ssyncset.done $0x0  }
0x2f: {  	[sflag:s20] =	ssyncadd.s32 $0xFFFFF000  }
0x30: {  	[tilespmem:s23], [sflag:$0x1] =	stream.indirect.gather [hbm4b:s5+s22], $0x80, s19, s22, $0xb8;
	[tilespmem:$0x1D8C0] =	vst v63  }
0x31: {  	s13 =	simm.s32 $0x13940  }
0x32: {  	[tilespmem:s24], [sflag:$0x2] =	stream.indirect.gather [hbm4b:s5+s22], $0x80, s13, s22, $0xb8;
	[tilespmem:$0x1D8C0] =	vst v63  }
0x33: {  	_ =	swait.ge [sflag:s25], $0x4000  }
0x34: {  	[sflag:s25] =	ssyncset.done $0x0  }
0x35: {  	s10 =	simm.s32 $0x148C0;
	[sflag:s25] =	ssyncadd.s32 $0xFFFFC000  }
0x36: {  	[spmem:s1] =	stream.indirect.scatter.add.f32 [tilespmem:s23], [sflag:$0x3], $0x80, s10, s22, $0xb8;
	[tilespmem:$0x1D8C0] =	vst v63  }
0x37: {  	_ =	swait.ge [sflag:s20], $0x4000  }
0x38: {  	[sflag:s20] =	ssyncset.done $0x0  }
0x39: {  	s12 =	simm.s32 $0x139C0;
	[sflag:s20] =	ssyncadd.s32 $0xFFFFC000  }
0x3a: {  	[tilespmem:s23], [sflag:$0x1] =	stream.indirect.gather [hbm4b:s5+s22], $0x80, s12, s22, $0xb8;
	[tilespmem:$0x1D8C0] =	vst v63  }
0x3b: {  	_ =	swait.ge [sflag:s26], $0x4000  }
0x3c: {  	[sflag:s26] =	ssyncset.done $0x0  }
0x3d: {  	s13 =	simm.s32 $0x14940;
	[sflag:s26] =	ssyncadd.s32 $0xFFFFC000  }
0x3e: {  	[spmem:s1] =	stream.indirect.scatter.add.f32 [tilespmem:s24], [sflag:$0x3], $0x80, s13, s22, $0xb8;
	[tilespmem:$0x1D8C0] =	vst v63  }
0x3f: {  	_ =	swait.ge [sflag:s20], $0x4000  }
0x40: {  	s31 =	simm.s32 $0x100;
	s2 =	simm.s32 $0x800;
	[sflag:s20] =	ssyncset.done $0x0  }
.LBB2_7:
0x41: {  	s10 =	sadd.s32 $0x13940, s31  }
0x42: {  	[sflag:s20] =	ssyncadd.s32 $0xFFFFC000;
	s12 =	smov.u32 s2;
	s13 =	sadd.s32 $0x400, s2  }
0x43: {  	[tilespmem:s24], [sflag:$0x2] =	stream.indirect.gather [hbm4b:s5+s22], $0x80, s10, s22, $0xb8;
	[tilespmem:$0x1D8C0] =	vst v63  }
0x44: {  	p2 =	sne.s32 s2, $0x3800;
	_ =	swait.ge [sflag:s25], $0x4000  }
0x45: {  	[sflag:s25] =	ssyncset.done $0x0  }
0x46: {  	s2 =	sadd.s32 $0x148C0, s31;
	[sflag:s25] =	ssyncadd.s32 $0xFFFFC000  }
0x47: {  	[spmem:s1] =	stream.indirect.scatter.add.f32 [tilespmem:s23], [sflag:$0x3], $0x80, s2, s22, $0xb8;
	[tilespmem:$0x1D8C0] =	vst v63  }
0x48: {  	_ =	swait.ge [sflag:s20], $0x4000  }
0x49: {  	[sflag:s20] =	ssyncset.done $0x0  }
0x4a: {  	s2 =	sadd.s32 $0x139C0, s31;
	[sflag:s20] =	ssyncadd.s32 $0xFFFFC000  }
0x4b: {  	[tilespmem:s23], [sflag:$0x1] =	stream.indirect.gather [hbm4b:s5+s22], $0x80, s2, s22, $0xb8;
	[tilespmem:$0x1D8C0] =	vst v63  }
0x4c: {  	_ =	swait.ge [sflag:s26], $0x4000  }
.Ltmp3:
0x4d: {  	[sflag:s26] =	ssyncset.done $0x0;
	(pc) =	sbr.rel @p2 .LBB2_7-.Ltmp3, $4  }
0x4e: {  	s2 =	sadd.s32 $0x14940, s31;
	[sflag:s26] =	ssyncadd.s32 $0xFFFFC000  }
0x4f: {  	[spmem:s1] =	stream.indirect.scatter.add.f32 [tilespmem:s24], [sflag:$0x3], $0x80, s2, s22, $0xb8;
	[tilespmem:$0x1D8C0] =	vst v63  }
0x50: {  	_ =	swait.ge [sflag:s20], $0x4000  }
0x51: {  	s31 =	sshra.s32 s12, $0x2;
	s2 =	smov.u32 s13;
	[sflag:s20] =	ssyncset.done $0x0  }
0x52: {  	s2 =	sadd.s32 $0x13940, s31;
	[sflag:s20] =	ssyncadd.s32 $0xFFFFC000  }
0x53: {  	[tilespmem:s24], [sflag:$0x2] =	stream.indirect.gather [hbm4b:s5+s22], $0x80, s2, s22, $0xb8;
	[tilespmem:$0x1D8C0] =	vst v63  }
0x54: {  	_ =	swait.ge [sflag:s25], $0x4000  }
0x55: {  	[sflag:s25] =	ssyncset.done $0x0  }
0x56: {  	s12 =	sadd.s32 $0x148C0, s31;
	[sflag:s25] =	ssyncadd.s32 $0xFFFFC000  }
0x57: {  	[spmem:s1] =	stream.indirect.scatter.add.f32 [tilespmem:s23], [sflag:$0x3], $0x80, s12, s22, $0xb8;
	[tilespmem:$0x1D8C0] =	vst v63  }
0x58: {  	_ =	swait.ge [sflag:s20], $0x4000  }
0x59: {  	[sflag:s20] =	ssyncset.done $0x0  }
0x5a: {  	s13 =	sadd.s32 $0x139C0, s31;
	[sflag:s20] =	ssyncadd.s32 $0xFFFFC000  }
0x5b: {  	[tilespmem:s23], [sflag:$0x1] =	stream.indirect.gather [hbm4b:s5+s22], $0x80, s13, s22, $0xb8;
	[tilespmem:$0x1D8C0] =	vst v63  }
0x5c: {  	_ =	swait.ge [sflag:s26], $0x4000  }
0x5d: {  	[sflag:s26] =	ssyncset.done $0x0  }
0x5e: {  	s31 =	sadd.s32 $0x14940, s31;
	[sflag:s26] =	ssyncadd.s32 $0xFFFFC000  }
0x5f: {  	[spmem:s1] =	stream.indirect.scatter.add.f32 [tilespmem:s24], [sflag:$0x3], $0x80, s31, s22, $0xb8;
	[tilespmem:$0x1D8C0] =	vst v63  }
0x60: {  	_ =	swait.ge [sflag:s20], $0x4000  }
0x61: {  	[sflag:s20] =	ssyncset.done $0x0  }
0x62: {  	[sflag:s20] =	ssyncadd.s32 $0xFFFFC000  }
0x63: {  	[tilespmem:s24], [sflag:$0x2] =	stream.indirect.gather [hbm4b:s5+s22], $0x80, s28, s22, $0xb8;
	[tilespmem:$0x1D8C0] =	vst v63  }
0x64: {  	_ =	swait.ge [sflag:s25], $0x4000  }
0x65: {  	[sflag:s25] =	ssyncset.done $0x0  }
0x66: {  	[sflag:s25] =	ssyncadd.s32 $0xFFFFC000  }
0x67: {  	[spmem:s1] =	stream.indirect.scatter.add.f32 [tilespmem:s23], [sflag:$0x3], $0x80, s29, s22, $0xb8;
	[tilespmem:$0x1D8C0] =	vst v63  }
0x68: {  	_ =	swait.ge [sflag:s20], $0x4000  }
0x69: {  	[sflag:s20] =	ssyncset.done $0x0  }
0x6a: {  	[sflag:s20] =	ssyncadd.s32 $0xFFFFC000  }
0x6b: {  	s0 =	sadd.s32 $0x1, s0;
	_ =	swait.ge [sflag:s26], $0x4000  }
0x6c: {  	p2 =	sne.s32 s0, $0x5;
	[sflag:s26] =	ssyncset.done $0x0  }
.Ltmp4:
0x6d: {  	[sflag:s26] =	ssyncadd.s32 $0xFFFFC000;
	(pc) =	sbr.rel @p2 .LBB2_6-.Ltmp4, $4  }
0x6e: {  	[spmem:s1] =	stream.indirect.scatter.add.f32 [tilespmem:s24], [sflag:$0x3], $0x80, s30, s22, $0xb8;
	[tilespmem:$0x1D8C0] =	vst v63  }
0x6f: {  	_ =	swait.ge [sflag:s20], $0x4000  }
0x70: {  	[sflag:s20] =	ssyncset.done $0x0  }
0x71: {  	[sflag:s20] =	ssyncadd.s32 $0xFFFFC000  }
0x72: {  	[bflag:$0x0] =	sbarrier.arrive $0xFFFF;
	s0 =	simm.s32 @p1 $0x1FC3  }
0x73: {  	[hbm:s14], [sflag:s0] =	dma.local @p1 [spmem:s16], $0x2080  }
0x74: {  	s0 =	simm.s32 @p1 $0x3  }
0x75: {  	_ =	swait.ge @p1 [sflag:s0], $0x2080  }
0x76: {  	[sflag:s0] =	ssyncset.done @p1 $0x0  }
0x77: {  	[sflag:s0] =	ssyncadd.s32 @p1 $0xFFFFDF80;
	s0 =	rddreg [dreg:$0x6]  }
0x78: {  	[hbm:s0], [sflag:s17] =	dma.local @!p1 [spmem:s18], $0x2780  }
.Ltmp5:
0x79: {  	_ = 	snop;
	(pc) =	sbr.rel .LBB2_10-.Ltmp5, $4  }
0x7a: {  	s0 =	simm.s32 @!p1 $0x3  }
0x7b: {  	_ =	swait.ge @!p1 [sflag:s0], $0x2780  }
0x7c: {  	[sflag:s0] =	ssyncset.done @!p1 $0x0  }
0x7d: {  	[sflag:s0] =	ssyncadd.s32 @!p1 $0xFFFFD880  }
.LBB2_2:
0x7e: {  	s0 =	sshll.u32 s31, $0xC  }
0x7f: {  	s0 =	sadd.s32 s11, s0  }
0x80: {  	s0 =	sshrl.u32 s0, $0x3  }
0x81: {  	s10 =	simm.s32 $0x0;
	s2 =	sadd.s32 s6, s0  }
0x82: {  	[tilespmem:s19], [sflag:$0x3] =	stream.linear.gather [hbm4b:s2+s10], $0x1000, $0x38;
	[tilespmem:$0x1D8C0] =	vst v63  }
0x83: {  	_ =	swait.ge [sflag:s20], $0x1000  }
0x84: {  	[sflag:s20] =	ssyncset.done $0x0  }
0x85: {  	s0 =	sadd.s32 s7, s0;
	[sflag:s20] =	ssyncadd.s32 $0xFFFFF000  }
0x86: {  	[tilespmem:s21], [sflag:$0x3] =	stream.linear.gather [hbm4b:s0+s10], $0x1000, $0x38;
	[tilespmem:$0x1D8C0] =	vst v63  }
0x87: {  	_ =	swait.ge [sflag:s20], $0x1000  }
0x88: {  	[sflag:s20] =	ssyncset.done $0x0  }
0x89: {  	[sflag:s20] =	ssyncadd.s32 $0xFFFFF000  }
0x8a: {  	[tilespmem:s23], [sflag:$0x1] =	stream.indirect.gather [hbm4b:s4+s22], $0x80, s19, s22, $0xb8;
	[tilespmem:$0x1D8C0] =	vst v63  }
0x8b: {  	s2 =	simm.s32 $0x13940  }
0x8c: {  	[tilespmem:s24], [sflag:$0x2] =	stream.indirect.gather [hbm4b:s4+s22], $0x80, s2, s22, $0xb8;
	[tilespmem:$0x1D8C0] =	vst v63  }
0x8d: {  	_ =	swait.ge [sflag:s25], $0x4000  }
0x8e: {  	[sflag:s25] =	ssyncset.done $0x0  }
0x8f: {  	s10 =	simm.s32 $0x148C0;
	[sflag:s25] =	ssyncadd.s32 $0xFFFFC000  }
0x90: {  	[spmem:s1] =	stream.indirect.scatter.add.f32 [tilespmem:s23], [sflag:$0x3], $0x80, s10, s22, $0xb8;
	[tilespmem:$0x1D8C0] =	vst v63  }
0x91: {  	_ =	swait.ge [sflag:s20], $0x4000  }
0x92: {  	[sflag:s20] =	ssyncset.done $0x0  }
0x93: {  	s12 =	simm.s32 $0x139C0;
	[sflag:s20] =	ssyncadd.s32 $0xFFFFC000  }
0x94: {  	[tilespmem:s23], [sflag:$0x1] =	stream.indirect.gather [hbm4b:s4+s22], $0x80, s12, s22, $0xb8;
	[tilespmem:$0x1D8C0] =	vst v63  }
0x95: {  	_ =	swait.ge [sflag:s26], $0x4000  }
0x96: {  	[sflag:s26] =	ssyncset.done $0x0  }
0x97: {  	s13 =	simm.s32 $0x14940;
	[sflag:s26] =	ssyncadd.s32 $0xFFFFC000  }
0x98: {  	[spmem:s1] =	stream.indirect.scatter.add.f32 [tilespmem:s24], [sflag:$0x3], $0x80, s13, s22, $0xb8;
	[tilespmem:$0x1D8C0] =	vst v63  }
0x99: {  	_ =	swait.ge [sflag:s20], $0x4000  }
0x9a: {  	s0 =	simm.s32 $0x100;
	s2 =	simm.s32 $0x800;
	[sflag:s20] =	ssyncset.done $0x0  }
.LBB2_3:
0x9b: {  	s10 =	sadd.s32 $0x13940, s0  }
0x9c: {  	[sflag:s20] =	ssyncadd.s32 $0xFFFFC000;
	s12 =	smov.u32 s2;
	s13 =	sadd.s32 $0x400, s2  }
0x9d: {  	[tilespmem:s24], [sflag:$0x2] =	stream.indirect.gather [hbm4b:s4+s22], $0x80, s10, s22, $0xb8;
	[tilespmem:$0x1D8C0] =	vst v63  }
0x9e: {  	p2 =	sne.s32 s2, $0x3800;
	_ =	swait.ge [sflag:s25], $0x4000  }
0x9f: {  	[sflag:s25] =	ssyncset.done $0x0  }
0xa0: {  	s2 =	sadd.s32 $0x148C0, s0;
	[sflag:s25] =	ssyncadd.s32 $0xFFFFC000  }
0xa1: {  	[spmem:s1] =	stream.indirect.scatter.add.f32 [tilespmem:s23], [sflag:$0x3], $0x80, s2, s22, $0xb8;
	[tilespmem:$0x1D8C0] =	vst v63  }
0xa2: {  	_ =	swait.ge [sflag:s20], $0x4000  }
0xa3: {  	[sflag:s20] =	ssyncset.done $0x0  }
0xa4: {  	s2 =	sadd.s32 $0x139C0, s0;
	[sflag:s20] =	ssyncadd.s32 $0xFFFFC000  }
0xa5: {  	[tilespmem:s23], [sflag:$0x1] =	stream.indirect.gather [hbm4b:s4+s22], $0x80, s2, s22, $0xb8;
	[tilespmem:$0x1D8C0] =	vst v63  }
0xa6: {  	_ =	swait.ge [sflag:s26], $0x4000  }
.Ltmp6:
0xa7: {  	[sflag:s26] =	ssyncset.done $0x0;
	(pc) =	sbr.rel @p2 .LBB2_3-.Ltmp6, $4  }
0xa8: {  	s0 =	sadd.s32 $0x14940, s0;
	[sflag:s26] =	ssyncadd.s32 $0xFFFFC000  }
0xa9: {  	[spmem:s1] =	stream.indirect.scatter.add.f32 [tilespmem:s24], [sflag:$0x3], $0x80, s0, s22, $0xb8;
	[tilespmem:$0x1D8C0] =	vst v63  }
0xaa: {  	_ =	swait.ge [sflag:s20], $0x4000  }
0xab: {  	s2 =	smov.u32 s13;
	s0 =	sshra.s32 s12, $0x2;
	[sflag:s20] =	ssyncset.done $0x0  }
0xac: {  	s2 =	sadd.s32 $0x13940, s0;
	[sflag:s20] =	ssyncadd.s32 $0xFFFFC000  }
0xad: {  	[tilespmem:s24], [sflag:$0x2] =	stream.indirect.gather [hbm4b:s4+s22], $0x80, s2, s22, $0xb8;
	[tilespmem:$0x1D8C0] =	vst v63  }
0xae: {  	_ =	swait.ge [sflag:s25], $0x4000  }
0xaf: {  	[sflag:s25] =	ssyncset.done $0x0  }
0xb0: {  	s10 =	sadd.s32 $0x148C0, s0;
	[sflag:s25] =	ssyncadd.s32 $0xFFFFC000  }
0xb1: {  	[spmem:s1] =	stream.indirect.scatter.add.f32 [tilespmem:s23], [sflag:$0x3], $0x80, s10, s22, $0xb8;
	[tilespmem:$0x1D8C0] =	vst v63  }
0xb2: {  	_ =	swait.ge [sflag:s20], $0x4000  }
0xb3: {  	[sflag:s20] =	ssyncset.done $0x0  }
0xb4: {  	s12 =	sadd.s32 $0x139C0, s0;
	[sflag:s20] =	ssyncadd.s32 $0xFFFFC000  }
0xb5: {  	[tilespmem:s23], [sflag:$0x1] =	stream.indirect.gather [hbm4b:s4+s22], $0x80, s12, s22, $0xb8;
	[tilespmem:$0x1D8C0] =	vst v63  }
0xb6: {  	_ =	swait.ge [sflag:s26], $0x4000  }
0xb7: {  	[sflag:s26] =	ssyncset.done $0x0  }
0xb8: {  	s13 =	sadd.s32 $0x14940, s0;
	[sflag:s26] =	ssyncadd.s32 $0xFFFFC000  }
0xb9: {  	[spmem:s1] =	stream.indirect.scatter.add.f32 [tilespmem:s24], [sflag:$0x3], $0x80, s13, s22, $0xb8;
	[tilespmem:$0x1D8C0] =	vst v63  }
0xba: {  	_ =	swait.ge [sflag:s20], $0x4000  }
0xbb: {  	[sflag:s20] =	ssyncset.done $0x0  }
0xbc: {  	[sflag:s20] =	ssyncadd.s32 $0xFFFFC000  }
0xbd: {  	[tilespmem:s24], [sflag:$0x2] =	stream.indirect.gather [hbm4b:s4+s22], $0x80, s28, s22, $0xb8;
	[tilespmem:$0x1D8C0] =	vst v63  }
0xbe: {  	_ =	swait.ge [sflag:s25], $0x4000  }
0xbf: {  	[sflag:s25] =	ssyncset.done $0x0  }
0xc0: {  	[sflag:s25] =	ssyncadd.s32 $0xFFFFC000  }
0xc1: {  	[spmem:s1] =	stream.indirect.scatter.add.f32 [tilespmem:s23], [sflag:$0x3], $0x80, s29, s22, $0xb8;
	[tilespmem:$0x1D8C0] =	vst v63  }
0xc2: {  	_ =	swait.ge [sflag:s20], $0x4000  }
0xc3: {  	[sflag:s20] =	ssyncset.done $0x0  }
0xc4: {  	[sflag:s20] =	ssyncadd.s32 $0xFFFFC000  }
0xc5: {  	s31 =	sadd.s32 $0x1, s31;
	_ =	swait.ge [sflag:s26], $0x4000  }
0xc6: {  	p2 =	sne.s32 s31, $0x5;
	[sflag:s26] =	ssyncset.done $0x0  }
.Ltmp7:
0xc7: {  	[sflag:s26] =	ssyncadd.s32 $0xFFFFC000;
	(pc) =	sbr.rel @p2 .LBB2_2-.Ltmp7, $4  }
0xc8: {  	[spmem:s1] =	stream.indirect.scatter.add.f32 [tilespmem:s24], [sflag:$0x3], $0x80, s30, s22, $0xb8;
	[tilespmem:$0x1D8C0] =	vst v63  }
0xc9: {  	_ =	swait.ge [sflag:s20], $0x4000  }
0xca: {  	[sflag:s20] =	ssyncset.done $0x0  }
0xcb: {  	[sflag:s20] =	ssyncadd.s32 $0xFFFFC000  }
0xcc: {  	[bflag:$0x0] =	sbarrier.arrive $0xFFFF  }
0xcd: {  	s0 =	simm.s32 @p1 $0x1FC3;
	s2 =	rddreg [dreg:$0x5]  }
0xce: {  	[hbm:s2], [sflag:s0] =	dma.local @p1 [spmem:s16], $0x2080  }
0xcf: {  	s0 =	simm.s32 @p1 $0x3  }
0xd0: {  	_ =	swait.ge @p1 [sflag:s0], $0x2080  }
0xd1: {  	[sflag:s0] =	ssyncset.done @p1 $0x0  }
0xd2: {  	[sflag:s0] =	ssyncadd.s32 @p1 $0xFFFFDF80;
	s0 =	rddreg [dreg:$0x4]  }
0xd3: {  	[hbm:s0], [sflag:s17] =	dma.local @!p1 [spmem:s18], $0x2780  }
.Ltmp8:
0xd4: {  	_ = 	snop;
	(pc) =	sbr.rel .LBB2_10-.Ltmp8, $4  }
0xd5: {  	s0 =	simm.s32 @!p1 $0x3  }
0xd6: {  	_ =	swait.ge @!p1 [sflag:s0], $0x2780  }
0xd7: {  	[sflag:s0] =	ssyncset.done @!p1 $0x0  }
0xd8: {  	[sflag:s0] =	ssyncadd.s32 @!p1 $0xFFFFD880  }
.LBB2_11:
0xd9: {  	_ =	sfence.sel $0x180000  }
0xda: {  	[bflag:$0x0] =	sbarrier.arrive $0xFFFF  }
0xdb: {  	_ =	strace $0x9000004A  }
0xdc: {  	s0 =	stileid.u32;
	[bflag:$0x2] =	sbarrier.arrive $0xFFFF  }
0xdd: {  	p0 =	sne.s32 s0, $0x0;
	s0 =	rddreg [dreg:$0x3]  }
0xde: {  	s0 =	sadd.s32 @!p0 $0x100000, s0  }
0xdf: {  	[sflag:s0] =	ssyncadd.tile.s32 @!p0 $0x1;
	_ =	shalt  }
.Lfunc_end2:
_tile_overlayer_lowered:
.L_overlay_start_2:
0xe0: {  	(tag) =	ssettag $0x2  }
0xe1: {  	s0 =	rddreg [dreg:$0x0];
	s2 =	stileid.u32  }
0xe2: {  	s1 =	rddreg [dreg:$0x1];
	p0 =	sne.s32 s2, $0x0  }
0xe3: {  	s3 =	rddreg [dreg:$0x2];
	[bflag:$0x3] =	sbarrier.arrive $0xFFFF;
	s2 =	simm.s32 @!p0 $0x1C03  }
0xe4: {  	[timem:s3], [sflag:s2] =	dma.local @!p0 [hbm:s0], s1  }
0xe5: {  	s0 =	simm.s32 @!p0 $0x3  }
0xe6: {  	_ =	swait.ge @!p0 [sflag:s0], s1  }
0xe7: {  	s1 =	ssub.s32 @!p0 $0x0, s1;
	[sflag:s0] =	ssyncset.done @!p0 $0x0  }
0xe8: {  	[sflag:s0] =	ssyncadd.s32 @!p0 s1  }
0xe9: {  	[bflag:$0x3] =	sbarrier.arrive $0xFFFF  }
0xea: {  	_ =	shalt  }

// kernel: kernel.7.cloned.1.call-start
scs
__scs_entry_jumppad:
0x0: {  	(pc) =	sbr.rel $0x88, $3  }
0x1: {  	(tag) =	ssettag $0x0;
	lr =	simm.s32 $0x1  }
0x2: {  	[smem:$0x3F96] =	sst lr;
	_ =	strace $0xD0000000  }
0x3: {  	_ = 	snop  }
0x4: {  	_ = 	snop  }
0x5: {  	_ = 	snop  }
0x6: {  	_ = 	snop  }
0x7: {  	_ = 	snop  }
__scs_overlays_trampoline_lowered:
0x8: {  	[smem:$0x3FA5] =	sst s0  }
0x9: {  	[smem:$0x3FA6] =	sst s1  }
0xa: {  	[smem:$0x3FA7] =	sst s2  }
0xb: {  	[smem:$0x3FA8] =	sst s3  }
0xc: {  	[smem:$0x3FA9] =	sst s4  }
0xd: {  	[smem:$0x3FAA] =	sst s5  }
0xe: {  	[smem:$0x3FAB] =	sst s6  }
0xf: {  	[smem:$0x3FAC] =	sst s7  }
0x10: {  	[smem:$0x3FAD] =	sst s8  }
0x11: {  	[smem:$0x3FAE] =	sst s9;
	s0 =	simm.s32 @!p0 $0x0  }
0x12: {  	s1 =	sld [smem:$0x3F94];
	s0 =	simm.s32 @p0 $0x1  }
0x13: {  	[smem:$0x3FAF] =	sst s0;
	s0 =	simm.s32 @!p1 $0x0  }
0x14: {  	s2 =	sld [smem:$0x3F93];
	s0 =	simm.s32 @p1 $0x1  }
0x15: {  	[smem:$0x3FB0] =	sst s0;
	s0 =	simm.s32 @!p2 $0x0  }
0x16: {  	s3 =	sld [smem:$0x3FDB];
	s0 =	simm.s32 @p2 $0x1  }
0x17: {  	s4 =	simm.s32 $0x1BF5;
	[smem:$0x3FB2] =	sst s0  }
0x18: {  	s0 =	sld [smem:$0x3F95];
	_ =	swait.ge [sflag:s4], $0x0  }
0x19: {  	s7 =	sld [smem:$0x3F96]  }
0x1a: {  	s8 =	sadd.s32 $0xFFFFE003, lr  }
0x1b: {  	s9 =	sadd.s32 $0xFFFFFEF7, lr;
	s5 =	simm.s32 $0xFFFFFFFF;
	p2 =	slt.u32 s8, $0xFFFFF086  }
0x1c: {  	p1 =	slt.u32 s9, $0xF7A;
	s5 =	simm.s32 @!p2 $0x0  }
0x1d: {  	s5 =	simm.s32 @p1 $0x1;
	p0 =	seq.s32 s7, s2  }
0x1e: {  	s7 =	smul.u32 @!p0 $0xF7A, s2;
	p2 =	seq.s32 @!p0 s5, $0x0  }
0x1f: {  	s9 =	smul.u32 $0xF7A, s1;
	s8 =	simm.s32 @!p0 $0x1BF5;
	p2 =	por !p2, p0  }
0x20: {  	[sflag:s8] =	ssyncset.s32 @!p0 $0xFFFFF086;
	s6 =	sadd.s32 @!p0 s3, s7;
	s7 =	simm.s32 @!p0 $0x108  }
0x21: {  	s3 =	sadd.s32 s3, s9;
	s6 =	sadd.s32 @!p0 $0x88, s6;
	s7 =	simm.s32 @p2 $0x1082  }
0x22: {  	[simem:s7], [sflag:s8] =	dma.local @!p0 [hbm:s6], $0xF7A  }
0x23: {  	s9 =	sor.u32 $0xD0000000, s2;
	s6 =	simm.s32 $0x108;
	_ =	swait.ge @!p0 [sflag:s8], $0x0  }
0x24: {  	s3 =	sadd.s32 $0x88, s3;
	s6 =	simm.s32 @!p1 $0x1082;
	[sflag:s4] =	ssyncset.s32 $0xFFFFF086  }
0x25: {  	[simem:s6], [sflag:s4] =	dma.local [hbm:s3], $0xF7A  }
0x26: {  	[smem:$0x3F96] =	sst s1;
	(tag) =	ssettag s2;
	_ =	strace s9  }
0x27: {  	s1 =	sld [smem:$0x3FA6]  }
0x28: {  	s2 =	sld [smem:$0x3FA7]  }
0x29: {  	s4 =	sld [smem:$0x3FA9]  }
0x2a: {  	p0 =	seq.s32 s5, $0x0;
	s5 =	sld [smem:$0x3FAA]  }
0x2b: {  	s6 =	sld [smem:$0x3FAB]  }
0x2c: {  	s7 =	sld [smem:$0x3FAC]  }
0x2d: {  	s3 =	simm.s32 $0x108;
	s8 =	sld [smem:$0x3FAD]  }
0x2e: {  	s3 =	simm.s32 @!p0 $0x1082;
	s9 =	sld [smem:$0x3FAE]  }
0x2f: {  	lr =	sadd.s32 s0, s3;
	s0 =	sld [smem:$0x3FA5]  }
0x30: {  	s3 =	sld [smem:$0x3FA8]  }
0x31: {  	[smem:$0x3FB1] =	sst s10  }
0x32: {  	s10 =	sld [smem:$0x3FAF];
	_ =	sdelay $0x3  }
0x33: {  	p0 =	seq.s32 s10, $0x1;
	s10 =	sld [smem:$0x3FB1];
	_ =	sdelay $0x3  }
0x34: {  	[smem:$0x3FB1] =	sst s10  }
0x35: {  	s10 =	sld [smem:$0x3FB0];
	_ =	sdelay $0x3  }
0x36: {  	p1 =	seq.s32 s10, $0x1;
	s10 =	sld [smem:$0x3FB1];
	_ =	sdelay $0x3  }
0x37: {  	[smem:$0x3FB1] =	sst s10  }
0x38: {  	s10 =	sld [smem:$0x3FB2]  }
0x39: {  	_ = 	snop;
	(pc) =	sbr.ind lr, $3  }
0x3a: {  	_ = 	snop  }
0x3b: {  	_ = 	snop  }
0x3c: {  	p2 =	seq.s32 s10, $0x1;
	s10 =	sld [smem:$0x3FB1]  }
0x3d: {  	_ =	shalt  }
0x3e: {  	_ =	shalt  }
0x3f: {  	_ =	shalt  }
0x40: {  	_ =	shalt  }
0x41: {  	_ =	shalt  }
0x42: {  	_ =	shalt  }
0x43: {  	_ =	shalt  }
0x44: {  	_ =	shalt  }
0x45: {  	_ =	shalt  }
0x46: {  	_ =	shalt  }
0x47: {  	_ =	shalt  }
0x48: {  	_ =	shalt  }
0x49: {  	_ =	shalt  }
0x4a: {  	_ =	shalt  }
0x4b: {  	_ =	shalt  }
0x4c: {  	_ =	shalt  }
0x4d: {  	_ =	shalt  }
0x4e: {  	_ =	shalt  }
0x4f: {  	_ =	shalt  }
0x50: {  	_ =	shalt  }
0x51: {  	_ =	shalt  }
0x52: {  	_ =	shalt  }
0x53: {  	_ =	shalt  }
0x54: {  	_ =	shalt  }
0x55: {  	_ =	shalt  }
0x56: {  	_ =	shalt  }
0x57: {  	_ =	shalt  }
0x58: {  	_ =	shalt  }
0x59: {  	_ =	shalt  }
0x5a: {  	_ =	shalt  }
0x5b: {  	_ =	shalt  }
0x5c: {  	_ =	shalt  }
0x5d: {  	_ =	shalt  }
0x5e: {  	_ =	shalt  }
0x5f: {  	_ =	shalt  }
0x60: {  	_ =	shalt  }
0x61: {  	_ =	shalt  }
0x62: {  	_ =	shalt  }
0x63: {  	_ =	shalt  }
0x64: {  	_ =	shalt  }
0x65: {  	_ =	shalt  }
0x66: {  	_ =	shalt  }
0x67: {  	_ =	shalt  }
0x68: {  	_ =	shalt  }
0x69: {  	_ =	shalt  }
0x6a: {  	_ =	shalt  }
0x6b: {  	_ =	shalt  }
0x6c: {  	_ =	shalt  }
0x6d: {  	_ =	shalt  }
0x6e: {  	_ =	shalt  }
0x6f: {  	_ =	shalt  }
0x70: {  	_ =	shalt  }
0x71: {  	_ =	shalt  }
0x72: {  	_ =	shalt  }
0x73: {  	_ =	shalt  }
0x74: {  	_ =	shalt  }
0x75: {  	_ =	shalt  }
0x76: {  	_ =	shalt  }
0x77: {  	_ =	shalt  }
0x78: {  	_ =	shalt  }
0x79: {  	_ =	shalt  }
0x7a: {  	_ =	shalt  }
0x7b: {  	_ =	shalt  }
0x7c: {  	_ =	shalt  }
0x7d: {  	_ =	shalt  }
0x7e: {  	_ =	shalt  }
0x7f: {  	_ =	shalt  }
0x80: {  	_ =	shalt  }
0x81: {  	_ =	shalt  }
0x82: {  	_ =	shalt  }
0x83: {  	_ =	shalt  }
0x84: {  	_ =	shalt  }
0x85: {  	_ =	shalt  }
0x86: {  	_ =	shalt  }
0x87: {  	_ =	shalt  }
.Lfunc_end0:
.L_simem_size_0:
called_computation_lowered:
.L_overlay_start_0:
0x88: {  	s2 =	sld [smem:$0x3FD9]  }
0x89: {  	s3 =	sld [smem:$0x3FFE];
	_ =	sdelay $0x1  }
0x8a: {  	s1 =	srdreg.scid  }
0x8b: {  	s0 =	sand.u32 $0x1, s1  }
0x8c: {  	s14 =	sshll.u32 s0, $0xA;
	s2 =	sadd.s32 s3, s2  }
0x8d: {  	s2 =	sadd.s32 s2, s14  }
0x8e: {  	[smem:$0x3FBD] =	sst s2  }
0x8f: {  	_ = 	snop  }
0x90: {  	s2 =	sld [smem:$0x3FD0];
	_ =	sdelay $0x2  }
0x91: {  	s15 =	simm.s32 $0xB;
	s4 =	simm.s32 $0x10  }
0x92: {  	[smem:s4], [sflag:s15] =	dma.local [hbm:s2], $0x1  }
0x93: {  	_ =	swait.eq [sflag:s15], $0x1  }
0x94: {  	[sflag:s15] =	ssyncset.done $0x0  }
0x95: {  	s16 =	sld [smem:$0x10];
	[sflag:s15] =	ssyncadd.s32 $0xFFFFFFFF  }
0x96: {  	s17 =	sld [smem:$0x11];
	(tm) =	ssettm $0x1  }
0x97: {  	s18 =	sld [smem:$0x3FFB];
	_ =	sdelay $0x3  }
0x98: {  	_ =	strace s18  }
0x99: {  	s4 =	sld [smem:$0x3FFC];
	_ =	sdelay $0x3  }
0x9a: {  	_ =	strace s4  }
0x9b: {  	s4 =	sld [smem:$0x3FFD];
	_ =	sdelay $0x3  }
0x9c: {  	_ =	strace s4  }
0x9d: {  	_ =	strace $0x8FFFFFFF  }
0x9e: {  	s19 =	sld [smem:$0x3FDB];
	_ =	sdelay $0x1  }
0x9f: {  	s5 =	simm.s32 $_scs_section_size  }
0xa0: {  	s6 =	simm.s32 $_size__tile_overlayer_lowered;
	s7 =	simm.s32 $_tile_overlayer_lowered  }
0xa1: {  	s22 =	simm.s32 $0x1BFF;
	s21 =	sshll.u32 s7, $0x1;
	s4 =	sadd.s32 s5, s19  }
0xa2: {  	s8 =	simm.s32 $0x0;
	s20 =	sshll.u32 s6, $0x1;
	s6 =	sadd.s32 s21, s4  }
0xa3: {  	[timem:s8], [sflag:s22] =	dma.local [hbm:s6], s20  }
0xa4: {  	_ =	swait.ge [sflag:s22], s20  }
0xa5: {  	s5 =	ssub.s32 $0x0, s20;
	[sflag:s22] =	ssyncset.done $0x0  }
0xa6: {  	[sflag:s22] =	ssyncadd.s32 s5;
	_ =	sdelay $0x1  }
0xa7: {  	s23 =	simm.s32 $0x1B8B  }
0xa8: {  	_ =	swait.ge [sflag:s23], $0x1  }
0xa9: {  	[sflag:s23] =	ssyncset.done $0x0  }
0xaa: {  	s25 =	simm.s32 $0x1B8E;
	s24 =	sld [smem:$0x3FFE];
	[sflag:s23] =	ssyncadd.s32 $0xFFFFFFFF  }
0xab: {  	s26 =	simm.s32 $execute0_lowered;
	[smem:$0x3FD2] =	sst s25  }
0xac: {  	s6 =	sshll.u32 s26, $0x1;
	_ =	strace $0x80000046;
	[dreg:$0x1] =	wrdreg $0xFFFFFFFF  }
0xad: {  	s28 =	simm.s32 $_size_execute0_lowered;
	s4 =	sadd.s32 s4, s6;
	[dreg:$0x0] =	wrdreg $0x0  }
0xae: {  	s6 =	sshll.u32 s28, $0x1;
	[dreg:$0x2] =	wrdreg s4  }
0xaf: {  	[dreg:$0x3] =	wrdreg s6  }
0xb0: {  	[dreg:$0x4] =	wrdreg $0xC0  }
0xb1: {  	_ =	task [dreg:s8], $0x5FFFF  }
0xb2: {  	[dreg:$0x1] =	wrdreg $0xFFFFFFFF  }
0xb3: {  	[dreg:$0x0] =	wrdreg $0x60  }
0xb4: {  	[dreg:$0x2] =	wrdreg s16  }
0xb5: {  	[dreg:$0x3] =	wrdreg s17  }
0xb6: {  	[dreg:$0x4] =	wrdreg s24  }
0xb7: {  	[dreg:$0x5] =	wrdreg $0x0  }
0xb8: {  	[dreg:$0x6] =	wrdreg $0x9  }
0xb9: {  	_ =	task.clear_ibuf [dreg:s8], $0x7FFFF;
	_ =	strace $0x90000046  }
0xba: {  	s29 =	simm.s32 $0x9;
	_ =	strace $0x80000048  }
0xbb: {  	_ =	swait.ge [sflag:s29], $0x1  }
0xbc: {  	[sflag:s29] =	ssyncadd.s32 $0xFFFFFFFF  }
0xbd: {  	_ =	strace $0x90000048  }
0xbe: {  	_ =	sfence  }
0xbf: {  	s30 =	sld [smem:$0x0];
	_ =	sdelay $0x2  }
0xc0: {  	s31 =	sshll.u32 s1, $0xD;
	s1 =	sshrl.u32 s1, $0x2  }
0xc1: {  	s3 =	sand.u32 $0x4000, s31;
	s1 =	sadd.s32 s1, s30  }
0xc2: {  	s0 =	sor.u32 s3, s0;
	s1 =	sshll.u32 s1, $0x11  }
0xc3: {  	s0 =	sor.u32 s1, s0  }
0xc4: {  	s0 =	sadd.s32 $0x8F2B, s0  }
0xc5: {  	[sflag:s0] =	ssyncadd.remote.s32 $0x1  }
0xc6: {  	_ =	sfence.sel $0xFFFF  }
0xc7: {  	[dreg:$0x0] =	wrdreg $0xFFFFFFFF;
	(pc) =	sbr.abs _section_cstart, $3  }
0xc8: {  	[dreg:$0x1] =	wrdreg $0xFFFFFFFF  }
0xc9: {  	_ =	task.clear_ibuf [dreg:s8], $0x2FFFF;
	_ =	strace $0x9FFFFFFF  }
0xca: {  	(tm) =	ssettm $0x7FFFFFFF  }
0xcb: {  	_ =	shalt  }
tec
execute0_lowered:
.L_overlay_start_1:
0x0: {  	(tag) =	ssettag $0x1  }
0x1: {  	s6 =	rddreg [dreg:$0x0]  }
0x2: {  	s7 =	rddreg [dreg:$0x1]  }
0x3: {  	s13 =	rddreg [dreg:$0x2]  }
0x4: {  	s2 =	rddreg [dreg:$0x3]  }
0x5: {  	s0 =	rddreg [dreg:$0x4]  }
0x6: {  	s1 =	stileid.u32;
	s4 =	srdreg.scid;
	s3 =	simm.s32 $0x0  }
0x7: {  	s16 =	simm.s32 $0x1;
	s17 =	simm.s32 $0x5278;
	s18 =	simm.s32 $0x80  }
0x8: {  	s19 =	simm.s32 $0x0;
	s5 =	smul.u32 $0x278, s1;
	s8 =	sand.u32 $0x1, s4  }
0x9: {  	[smem:$0x7FF] =	sst s3;
	s9 =	smul.u32 $0xA00, s1;
	p1 =	seq.s32 s1, $0xF  }
0xa: {  	s4 =	ssub.s32 $0x2, s8;
	_ =	strace $0x80000047;
	p0 =	seq.s32 s8, $0x1  }
0xb: {  	s10 =	sshrl.u32 s5, $0x3;
	s11 =	sshrl.u32 s4, $0x1;
	s12 =	sadd.s32 s9, s13  }
.Ltmp0:
0xc: {  	s5 =	sadd.s32 s5, s2;
	s7 =	sadd.s32 s7, s9;
	(pc) =	sbr.rel .LBB2_1-.Ltmp0, $4  }
0xd: {  	s14 =	sadd.s32 s10, s13;
	s15 =	ssub.s32 s4, s11;
	s4 =	sadd.s32 s6, s10  }
0xe: {  	s6 =	sadd.s32 $0x4A1, s6;
	s8 =	sadd.s32 $0xD600, s12;
	s10 =	sadd.s32 $0x2BAA1, s13  }
0xf: {  	s11 =	sadd.s32 $0x17600, s12;
	s13 =	sadd.s32 $0x2C0A1, s13;
	s9 =	sadd.s32 $0x2B600, s14  }
0x10: {  	s12 =	sadd.s32 $0x2BC00, s14;
	s14 =	smax.u32 s15, $0x1;
	s15 =	simm.s32 $0x278  }
.LBB2_7:
0x11: {  	[sflag:s16] =	ssyncset.done $0x0  }
0x12: {  	[sflag:s16] =	ssyncadd.s32 $0xFFFFFF80  }
0x13: {  	s20 =	simm.s32 @p1 $0xA278;
	s21 =	simm.s32 @p1 $0x1;
	[bflag:$0x0] =	sbarrier.arrive $0xFFFF  }
0x14: {  	[tilespmem:s20], [sflag:$0x1] =	stream.linear.gather @p1 [spmem:s5], $0x208, $0x38;
	[tilespmem:$0xA4F8] =	vst v63  }
0x15: {  	_ =	swait.ge @p1 [sflag:s21], $0x208  }
0x16: {  	[sflag:s21] =	ssyncset.done @p1 $0x0  }
0x17: {  	s22 =	simm.s32 @p1 $0x0;
	[sflag:s21] =	ssyncadd.s32 @p1 $0xFFFFFDF8  }
0x18: {  	[hbm4b:s13+s22] =	stream.linear.scatter @p1 [tilespmem:s20], [sflag:$0x1], $0x208, $0x38;
	[tilespmem:$0xA4F8] =	vst v63  }
0x19: {  	_ =	swait.ge @p1 [sflag:s21], $0x208  }
0x1a: {  	[sflag:s21] =	ssyncset.done @p1 $0x0  }
0x1b: {  	s20 =	simm.s32 @!p1 $0xA278;
	[sflag:s21] =	ssyncadd.s32 @p1 $0xFFFFFDF8;
	s21 =	simm.s32 @!p1 $0x1  }
0x1c: {  	[tilespmem:s20], [sflag:$0x1] =	stream.linear.gather @!p1 [spmem:s5], $0x278, $0x38;
	[tilespmem:$0xA4F8] =	vst v63  }
0x1d: {  	_ =	swait.ge @!p1 [sflag:s21], $0x278  }
0x1e: {  	[sflag:s21] =	ssyncset.done @!p1 $0x0  }
0x1f: {  	s22 =	simm.s32 @!p1 $0x0;
	[sflag:s21] =	ssyncadd.s32 @!p1 $0xFFFFFD88  }
0x20: {  	[hbm4b:s12+s22] =	stream.linear.scatter @!p1 [tilespmem:s20], [sflag:$0x1], $0x278, $0x38;
	[tilespmem:$0xA4F8] =	vst v63  }
0x21: {  	_ =	swait.ge @!p1 [sflag:s21], $0x278  }
0x22: {  	[sflag:s21] =	ssyncset.done @!p1 $0x0  }
0x23: {  	[sflag:s21] =	ssyncadd.s32 @!p1 $0xFFFFFD88  }
.LBB2_8:
0x24: {  	s19 =	sadd.s32 $0x1, s19  }
0x25: {  	p2 =	sne.s32 s19, s14  }
.Ltmp1:
0x26: {  	_ = 	snop;
	(pc) =	sbr.rel @!p2 .LBB2_9-.Ltmp1, $1  }
0x27: {  	_ =	sdelay $0x3  }
.LBB2_1:
0x28: {  	s20 =	simm.s32 @p1 $0x0;
	s21 =	simm.s32 @p1 $0xA278  }
0x29: {  	[tilespmem:s21], [sflag:$0x1] =	stream.linear.gather @p1 [hbm4b:s6+s20], $0x208, $0x38;
	[tilespmem:$0xA4F8] =	vst v63  }
0x2a: {  	s20 =	simm.s32 @p1 $0x1  }
0x2b: {  	_ =	swait.ge @p1 [sflag:s20], $0x208  }
0x2c: {  	[sflag:s20] =	ssyncset.done @p1 $0x0  }
0x2d: {  	[sflag:s20] =	ssyncadd.s32 @p1 $0xFFFFFDF8  }
0x2e: {  	[spmem:s5] =	stream.linear.scatter @p1 [tilespmem:s21], [sflag:$0x1], $0x208, $0x38;
	[tilespmem:$0xA4F8] =	vst v63  }
0x2f: {  	_ =	swait.ge @p1 [sflag:s20], $0x208  }
0x30: {  	[sflag:s20] =	ssyncset.done @p1 $0x0  }
0x31: {  	s21 =	simm.s32 @!p1 $0xA278;
	[sflag:s20] =	ssyncadd.s32 @p1 $0xFFFFFDF8;
	s20 =	simm.s32 @!p1 $0x0  }
0x32: {  	[tilespmem:s21], [sflag:$0x1] =	stream.linear.gather @!p1 [hbm4b:s4+s20], $0x278, $0x38;
	[tilespmem:$0xA4F8] =	vst v63  }
0x33: {  	s20 =	simm.s32 @!p1 $0x1  }
0x34: {  	_ =	swait.ge @!p1 [sflag:s20], $0x278  }
0x35: {  	[sflag:s20] =	ssyncset.done @!p1 $0x0  }
0x36: {  	[sflag:s20] =	ssyncadd.s32 @!p1 $0xFFFFFD88  }
0x37: {  	[spmem:s5] =	stream.linear.scatter @!p1 [tilespmem:s21], [sflag:$0x1], $0x278, $0x38;
	[tilespmem:$0xA4F8] =	vst v63  }
0x38: {  	_ =	swait.ge @!p1 [sflag:s20], $0x278  }
0x39: {  	[sflag:s20] =	ssyncset.done @!p1 $0x0  }
.Ltmp2:
0x3a: {  	[sflag:s20] =	ssyncadd.s32 @!p1 $0xFFFFFD88;
	(pc) =	sbr.rel @!p0 .LBB2_2-.Ltmp2, $4  }
0x3b: {  	[tilespmem:s15], [sflag:$0x1] =	stream.linear.gather [hbm4b:s7+s3], $0x5000, $0x38;
	[tilespmem:$0xA4F8] =	vst v63  }
0x3c: {  	_ =	swait.ge [sflag:s16], $0x5000  }
0x3d: {  	[sflag:s16] =	ssyncset.done $0x0  }
0x3e: {  	s20 =	simm.s32 $0x0;
	[sflag:s16] =	ssyncadd.s32 $0xFFFFB000  }
0x3f: {  	[tilespmem:s17], [sflag:$0x1] =	stream.linear.gather [hbm4b:s11+s20], $0x5000, $0x38;
	[tilespmem:$0xA4F8] =	vst v63  }
0x40: {  	_ =	swait.ge [sflag:s16], $0x5000  }
0x41: {  	[sflag:s16] =	ssyncset.done $0x0  }
0x42: {  	[sflag:s16] =	ssyncadd.s32 $0xFFFFB000  }
0x43: {  	s31 =	simm.s32 $0x278;
	s21 =	simm.s32 $0x5278;
	[bflag:$0x0] =	sbarrier.arrive $0xFFFF  }
0x44: {  	[spmem:s2] =	stream.indirect.scatter.add.f32 [tilespmem:s31], [sflag:$0x1], $0x1, s21, s18, $0xb8;
	[tilespmem:$0xA4F8] =	vst v63  }
0x45: {  	s20 =	simm.s32 $0x200;
	_ =	swait.ge [sflag:s16], $0x80  }
.LBB2_6:
0x46: {  	s21 =	sshra.s32 s20, $0x2  }
0x47: {  	[sflag:s16] =	ssyncset.done $0x0;
	p2 =	sne.s32 s20, $0x13E00;
	s22 =	sadd.s32 $0x278, s21  }
.Ltmp3:
0x48: {  	s21 =	sadd.s32 $0x5278, s21;
	[sflag:s16] =	ssyncadd.s32 $0xFFFFFF80;
	(pc) =	sbr.rel @p2 .LBB2_6-.Ltmp3, $3  }
0x49: {  	[spmem:s2] =	stream.indirect.scatter.add.f32 [tilespmem:s22], [sflag:$0x1], $0x1, s21, s18, $0xb8;
	[tilespmem:$0xA4F8] =	vst v63  }
0x4a: {  	s20 =	sadd.s32 $0x200, s20;
	_ =	sdelay $0x1  }
0x4b: {  	_ =	swait.ge [sflag:s16], $0x80  }
.Ltmp4:
0x4c: {  	_ = 	snop;
	(pc) =	sbr.rel .LBB2_7-.Ltmp4, $1  }
0x4d: {  	_ =	sdelay $0x3  }
.LBB2_2:
0x4e: {  	[tilespmem:s17], [sflag:$0x1] =	stream.linear.gather [hbm4b:s8+s20], $0x5000, $0x38;
	[tilespmem:$0xA4F8] =	vst v63  }
0x4f: {  	_ =	swait.ge [sflag:s16], $0x5000  }
0x50: {  	[sflag:s16] =	ssyncset.done $0x0  }
0x51: {  	[sflag:s16] =	ssyncadd.s32 $0xFFFFB000  }
0x52: {  	s31 =	simm.s32 $0x278;
	s21 =	simm.s32 $0x5278;
	[bflag:$0x0] =	sbarrier.arrive $0xFFFF  }
0x53: {  	[spmem:s2] =	stream.indirect.scatter.add.f32 [tilespmem:s31], [sflag:$0x1], $0x1, s21, s18, $0xb8;
	[tilespmem:$0xA4F8] =	vst v63  }
0x54: {  	s20 =	simm.s32 $0x200;
	_ =	swait.ge [sflag:s16], $0x80  }
.LBB2_3:
0x55: {  	s21 =	sshra.s32 s20, $0x2  }
0x56: {  	[sflag:s16] =	ssyncset.done $0x0;
	p2 =	sne.s32 s20, $0x13E00;
	s22 =	sadd.s32 $0x278, s21  }
.Ltmp5:
0x57: {  	s21 =	sadd.s32 $0x5278, s21;
	[sflag:s16] =	ssyncadd.s32 $0xFFFFFF80;
	(pc) =	sbr.rel @p2 .LBB2_3-.Ltmp5, $3  }
0x58: {  	[spmem:s2] =	stream.indirect.scatter.add.f32 [tilespmem:s22], [sflag:$0x1], $0x1, s21, s18, $0xb8;
	[tilespmem:$0xA4F8] =	vst v63  }
0x59: {  	s20 =	sadd.s32 $0x200, s20;
	_ =	sdelay $0x1  }
0x5a: {  	_ =	swait.ge [sflag:s16], $0x80  }
0x5b: {  	[sflag:s16] =	ssyncset.done $0x0  }
0x5c: {  	[sflag:s16] =	ssyncadd.s32 $0xFFFFFF80  }
0x5d: {  	s20 =	simm.s32 @p1 $0xA278;
	s21 =	simm.s32 @p1 $0x1;
	[bflag:$0x0] =	sbarrier.arrive $0xFFFF  }
0x5e: {  	[tilespmem:s20], [sflag:$0x1] =	stream.linear.gather @p1 [spmem:s5], $0x208, $0x38;
	[tilespmem:$0xA4F8] =	vst v63  }
0x5f: {  	_ =	swait.ge @p1 [sflag:s21], $0x208  }
0x60: {  	[sflag:s21] =	ssyncset.done @p1 $0x0  }
0x61: {  	s22 =	simm.s32 @p1 $0x0;
	[sflag:s21] =	ssyncadd.s32 @p1 $0xFFFFFDF8  }
0x62: {  	[hbm4b:s10+s22] =	stream.linear.scatter @p1 [tilespmem:s20], [sflag:$0x1], $0x208, $0x38;
	[tilespmem:$0xA4F8] =	vst v63  }
0x63: {  	_ =	swait.ge @p1 [sflag:s21], $0x208  }
0x64: {  	[sflag:s21] =	ssyncset.done @p1 $0x0  }
0x65: {  	s20 =	simm.s32 @!p1 $0xA278;
	[sflag:s21] =	ssyncadd.s32 @p1 $0xFFFFFDF8;
	s21 =	simm.s32 @!p1 $0x1  }
0x66: {  	[tilespmem:s20], [sflag:$0x1] =	stream.linear.gather @!p1 [spmem:s5], $0x278, $0x38;
	[tilespmem:$0xA4F8] =	vst v63  }
0x67: {  	_ =	swait.ge @!p1 [sflag:s21], $0x278  }
0x68: {  	[sflag:s21] =	ssyncset.done @!p1 $0x0  }
.Ltmp6:
0x69: {  	s22 =	simm.s32 @!p1 $0x0;
	[sflag:s21] =	ssyncadd.s32 @!p1 $0xFFFFFD88;
	(pc) =	sbr.rel .LBB2_8-.Ltmp6, $4  }
0x6a: {  	[hbm4b:s9+s22] =	stream.linear.scatter @!p1 [tilespmem:s20], [sflag:$0x1], $0x278, $0x38;
	[tilespmem:$0xA4F8] =	vst v63  }
0x6b: {  	_ =	swait.ge @!p1 [sflag:s21], $0x278  }
0x6c: {  	[sflag:s21] =	ssyncset.done @!p1 $0x0  }
0x6d: {  	[sflag:s21] =	ssyncadd.s32 @!p1 $0xFFFFFD88  }
.LBB2_9:
0x6e: {  	_ =	sfence.sel $0x180000  }
0x6f: {  	[bflag:$0x0] =	sbarrier.arrive $0xFFFF  }
0x70: {  	p0 =	sne.s32 s1, $0x0;
	_ =	strace $0x90000047  }
0x71: {  	s0 =	sadd.s32 @!p0 $0x100000, s0;
	[bflag:$0x2] =	sbarrier.arrive $0xFFFF  }
0x72: {  	[sflag:s0] =	ssyncadd.tile.s32 @!p0 $0x1;
	_ =	shalt  }
.Lfunc_end2:
_tile_overlayer_lowered:
.L_overlay_start_2:
0x73: {  	(tag) =	ssettag $0x2  }
0x74: {  	s0 =	rddreg [dreg:$0x0];
	s2 =	stileid.u32  }
0x75: {  	s1 =	rddreg [dreg:$0x1];
	p0 =	sne.s32 s2, $0x0  }
0x76: {  	s3 =	rddreg [dreg:$0x2];
	[bflag:$0x3] =	sbarrier.arrive $0xFFFF;
	s2 =	simm.s32 @!p0 $0x1C01  }
0x77: {  	[timem:s3], [sflag:s2] =	dma.local @!p0 [hbm:s0], s1  }
0x78: {  	s0 =	simm.s32 @!p0 $0x1  }
0x79: {  	_ =	swait.ge @!p0 [sflag:s0], s1  }
0x7a: {  	s1 =	ssub.s32 @!p0 $0x0, s1;
	[sflag:s0] =	ssyncset.done @!p0 $0x0  }
0x7b: {  	[sflag:s0] =	ssyncadd.s32 @!p0 s1  }
0x7c: {  	[bflag:$0x3] =	sbarrier.arrive $0xFFFF  }
0x7d: {  	_ =	shalt  }

</sc_bundles>
